<compile_context>
chip_gen: v7x
topology: tpu7x:2x2x1
jax: 0.10.2.dev20260603
libtpu: 0.0.44.dev20260713+nightly
codegen_flags: <defaults>
</compile_context>

<pallas_src>
import jax
import jax.numpy as jnp
from jax import lax
from jax.experimental import pallas as pl
from jax.experimental.pallas import tpu as pltpu
from jax.experimental.pallas import tpu_sc as plsc

N = 10000
NPAD = 10240
E = 320000
D = 128
DH = 64

NC = 2
NS = 16
L = 16

CH = 128
CPT = 160
NCHUNK = NS * CPT
EPAD = NCHUNK * CH
NST = NPAD // NS
CPT_DEG = NCHUNK // (NC * NS)
CG = 8



def _deg_body(row_hbm, deg_hbm, sh_deg, ridx, zvec1, ones):
    c = lax.axis_index("c")
    s = lax.axis_index("s")
    r0 = s * NST
    k0 = (c * NS + s) * CPT_DEG

    zv = jnp.zeros((L,), jnp.float32)
    for k in range(NST // L):
        zvec1[pl.ds(k * L, L)] = zv
    ov = jnp.full((L,), 1.0, jnp.float32)
    for k in range(CH // L):
        ones[pl.ds(k * L, L)] = ov
    pltpu.sync_copy(zvec1, sh_deg.at[pl.ds(r0, NST)])
    pltpu.sync_copy(row_hbm.at[pl.ds(k0, CPT_DEG)], ridx)

    plsc.subcore_barrier()

    @pl.loop(0, CPT_DEG)
    def _deg(k):
        pltpu.sync_copy(ones, sh_deg.at[ridx.at[k]], add=True)

    plsc.subcore_barrier()

    pltpu.sync_copy(sh_deg.at[pl.ds(r0, NST)],
                    deg_hbm.at[pl.ds(c * NPAD + r0, NST)])


def _deg_stage(row2d):
    mesh = plsc.VectorSubcoreMesh(core_axis_name="c", subcore_axis_name="s",
                                  num_cores=NC, num_subcores=NS)
    return pl.kernel(
        _deg_body,
        out_type=jax.ShapeDtypeStruct((NC * NPAD,), jnp.float32),
        mesh=mesh,
        compiler_params=pltpu.CompilerParams(use_tc_tiling_on_sc=False),
        scratch_types=[
            pltpu.VMEM_SHARED((NPAD,), jnp.float32),
            pltpu.VMEM((CPT_DEG, CH), jnp.int32),
            pltpu.VMEM((NST,), jnp.float32),
            pltpu.VMEM((CH,), jnp.float32),
        ],
    )(row2d)



def _dense_body(x_ref, d0_ref, d1_ref, th_ref, wt_ref, bt_ref, wh_ref,
                h0_ref, h1_ref, gn_ref, base_ref):
    xb = x_ref[...]
    norm = lax.rsqrt(d0_ref[...] + d1_ref[...] + 1e-6)
    h = jnp.dot(xb, th_ref[...], preferred_element_type=jnp.float32) * norm
    h0_ref[...] = h[:, :DH]
    h1_ref[...] = h[:, DH:]
    t = jnp.dot(xb, wt_ref[...], preferred_element_type=jnp.float32) + bt_ref[...]
    g = jax.nn.sigmoid(t)
    gn_ref[...] = g * norm
    base_ref[...] = (1.0 - g) * jnp.dot(xb, wh_ref[...], preferred_element_type=jnp.float32)


def _dense_stage(xp, d0, d1, theta, W_t, b_t, W_h):
    bn = 256
    grid = (NPAD // bn,)
    return pl.pallas_call(
        _dense_body,
        grid=grid,
        in_specs=[
            pl.BlockSpec((bn, D), lambda i: (i, 0)),
            pl.BlockSpec((bn, 1), lambda i: (i, 0)),
            pl.BlockSpec((bn, 1), lambda i: (i, 0)),
            pl.BlockSpec((D, D), lambda i: (0, 0)),
            pl.BlockSpec((D, D), lambda i: (0, 0)),
            pl.BlockSpec((1, D), lambda i: (0, 0)),
            pl.BlockSpec((D, D), lambda i: (0, 0)),
        ],
        out_specs=[
            pl.BlockSpec((bn, DH), lambda i: (i, 0)),
            pl.BlockSpec((bn, DH), lambda i: (i, 0)),
            pl.BlockSpec((bn, D), lambda i: (i, 0)),
            pl.BlockSpec((bn, D), lambda i: (i, 0)),
        ],
        out_shape=[
            jax.ShapeDtypeStruct((NPAD, DH), jnp.float32),
            jax.ShapeDtypeStruct((NPAD, DH), jnp.float32),
            jax.ShapeDtypeStruct((NPAD, D), jnp.float32),
            jax.ShapeDtypeStruct((NPAD, D), jnp.float32),
        ],
    )(xp, d0, d1, theta, W_t, b_t.reshape(1, D), W_h)



def _agg_body(row_hbm, col_hbm, h0_hbm, h1_hbm, agg_hbm,
              sh_h, sh_agg, gbuf, ridxb, cidxb, zvec2):
    c = lax.axis_index("c")
    s = lax.axis_index("s")
    r0 = s * NST
    k0 = s * CPT

    zv = jnp.zeros((L,), jnp.float32)
    for r in range(L):
        for f in range(DH // L):
            zvec2[r, pl.ds(f * L, L)] = zv
    for k in range(NST // L):
        pltpu.sync_copy(zvec2, sh_agg.at[pl.ds(r0 + k * L, L)])

    @pl.when(c == 0)
    def _():
        pltpu.sync_copy(h0_hbm.at[pl.ds(r0, NST)], sh_h.at[pl.ds(r0, NST)])

    @pl.when(c == 1)
    def _():
        pltpu.sync_copy(h1_hbm.at[pl.ds(r0, NST)], sh_h.at[pl.ds(r0, NST)])

    plsc.subcore_barrier()

    @pl.loop(0, CPT // CG)
    def _grp(g):
        pltpu.sync_copy(row_hbm.at[pl.ds(k0 + g * CG, CG)], ridxb)
        pltpu.sync_copy(col_hbm.at[pl.ds(k0 + g * CG, CG)], cidxb)
        for j in range(CG):
            pltpu.sync_copy(sh_h.at[cidxb.at[j]], gbuf)
            pltpu.sync_copy(gbuf, sh_agg.at[ridxb.at[j]], add=True)

    plsc.subcore_barrier()

    pltpu.sync_copy(sh_agg.at[pl.ds(r0, NST)],
                    agg_hbm.at[pl.ds(c * NPAD + r0, NST)])


def _agg_stage(row2d, col2d, h0, h1):
    mesh = plsc.VectorSubcoreMesh(core_axis_name="c", subcore_axis_name="s",
                                  num_cores=NC, num_subcores=NS)
    return pl.kernel(
        _agg_body,
        out_type=jax.ShapeDtypeStruct((NC * NPAD, DH), jnp.float32),
        mesh=mesh,
        compiler_params=pltpu.CompilerParams(use_tc_tiling_on_sc=False),
        scratch_types=[
            pltpu.VMEM_SHARED((NPAD, DH), jnp.float32),
            pltpu.VMEM_SHARED((NPAD, DH), jnp.float32),
            pltpu.VMEM((CH, DH), jnp.float32),
            pltpu.VMEM((CG, CH), jnp.int32),
            pltpu.VMEM((CG, CH), jnp.int32),
            pltpu.VMEM((L, DH), jnp.float32),
        ],
    )(row2d, col2d, h0, h1)



def _final_body(a0_ref, a1_ref, gn_ref, base_ref, out_ref):
    agg = jnp.concatenate([a0_ref[...], a1_ref[...]], axis=1)
    out_ref[...] = jnp.maximum(gn_ref[...] * agg + base_ref[...], 0.0)


def _final_stage(a0, a1, gn, base):
    bn = 256
    grid = (NPAD // bn,)
    return pl.pallas_call(
        _final_body,
        grid=grid,
        in_specs=[
            pl.BlockSpec((bn, DH), lambda i: (i, 0)),
            pl.BlockSpec((bn, DH), lambda i: (i, 0)),
            pl.BlockSpec((bn, D), lambda i: (i, 0)),
            pl.BlockSpec((bn, D), lambda i: (i, 0)),
        ],
        out_specs=pl.BlockSpec((bn, D), lambda i: (i, 0)),
        out_shape=jax.ShapeDtypeStruct((NPAD, D), jnp.float32),
    )(a0, a1, gn, base)



@jax.jit
def kernel(x, edge_index, W_t, b_t, W_h, theta):
    xp = jnp.pad(x[0], ((0, NPAD - N), (0, 0)))
    row = edge_index[0].astype(jnp.int32)
    col = edge_index[1].astype(jnp.int32)
    npad_e = EPAD - E
    rowp = jnp.concatenate(
        [row, N + (jnp.arange(npad_e, dtype=jnp.int32) % (NPAD - N))])
    colp = jnp.concatenate(
        [col, jnp.arange(npad_e, dtype=jnp.int32) % N])
    row2d = rowp.reshape(NCHUNK, CH)
    col2d = colp.reshape(NCHUNK, CH)

    deg = _deg_stage(row2d)
    d0 = deg[:NPAD].reshape(NPAD, 1)
    d1 = deg[NPAD:].reshape(NPAD, 1)
    h0, h1, gn, base = _dense_stage(xp, d0, d1, theta, W_t, b_t, W_h)
    agg2 = _agg_stage(row2d, col2d, h0, h1)
    out = _final_stage(agg2[:NPAD], agg2[NPAD:], gn, base)
    return out[:N][None]

# --- scband reference (transcript-rebuilt; emitter-appended) ---
"""Pipeline reference for scband-ghconv-29008209117473 (READ-ONLY COPY).

The authoritative reference and input builder live on the scoring server;
editing this copy changes nothing except your own understanding.
"""

import jax, jax.numpy as jnp
import numpy as np

N_NODES = 10000
N_EDGES = 320000
HIDDEN = 128


def setup_inputs(seed: int = 0) -> dict:
    key = jax.random.key(seed)
    ks = jax.random.split(key, 8)
    x = jax.random.normal(ks[0], (1, N_NODES, HIDDEN), dtype=jnp.float32)
    edge_index = jax.random.randint(ks[1], (2, N_EDGES), 0, N_NODES)
    # learned parameters, mimicking keras 'random_normal' initializer (stddev=0.05)
    W_t = jax.random.normal(ks[2], (HIDDEN, HIDDEN), dtype=jnp.float32) * 0.05
    b_t = jax.random.normal(ks[3], (HIDDEN,), dtype=jnp.float32) * 0.05
    W_h = jax.random.normal(ks[4], (HIDDEN, HIDDEN), dtype=jnp.float32) * 0.05
    theta = jax.random.normal(ks[5], (HIDDEN, HIDDEN), dtype=jnp.float32) * 0.05
    return {"x": x, "edge_index": edge_index, "W_t": W_t, "b_t": b_t, "W_h": W_h, "theta": theta}


def reference(x, edge_index, W_t, b_t, W_h, theta):
    # x: [B=1, N, d]; adjacency is sparse with value 1.0 at (row, col) per edge,
    # shared across the (single) batch element.
    B, N, d = x.shape
    row = edge_index[0]
    col = edge_index[1]
    # in_degrees = tf.sparse.reduce_sum(adj, axis=-1): per-row sum of edge values (all 1.0)
    in_degrees = jnp.zeros((N,), dtype=x.dtype).at[row].add(1.0)
    in_degrees = jnp.broadcast_to(in_degrees[None, :], (B, N))
    norm = jnp.power(in_degrees + 1e-06, -0.5)[..., None]  # [B, N, 1]
    f_hom = jnp.matmul(x, theta)                           # [B, N, d]
    h = f_hom * norm
    # sparse @ dense per batch: out[b, i] = sum_{(i,j) in E} h[b, j]
    agg = jnp.zeros_like(h).at[:, row, :].add(h[:, col, :])
    f_hom = agg * norm
    f_het = jnp.matmul(x, W_h)
    gate = jax.nn.sigmoid(jnp.matmul(x, W_t) + b_t)
    out = gate * f_hom + (1.0 - gate) * f_het
    return jax.nn.relu(out)

if __name__ == "__main__":
    import jax
    _d = setup_inputs()
    print(jax.jit(kernel)(*tuple(_d.values())))

</pallas_src>

<mosaic_0001>
#map = affine_map<(d0, d1) -> (0, 0)>
#map1 = affine_map<(d0, d1) -> (0)>
module attributes {stable_mosaic.version = 14 : i64} {
  func.func @_deg_body(%arg0: i32, %arg1: i32, %arg2: memref<2560x128xi32, #tpu.memory_space<hbm>>, %arg3: memref<20480xf32, #tpu.memory_space<hbm>>, %arg4: memref<10240xf32, #tpu.memory_space<vmem_shared>>, %arg5: memref<80x128xi32, #tpu.memory_space<vmem>>, %arg6: memref<640xf32, #tpu.memory_space<vmem>>, %arg7: memref<128xf32, #tpu.memory_space<vmem>>) attributes {dimension_semantics = [#tpu.dimension_semantics<core_parallel>, #tpu.dimension_semantics<subcore_parallel>], iteration_bounds = array<i64: 2, 16>, scalar_prefetch = 0 : i64, scratch_operands = 4 : i64, tpu.core_type = #tpu.core_type<sc_vector_subcore>, window_params = [{transform_indices = #map}, {transform_indices = #map1}]} {
    %mul3A = arith.constant 640 : i32
    %mul3A_0 = arith.muli %arg1, %mul3A : i32
    %mul3A_1 = arith.constant 16 : i32
    %mul3A_2 = arith.muli %arg0, %mul3A_1 : i32
    %add3A = arith.addi %mul3A_2, %arg1 : i32
    %mul3A_3 = arith.constant 80 : i32
    %mul3A_4 = arith.muli %add3A, %mul3A_3 : i32
    %broadcast_in_dim3A = arith.constant 0.000000e+00 : f32
    %broadcast_in_dim3A_5 = vector.broadcast %broadcast_in_dim3A : f32 to vector<16xf32>
    %swap3A = arith.constant 0 : index
    %swap3A_6 = tpu.vector_load %arg6[%swap3A] {strides = array<i32>} : memref<640xf32, #tpu.memory_space<vmem>>, vector<16xf32>,
    %swap3A_7 = vector.shape_cast %swap3A_6 : vector<16xf32> to vector<16xf32>
    %swap3A_8 = vector.shape_cast %broadcast_in_dim3A_5 : vector<16xf32> to vector<16xf32>
    tpu.vector_store %arg6[%swap3A], %swap3A_8 {strides = array<i32>} : memref<640xf32, #tpu.memory_space<vmem>>, vector<16xf32>,
    %swap3A_9 = arith.constant 16 : index
    %swap3A_10 = tpu.vector_load %arg6[%swap3A_9] {strides = array<i32>} : memref<640xf32, #tpu.memory_space<vmem>>, vector<16xf32>,
    %swap3A_11 = vector.shape_cast %swap3A_10 : vector<16xf32> to vector<16xf32>
    %swap3A_12 = vector.shape_cast %broadcast_in_dim3A_5 : vector<16xf32> to vector<16xf32>
    tpu.vector_store %arg6[%swap3A_9], %swap3A_12 {strides = array<i32>} : memref<640xf32, #tpu.memory_space<vmem>>, vector<16xf32>,
    %swap3A_13 = arith.constant 32 : index
    %swap3A_14 = tpu.vector_load %arg6[%swap3A_13] {strides = array<i32>} : memref<640xf32, #tpu.memory_space<vmem>>, vector<16xf32>,
    %swap3A_15 = vector.shape_cast %swap3A_14 : vector<16xf32> to vector<16xf32>
    %swap3A_16 = vector.shape_cast %broadcast_in_dim3A_5 : vector<16xf32> to vector<16xf32>
    tpu.vector_store %arg6[%swap3A_13], %swap3A_16 {strides = array<i32>} : memref<640xf32, #tpu.memory_space<vmem>>, vector<16xf32>,
    %swap3A_17 = arith.constant 48 : index
    %swap3A_18 = tpu.vector_load %arg6[%swap3A_17] {strides = array<i32>} : memref<640xf32, #tpu.memory_space<vmem>>, vector<16xf32>,
    %swap3A_19 = vector.shape_cast %swap3A_18 : vector<16xf32> to vector<16xf32>
    %swap3A_20 = vector.shape_cast %broadcast_in_dim3A_5 : vector<16xf32> to vector<16xf32>
    tpu.vector_store %arg6[%swap3A_17], %swap3A_20 {strides = array<i32>} : memref<640xf32, #tpu.memory_space<vmem>>, vector<16xf32>,
    %swap3A_21 = arith.constant 64 : index
    %swap3A_22 = tpu.vector_load %arg6[%swap3A_21] {strides = array<i32>} : memref<640xf32, #tpu.memory_space<vmem>>, vector<16xf32>,
    %swap3A_23 = vector.shape_cast %swap3A_22 : vector<16xf32> to vector<16xf32>
    %swap3A_24 = vector.shape_cast %broadcast_in_dim3A_5 : vector<16xf32> to vector<16xf32>
    tpu.vector_store %arg6[%swap3A_21], %swap3A_24 {strides = array<i32>} : memref<640xf32, #tpu.memory_space<vmem>>, vector<16xf32>,
    %swap3A_25 = arith.constant 80 : index
    %swap3A_26 = tpu.vector_load %arg6[%swap3A_25] {strides = array<i32>} : memref<640xf32, #tpu.memory_space<vmem>>, vector<16xf32>,
    %swap3A_27 = vector.shape_cast %swap3A_26 : vector<16xf32> to vector<16xf32>
    %swap3A_28 = vector.shape_cast %broadcast_in_dim3A_5 : vector<16xf32> to vector<16xf32>
    tpu.vector_store %arg6[%swap3A_25], %swap3A_28 {strides = array<i32>} : memref<640xf32, #tpu.memory_space<vmem>>, vector<16xf32>,
    %swap3A_29 = arith.constant 96 : index
    %swap3A_30 = tpu.vector_load %arg6[%swap3A_29] {strides = array<i32>} : memref<640xf32, #tpu.memory_space<vmem>>, vector<16xf32>,
    %swap3A_31 = vector.shape_cast %swap3A_30 : vector<16xf32> to vector<16xf32>
    %swap3A_32 = vector.shape_cast %broadcast_in_dim3A_5 : vector<16xf32> to vector<16xf32>
    tpu.vector_store %arg6[%swap3A_29], %swap3A_32 {strides = array<i32>} : memref<640xf32, #tpu.memory_space<vmem>>, vector<16xf32>,
    %swap3A_33 = arith.constant 112 : index
    %swap3A_34 = tpu.vector_load %arg6[%swap3A_33] {strides = array<i32>} : memref<640xf32, #tpu.memory_space<vmem>>, vector<16xf32>,
    %swap3A_35 = vector.shape_cast %swap3A_34 : vector<16xf32> to vector<16xf32>
    %swap3A_36 = vector.shape_cast %broadcast_in_dim3A_5 : vector<16xf32> to vector<16xf32>
    tpu.vector_store %arg6[%swap3A_33], %swap3A_36 {strides = array<i32>} : memref<640xf32, #tpu.memory_space<vmem>>, vector<16xf32>,
    %swap3A_37 = arith.constant 128 : index
    %swap3A_38 = tpu.vector_load %arg6[%swap3A_37] {strides = array<i32>} : memref<640xf32, #tpu.memory_space<vmem>>, vector<16xf32>,
    %swap3A_39 = vector.shape_cast %swap3A_38 : vector<16xf32> to vector<16xf32>
    %swap3A_40 = vector.shape_cast %broadcast_in_dim3A_5 : vector<16xf32> to vector<16xf32>
    tpu.vector_store %arg6[%swap3A_37], %swap3A_40 {strides = array<i32>} : memref<640xf32, #tpu.memory_space<vmem>>, vector<16xf32>,
    %swap3A_41 = arith.constant 144 : index
    %swap3A_42 = tpu.vector_load %arg6[%swap3A_41] {strides = array<i32>} : memref<640xf32, #tpu.memory_space<vmem>>, vector<16xf32>,
    %swap3A_43 = vector.shape_cast %swap3A_42 : vector<16xf32> to vector<16xf32>
    %swap3A_44 = vector.shape_cast %broadcast_in_dim3A_5 : vector<16xf32> to vector<16xf32>
    tpu.vector_store %arg6[%swap3A_41], %swap3A_44 {strides = array<i32>} : memref<640xf32, #tpu.memory_space<vmem>>, vector<16xf32>,
    %swap3A_45 = arith.constant 160 : index
    %swap3A_46 = tpu.vector_load %arg6[%swap3A_45] {strides = array<i32>} : memref<640xf32, #tpu.memory_space<vmem>>, vector<16xf32>,
    %swap3A_47 = vector.shape_cast %swap3A_46 : vector<16xf32> to vector<16xf32>
    %swap3A_48 = vector.shape_cast %broadcast_in_dim3A_5 : vector<16xf32> to vector<16xf32>
    tpu.vector_store %arg6[%swap3A_45], %swap3A_48 {strides = array<i32>} : memref<640xf32, #tpu.memory_space<vmem>>, vector<16xf32>,
    %swap3A_49 = arith.constant 176 : index
    %swap3A_50 = tpu.vector_load %arg6[%swap3A_49] {strides = array<i32>} : memref<640xf32, #tpu.memory_space<vmem>>, vector<16xf32>,
    %swap3A_51 = vector.shape_cast %swap3A_50 : vector<16xf32> to vector<16xf32>
    %swap3A_52 = vector.shape_cast %broadcast_in_dim3A_5 : vector<16xf32> to vector<16xf32>
    tpu.vector_store %arg6[%swap3A_49], %swap3A_52 {strides = array<i32>} : memref<640xf32, #tpu.memory_space<vmem>>, vector<16xf32>,
    %swap3A_53 = arith.constant 192 : index
    %swap3A_54 = tpu.vector_load %arg6[%swap3A_53] {strides = array<i32>} : memref<640xf32, #tpu.memory_space<vmem>>, vector<16xf32>,
    %swap3A_55 = vector.shape_cast %swap3A_54 : vector<16xf32> to vector<16xf32>
    %swap3A_56 = vector.shape_cast %broadcast_in_dim3A_5 : vector<16xf32> to vector<16xf32>
    tpu.vector_store %arg6[%swap3A_53], %swap3A_56 {strides = array<i32>} : memref<640xf32, #tpu.memory_space<vmem>>, vector<16xf32>,
    %swap3A_57 = arith.constant 208 : index
    %swap3A_58 = tpu.vector_load %arg6[%swap3A_57] {strides = array<i32>} : memref<640xf32, #tpu.memory_space<vmem>>, vector<16xf32>,
    %swap3A_59 = vector.shape_cast %swap3A_58 : vector<16xf32> to vector<16xf32>
    %swap3A_60 = vector.shape_cast %broadcast_in_dim3A_5 : vector<16xf32> to vector<16xf32>
    tpu.vector_store %arg6[%swap3A_57], %swap3A_60 {strides = array<i32>} : memref<640xf32, #tpu.memory_space<vmem>>, vector<16xf32>,
    %swap3A_61 = arith.constant 224 : index
    %swap3A_62 = tpu.vector_load %arg6[%swap3A_61] {strides = array<i32>} : memref<640xf32, #tpu.memory_space<vmem>>, vector<16xf32>,
    %swap3A_63 = vector.shape_cast %swap3A_62 : vector<16xf32> to vector<16xf32>
    %swap3A_64 = vector.shape_cast %broadcast_in_dim3A_5 : vector<16xf32> to vector<16xf32>
    tpu.vector_store %arg6[%swap3A_61], %swap3A_64 {strides = array<i32>} : memref<640xf32, #tpu.memory_space<vmem>>, vector<16xf32>,
    %swap3A_65 = arith.constant 240 : index
    %swap3A_66 = tpu.vector_load %arg6[%swap3A_65] {strides = array<i32>} : memref<640xf32, #tpu.memory_space<vmem>>, vector<16xf32>,
    %swap3A_67 = vector.shape_cast %swap3A_66 : vector<16xf32> to vector<16xf32>
    %swap3A_68 = vector.shape_cast %broadcast_in_dim3A_5 : vector<16xf32> to vector<16xf32>
    tpu.vector_store %arg6[%swap3A_65], %swap3A_68 {strides = array<i32>} : memref<640xf32, #tpu.memory_space<vmem>>, vector<16xf32>,
    %swap3A_69 = arith.constant 256 : index
    %swap3A_70 = tpu.vector_load %arg6[%swap3A_69] {strides = array<i32>} : memref<640xf32, #tpu.memory_space<vmem>>, vector<16xf32>,
    %swap3A_71 = vector.shape_cast %swap3A_70 : vector<16xf32> to vector<16xf32>
    %swap3A_72 = vector.shape_cast %broadcast_in_dim3A_5 : vector<16xf32> to vector<16xf32>
    tpu.vector_store %arg6[%swap3A_69], %swap3A_72 {strides = array<i32>} : memref<640xf32, #tpu.memory_space<vmem>>, vector<16xf32>,
    %swap3A_73 = arith.constant 272 : index
    %swap3A_74 = tpu.vector_load %arg6[%swap3A_73] {strides = array<i32>} : memref<640xf32, #tpu.memory_space<vmem>>, vector<16xf32>,
    %swap3A_75 = vector.shape_cast %swap3A_74 : vector<16xf32> to vector<16xf32>
    %swap3A_76 = vector.shape_cast %broadcast_in_dim3A_5 : vector<16xf32> to vector<16xf32>
    tpu.vector_store %arg6[%swap3A_73], %swap3A_76 {strides = array<i32>} : memref<640xf32, #tpu.memory_space<vmem>>, vector<16xf32>,
    %swap3A_77 = arith.constant 288 : index
    %swap3A_78 = tpu.vector_load %arg6[%swap3A_77] {strides = array<i32>} : memref<640xf32, #tpu.memory_space<vmem>>, vector<16xf32>,
    %swap3A_79 = vector.shape_cast %swap3A_78 : vector<16xf32> to vector<16xf32>
    %swap3A_80 = vector.shape_cast %broadcast_in_dim3A_5 : vector<16xf32> to vector<16xf32>
    tpu.vector_store %arg6[%swap3A_77], %swap3A_80 {strides = array<i32>} : memref<640xf32, #tpu.memory_space<vmem>>, vector<16xf32>,
    %swap3A_81 = arith.constant 304 : index
    %swap3A_82 = tpu.vector_load %arg6[%swap3A_81] {strides = array<i32>} : memref<640xf32, #tpu.memory_space<vmem>>, vector<16xf32>,
    %swap3A_83 = vector.shape_cast %swap3A_82 : vector<16xf32> to vector<16xf32>
    %swap3A_84 = vector.shape_cast %broadcast_in_dim3A_5 : vector<16xf32> to vector<16xf32>
    tpu.vector_store %arg6[%swap3A_81], %swap3A_84 {strides = array<i32>} : memref<640xf32, #tpu.memory_space<vmem>>, vector<16xf32>,
    %swap3A_85 = arith.constant 320 : index
    %swap3A_86 = tpu.vector_load %arg6[%swap3A_85] {strides = array<i32>} : memref<640xf32, #tpu.memory_space<vmem>>, vector<16xf32>,
    %swap3A_87 = vector.shape_cast %swap3A_86 : vector<16xf32> to vector<16xf32>
    %swap3A_88 = vector.shape_cast %broadcast_in_dim3A_5 : vector<16xf32> to vector<16xf32>
    tpu.vector_store %arg6[%swap3A_85], %swap3A_88 {strides = array<i32>} : memref<640xf32, #tpu.memory_space<vmem>>, vector<16xf32>,
    %swap3A_89 = arith.constant 336 : index
    %swap3A_90 = tpu.vector_load %arg6[%swap3A_89] {strides = array<i32>} : memref<640xf32, #tpu.memory_space<vmem>>, vector<16xf32>,
    %swap3A_91 = vector.shape_cast %swap3A_90 : vector<16xf32> to vector<16xf32>
    %swap3A_92 = vector.shape_cast %broadcast_in_dim3A_5 : vector<16xf32> to vector<16xf32>
    tpu.vector_store %arg6[%swap3A_89], %swap3A_92 {strides = array<i32>} : memref<640xf32, #tpu.memory_space<vmem>>, vector<16xf32>,
    %swap3A_93 = arith.constant 352 : index
    %swap3A_94 = tpu.vector_load %arg6[%swap3A_93] {strides = array<i32>} : memref<640xf32, #tpu.memory_space<vmem>>, vector<16xf32>,
    %swap3A_95 = vector.shape_cast %swap3A_94 : vector<16xf32> to vector<16xf32>
    %swap3A_96 = vector.shape_cast %broadcast_in_dim3A_5 : vector<16xf32> to vector<16xf32>
    tpu.vector_store %arg6[%swap3A_93], %swap3A_96 {strides = array<i32>} : memref<640xf32, #tpu.memory_space<vmem>>, vector<16xf32>,
    %swap3A_97 = arith.constant 368 : index
    %swap3A_98 = tpu.vector_load %arg6[%swap3A_97] {strides = array<i32>} : memref<640xf32, #tpu.memory_space<vmem>>, vector<16xf32>,
    %swap3A_99 = vector.shape_cast %swap3A_98 : vector<16xf32> to vector<16xf32>
    %swap3A_100 = vector.shape_cast %broadcast_in_dim3A_5 : vector<16xf32> to vector<16xf32>
    tpu.vector_store %arg6[%swap3A_97], %swap3A_100 {strides = array<i32>} : memref<640xf32, #tpu.memory_space<vmem>>, vector<16xf32>,
    %swap3A_101 = arith.constant 384 : index
    %swap3A_102 = tpu.vector_load %arg6[%swap3A_101] {strides = array<i32>} : memref<640xf32, #tpu.memory_space<vmem>>, vector<16xf32>,
    %swap3A_103 = vector.shape_cast %swap3A_102 : vector<16xf32> to vector<16xf32>
    %swap3A_104 = vector.shape_cast %broadcast_in_dim3A_5 : vector<16xf32> to vector<16xf32>
    tpu.vector_store %arg6[%swap3A_101], %swap3A_104 {strides = array<i32>} : memref<640xf32, #tpu.memory_space<vmem>>, vector<16xf32>,
    %swap3A_105 = arith.constant 400 : index
    %swap3A_106 = tpu.vector_load %arg6[%swap3A_105] {strides = array<i32>} : memref<640xf32, #tpu.memory_space<vmem>>, vector<16xf32>,
    %swap3A_107 = vector.shape_cast %swap3A_106 : vector<16xf32> to vector<16xf32>
    %swap3A_108 = vector.shape_cast %broadcast_in_dim3A_5 : vector<16xf32> to vector<16xf32>
    tpu.vector_store %arg6[%swap3A_105], %swap3A_108 {strides = array<i32>} : memref<640xf32, #tpu.memory_space<vmem>>, vector<16xf32>,
    %swap3A_109 = arith.constant 416 : index
    %swap3A_110 = tpu.vector_load %arg6[%swap3A_109] {strides = array<i32>} : memref<640xf32, #tpu.memory_space<vmem>>, vector<16xf32>,
    %swap3A_111 = vector.shape_cast %swap3A_110 : vector<16xf32> to vector<16xf32>
    %swap3A_112 = vector.shape_cast %broadcast_in_dim3A_5 : vector<16xf32> to vector<16xf32>
    tpu.vector_store %arg6[%swap3A_109], %swap3A_112 {strides = array<i32>} : memref<640xf32, #tpu.memory_space<vmem>>, vector<16xf32>,
    %swap3A_113 = arith.constant 432 : index
    %swap3A_114 = tpu.vector_load %arg6[%swap3A_113] {strides = array<i32>} : memref<640xf32, #tpu.memory_space<vmem>>, vector<16xf32>,
    %swap3A_115 = vector.shape_cast %swap3A_114 : vector<16xf32> to vector<16xf32>
    %swap3A_116 = vector.shape_cast %broadcast_in_dim3A_5 : vector<16xf32> to vector<16xf32>
    tpu.vector_store %arg6[%swap3A_113], %swap3A_116 {strides = array<i32>} : memref<640xf32, #tpu.memory_space<vmem>>, vector<16xf32>,
    %swap3A_117 = arith.constant 448 : index
    %swap3A_118 = tpu.vector_load %arg6[%swap3A_117] {strides = array<i32>} : memref<640xf32, #tpu.memory_space<vmem>>, vector<16xf32>,
    %swap3A_119 = vector.shape_cast %swap3A_118 : vector<16xf32> to vector<16xf32>
    %swap3A_120 = vector.shape_cast %broadcast_in_dim3A_5 : vector<16xf32> to vector<16xf32>
    tpu.vector_store %arg6[%swap3A_117], %swap3A_120 {strides = array<i32>} : memref<640xf32, #tpu.memory_space<vmem>>, vector<16xf32>,
    %swap3A_121 = arith.constant 464 : index
    %swap3A_122 = tpu.vector_load %arg6[%swap3A_121] {strides = array<i32>} : memref<640xf32, #tpu.memory_space<vmem>>, vector<16xf32>,
    %swap3A_123 = vector.shape_cast %swap3A_122 : vector<16xf32> to vector<16xf32>
    %swap3A_124 = vector.shape_cast %broadcast_in_dim3A_5 : vector<16xf32> to vector<16xf32>
    tpu.vector_store %arg6[%swap3A_121], %swap3A_124 {strides = array<i32>} : memref<640xf32, #tpu.memory_space<vmem>>, vector<16xf32>,
    %swap3A_125 = arith.constant 480 : index
    %swap3A_126 = tpu.vector_load %arg6[%swap3A_125] {strides = array<i32>} : memref<640xf32, #tpu.memory_space<vmem>>, vector<16xf32>,
    %swap3A_127 = vector.shape_cast %swap3A_126 : vector<16xf32> to vector<16xf32>
    %swap3A_128 = vector.shape_cast %broadcast_in_dim3A_5 : vector<16xf32> to vector<16xf32>
    tpu.vector_store %arg6[%swap3A_125], %swap3A_128 {strides = array<i32>} : memref<640xf32, #tpu.memory_space<vmem>>, vector<16xf32>,
    %swap3A_129 = arith.constant 496 : index
    %swap3A_130 = tpu.vector_load %arg6[%swap3A_129] {strides = array<i32>} : memref<640xf32, #tpu.memory_space<vmem>>, vector<16xf32>,
    %swap3A_131 = vector.shape_cast %swap3A_130 : vector<16xf32> to vector<16xf32>
    %swap3A_132 = vector.shape_cast %broadcast_in_dim3A_5 : vector<16xf32> to vector<16xf32>
    tpu.vector_store %arg6[%swap3A_129], %swap3A_132 {strides = array<i32>} : memref<640xf32, #tpu.memory_space<vmem>>, vector<16xf32>,
    %swap3A_133 = arith.constant 512 : index
    %swap3A_134 = tpu.vector_load %arg6[%swap3A_133] {strides = array<i32>} : memref<640xf32, #tpu.memory_space<vmem>>, vector<16xf32>,
    %swap3A_135 = vector.shape_cast %swap3A_134 : vector<16xf32> to vector<16xf32>
    %swap3A_136 = vector.shape_cast %broadcast_in_dim3A_5 : vector<16xf32> to vector<16xf32>
    tpu.vector_store %arg6[%swap3A_133], %swap3A_136 {strides = array<i32>} : memref<640xf32, #tpu.memory_space<vmem>>, vector<16xf32>,
    %swap3A_137 = arith.constant 528 : index
    %swap3A_138 = tpu.vector_load %arg6[%swap3A_137] {strides = array<i32>} : memref<640xf32, #tpu.memory_space<vmem>>, vector<16xf32>,
    %swap3A_139 = vector.shape_cast %swap3A_138 : vector<16xf32> to vector<16xf32>
    %swap3A_140 = vector.shape_cast %broadcast_in_dim3A_5 : vector<16xf32> to vector<16xf32>
    tpu.vector_store %arg6[%swap3A_137], %swap3A_140 {strides = array<i32>} : memref<640xf32, #tpu.memory_space<vmem>>, vector<16xf32>,
    %swap3A_141 = arith.constant 544 : index
    %swap3A_142 = tpu.vector_load %arg6[%swap3A_141] {strides = array<i32>} : memref<640xf32, #tpu.memory_space<vmem>>, vector<16xf32>,
    %swap3A_143 = vector.shape_cast %swap3A_142 : vector<16xf32> to vector<16xf32>
    %swap3A_144 = vector.shape_cast %broadcast_in_dim3A_5 : vector<16xf32> to vector<16xf32>
    tpu.vector_store %arg6[%swap3A_141], %swap3A_144 {strides = array<i32>} : memref<640xf32, #tpu.memory_space<vmem>>, vector<16xf32>,
    %swap3A_145 = arith.constant 560 : index
    %swap3A_146 = tpu.vector_load %arg6[%swap3A_145] {strides = array<i32>} : memref<640xf32, #tpu.memory_space<vmem>>, vector<16xf32>,
    %swap3A_147 = vector.shape_cast %swap3A_146 : vector<16xf32> to vector<16xf32>
    %swap3A_148 = vector.shape_cast %broadcast_in_dim3A_5 : vector<16xf32> to vector<16xf32>
    tpu.vector_store %arg6[%swap3A_145], %swap3A_148 {strides = array<i32>} : memref<640xf32, #tpu.memory_space<vmem>>, vector<16xf32>,
    %swap3A_149 = arith.constant 576 : index
    %swap3A_150 = tpu.vector_load %arg6[%swap3A_149] {strides = array<i32>} : memref<640xf32, #tpu.memory_space<vmem>>, vector<16xf32>,
    %swap3A_151 = vector.shape_cast %swap3A_150 : vector<16xf32> to vector<16xf32>
    %swap3A_152 = vector.shape_cast %broadcast_in_dim3A_5 : vector<16xf32> to vector<16xf32>
    tpu.vector_store %arg6[%swap3A_149], %swap3A_152 {strides = array<i32>} : memref<640xf32, #tpu.memory_space<vmem>>, vector<16xf32>,
    %swap3A_153 = arith.constant 592 : index
    %swap3A_154 = tpu.vector_load %arg6[%swap3A_153] {strides = array<i32>} : memref<640xf32, #tpu.memory_space<vmem>>, vector<16xf32>,
    %swap3A_155 = vector.shape_cast %swap3A_154 : vector<16xf32> to vector<16xf32>
    %swap3A_156 = vector.shape_cast %broadcast_in_dim3A_5 : vector<16xf32> to vector<16xf32>
    tpu.vector_store %arg6[%swap3A_153], %swap3A_156 {strides = array<i32>} : memref<640xf32, #tpu.memory_space<vmem>>, vector<16xf32>,
    %swap3A_157 = arith.constant 608 : index
    %swap3A_158 = tpu.vector_load %arg6[%swap3A_157] {strides = array<i32>} : memref<640xf32, #tpu.memory_space<vmem>>, vector<16xf32>,
    %swap3A_159 = vector.shape_cast %swap3A_158 : vector<16xf32> to vector<16xf32>
    %swap3A_160 = vector.shape_cast %broadcast_in_dim3A_5 : vector<16xf32> to vector<16xf32>
    tpu.vector_store %arg6[%swap3A_157], %swap3A_160 {strides = array<i32>} : memref<640xf32, #tpu.memory_space<vmem>>, vector<16xf32>,
    %swap3A_161 = arith.constant 624 : index
    %swap3A_162 = tpu.vector_load %arg6[%swap3A_161] {strides = array<i32>} : memref<640xf32, #tpu.memory_space<vmem>>, vector<16xf32>,
    %swap3A_163 = vector.shape_cast %swap3A_162 : vector<16xf32> to vector<16xf32>
    %swap3A_164 = vector.shape_cast %broadcast_in_dim3A_5 : vector<16xf32> to vector<16xf32>
    tpu.vector_store %arg6[%swap3A_161], %swap3A_164 {strides = array<i32>} : memref<640xf32, #tpu.memory_space<vmem>>, vector<16xf32>,
    %broadcast_in_dim3A_165 = arith.constant 1.000000e+00 : f32
    %broadcast_in_dim3A_166 = vector.broadcast %broadcast_in_dim3A_165 : f32 to vector<16xf32>
    %swap3A_167 = arith.constant 0 : index
    %swap3A_168 = tpu.vector_load %arg7[%swap3A_167] {strides = array<i32>} : memref<128xf32, #tpu.memory_space<vmem>>, vector<16xf32>,
    %swap3A_169 = vector.shape_cast %swap3A_168 : vector<16xf32> to vector<16xf32>
    %swap3A_170 = vector.shape_cast %broadcast_in_dim3A_166 : vector<16xf32> to vector<16xf32>
    tpu.vector_store %arg7[%swap3A_167], %swap3A_170 {strides = array<i32>} : memref<128xf32, #tpu.memory_space<vmem>>, vector<16xf32>,
    %swap3A_171 = arith.constant 16 : index
    %swap3A_172 = tpu.vector_load %arg7[%swap3A_171] {strides = array<i32>} : memref<128xf32, #tpu.memory_space<vmem>>, vector<16xf32>,
    %swap3A_173 = vector.shape_cast %swap3A_172 : vector<16xf32> to vector<16xf32>
    %swap3A_174 = vector.shape_cast %broadcast_in_dim3A_166 : vector<16xf32> to vector<16xf32>
    tpu.vector_store %arg7[%swap3A_171], %swap3A_174 {strides = array<i32>} : memref<128xf32, #tpu.memory_space<vmem>>, vector<16xf32>,
    %swap3A_175 = arith.constant 32 : index
    %swap3A_176 = tpu.vector_load %arg7[%swap3A_175] {strides = array<i32>} : memref<128xf32, #tpu.memory_space<vmem>>, vector<16xf32>,
    %swap3A_177 = vector.shape_cast %swap3A_176 : vector<16xf32> to vector<16xf32>
    %swap3A_178 = vector.shape_cast %broadcast_in_dim3A_166 : vector<16xf32> to vector<16xf32>
    tpu.vector_store %arg7[%swap3A_175], %swap3A_178 {strides = array<i32>} : memref<128xf32, #tpu.memory_space<vmem>>, vector<16xf32>,
    %swap3A_179 = arith.constant 48 : index
    %swap3A_180 = tpu.vector_load %arg7[%swap3A_179] {strides = array<i32>} : memref<128xf32, #tpu.memory_space<vmem>>, vector<16xf32>,
    %swap3A_181 = vector.shape_cast %swap3A_180 : vector<16xf32> to vector<16xf32>
    %swap3A_182 = vector.shape_cast %broadcast_in_dim3A_166 : vector<16xf32> to vector<16xf32>
    tpu.vector_store %arg7[%swap3A_179], %swap3A_182 {strides = array<i32>} : memref<128xf32, #tpu.memory_space<vmem>>, vector<16xf32>,
    %swap3A_183 = arith.constant 64 : index
    %swap3A_184 = tpu.vector_load %arg7[%swap3A_183] {strides = array<i32>} : memref<128xf32, #tpu.memory_space<vmem>>, vector<16xf32>,
    %swap3A_185 = vector.shape_cast %swap3A_184 : vector<16xf32> to vector<16xf32>
    %swap3A_186 = vector.shape_cast %broadcast_in_dim3A_166 : vector<16xf32> to vector<16xf32>
    tpu.vector_store %arg7[%swap3A_183], %swap3A_186 {strides = array<i32>} : memref<128xf32, #tpu.memory_space<vmem>>, vector<16xf32>,
    %swap3A_187 = arith.constant 80 : index
    %swap3A_188 = tpu.vector_load %arg7[%swap3A_187] {strides = array<i32>} : memref<128xf32, #tpu.memory_space<vmem>>, vector<16xf32>,
    %swap3A_189 = vector.shape_cast %swap3A_188 : vector<16xf32> to vector<16xf32>
    %swap3A_190 = vector.shape_cast %broadcast_in_dim3A_166 : vector<16xf32> to vector<16xf32>
    tpu.vector_store %arg7[%swap3A_187], %swap3A_190 {strides = array<i32>} : memref<128xf32, #tpu.memory_space<vmem>>, vector<16xf32>,
    %swap3A_191 = arith.constant 96 : index
    %swap3A_192 = tpu.vector_load %arg7[%swap3A_191] {strides = array<i32>} : memref<128xf32, #tpu.memory_space<vmem>>, vector<16xf32>,
    %swap3A_193 = vector.shape_cast %swap3A_192 : vector<16xf32> to vector<16xf32>
    %swap3A_194 = vector.shape_cast %broadcast_in_dim3A_166 : vector<16xf32> to vector<16xf32>
    tpu.vector_store %arg7[%swap3A_191], %swap3A_194 {strides = array<i32>} : memref<128xf32, #tpu.memory_space<vmem>>, vector<16xf32>,
    %swap3A_195 = arith.constant 112 : index
    %swap3A_196 = tpu.vector_load %arg7[%swap3A_195] {strides = array<i32>} : memref<128xf32, #tpu.memory_space<vmem>>, vector<16xf32>,
    %swap3A_197 = vector.shape_cast %swap3A_196 : vector<16xf32> to vector<16xf32>
    %swap3A_198 = vector.shape_cast %broadcast_in_dim3A_166 : vector<16xf32> to vector<16xf32>
    tpu.vector_store %arg7[%swap3A_195], %swap3A_198 {strides = array<i32>} : memref<128xf32, #tpu.memory_space<vmem>>, vector<16xf32>,
    "tpu.region"() ({
      %run_scoped3A = tpu.sem_alloc : memref<!tpu.dma_semaphore, #tpu.memory_space<semaphore_mem>>
      %dma_start3A = tpu.memref_slice %arg4[%mul3A_0] : memref<10240xf32, #tpu.memory_space<vmem_shared>> -> memref<640xf32, #tpu.memory_space<vmem_shared>>
      %dma_start3A_207 = tpu.memref_slice %arg4[%mul3A_0] : memref<10240xf32, #tpu.memory_space<vmem_shared>> -> memref<640xf32, #tpu.memory_space<vmem_shared>>
      tpu.enqueue_dma source(%arg6 : memref<640xf32, #tpu.memory_space<vmem>>) target(%dma_start3A_207 : memref<640xf32, #tpu.memory_space<vmem_shared>>) target_semaphore(%run_scoped3A : memref<!tpu.dma_semaphore, #tpu.memory_space<semaphore_mem>>)
      %dma_wait3A = tpu.memref_slice %arg4[%mul3A_0] : memref<10240xf32, #tpu.memory_space<vmem_shared>> -> memref<640xf32, #tpu.memory_space<vmem_shared>>
      %dma_wait3A_208 = tpu.memref_slice %arg4[%mul3A_0] : memref<10240xf32, #tpu.memory_space<vmem_shared>> -> memref<640xf32, #tpu.memory_space<vmem_shared>>
      tpu.wait_dma2 semaphore(%run_scoped3A : memref<!tpu.dma_semaphore, #tpu.memory_space<semaphore_mem>>) src(%arg6 : memref<640xf32, #tpu.memory_space<vmem>>) dst(%dma_wait3A_208 : memref<640xf32, #tpu.memory_space<vmem_shared>>)
      tpu.yield
    }) : () -> ()
    "tpu.region"() ({
      %run_scoped3A = tpu.sem_alloc : memref<!tpu.dma_semaphore, #tpu.memory_space<semaphore_mem>>
      %dma_start3A = arith.constant 0 : i32
      %dma_start3A_207 = tpu.memref_slice %arg2[%mul3A_4, %dma_start3A] : memref<2560x128xi32, #tpu.memory_space<hbm>> -> memref<80x128xi32, #tpu.memory_space<hbm>>
      %dma_start3A_208 = arith.constant 0 : i32
      %dma_start3A_209 = tpu.memref_slice %arg2[%mul3A_4, %dma_start3A_208] : memref<2560x128xi32, #tpu.memory_space<hbm>> -> memref<80x128xi32, #tpu.memory_space<hbm>>
      tpu.enqueue_dma source(%dma_start3A_209 : memref<80x128xi32, #tpu.memory_space<hbm>>) target(%arg5 : memref<80x128xi32, #tpu.memory_space<vmem>>) target_semaphore(%run_scoped3A : memref<!tpu.dma_semaphore, #tpu.memory_space<semaphore_mem>>)
      %dma_wait3A = arith.constant 0 : i32
      %dma_wait3A_210 = tpu.memref_slice %arg2[%mul3A_4, %dma_wait3A] : memref<2560x128xi32, #tpu.memory_space<hbm>> -> memref<80x128xi32, #tpu.memory_space<hbm>>
      %dma_wait3A_211 = arith.constant 0 : i32
      %dma_wait3A_212 = tpu.memref_slice %arg2[%mul3A_4, %dma_wait3A_211] : memref<2560x128xi32, #tpu.memory_space<hbm>> -> memref<80x128xi32, #tpu.memory_space<hbm>>
      tpu.wait_dma2 semaphore(%run_scoped3A : memref<!tpu.dma_semaphore, #tpu.memory_space<semaphore_mem>>) src(%dma_wait3A_212 : memref<80x128xi32, #tpu.memory_space<hbm>>) dst(%arg5 : memref<80x128xi32, #tpu.memory_space<vmem>>)
      tpu.yield
    }) : () -> ()
    %barrier3A = arith.constant 0 : index
    tpu.barrier barrier_id(%barrier3A)
    %scan3A = arith.constant 0 : i32
    %scan3A_199 = arith.constant 80 : i32
    %scan3A_200 = arith.addi %scan3A, %scan3A_199 : i32
    %scan3A_201 = arith.constant 1 : i32
    scf.for %scan3A_207 = %scan3A to %scan3A_200 step %scan3A_201  : i32 {
      %mul3A_208 = arith.constant 1 : i32
      %mul3A_209 = arith.muli %scan3A_207, %mul3A_208 : i32
      %add3A_210 = arith.constant 0 : i32
      %add3A_211 = arith.addi %add3A_210, %mul3A_209 : i32
      "tpu.region"() ({
        %run_scoped3A = tpu.sem_alloc : memref<!tpu.dma_semaphore, #tpu.memory_space<semaphore_mem>>
        %dma_start3A = arith.constant 0 : i32
        %dma_start3A_212 = tpu.memref_slice %arg5[%add3A_211, %dma_start3A] : memref<80x128xi32, #tpu.memory_space<vmem>> -> memref<1x128xi32, #tpu.memory_space<vmem>>
        %dma_start3A_213 = tpu.memref_squeeze %dma_start3A_212 : memref<1x128xi32, #tpu.memory_space<vmem>> -> memref<128xi32, #tpu.memory_space<vmem>>
        %dma_start3A_214 = arith.constant 0 : i32
        %dma_start3A_215 = tpu.memref_slice %arg4[%dma_start3A_214] : memref<10240xf32, #tpu.memory_space<vmem_shared>> -> memref<10240xf32, #tpu.memory_space<vmem_shared>>
        tpu.enqueue_indirect_dma source(%arg7 : memref<128xf32, #tpu.memory_space<vmem>>) target(%dma_start3A_215 : memref<10240xf32, #tpu.memory_space<vmem_shared>>) offsets(%dma_start3A_213 : memref<128xi32, #tpu.memory_space<vmem>>) semaphore(%run_scoped3A : memref<!tpu.dma_semaphore, #tpu.memory_space<semaphore_mem>>) {add = true}
        %dma_wait3A = arith.constant 0 : i32
        %dma_wait3A_216 = tpu.memref_slice %arg5[%add3A_211, %dma_wait3A] : memref<80x128xi32, #tpu.memory_space<vmem>> -> memref<1x128xi32, #tpu.memory_space<vmem>>
        %dma_wait3A_217 = tpu.memref_squeeze %dma_wait3A_216 : memref<1x128xi32, #tpu.memory_space<vmem>> -> memref<128xi32, #tpu.memory_space<vmem>>
        %dma_wait3A_218 = arith.constant 0 : i32
        %dma_wait3A_219 = tpu.memref_slice %arg4[%dma_wait3A_218] : memref<10240xf32, #tpu.memory_space<vmem_shared>> -> memref<10240xf32, #tpu.memory_space<vmem_shared>>
        tpu.wait_indirect_dma semaphore(%run_scoped3A : memref<!tpu.dma_semaphore, #tpu.memory_space<semaphore_mem>>) src(%arg7 : memref<128xf32, #tpu.memory_space<vmem>>) dst(%dma_wait3A_219 : memref<10240xf32, #tpu.memory_space<vmem_shared>>)
        tpu.yield
      }) : () -> ()
    }
    %scan3A_202 = arith.constant 80 : i32
    %barrier3A_203 = arith.constant 0 : index
    tpu.barrier barrier_id(%barrier3A_203)
    %mul3A_204 = arith.constant 10240 : i32
    %mul3A_205 = arith.muli %arg0, %mul3A_204 : i32
    %add3A_206 = arith.addi %mul3A_205, %mul3A_0 : i32
    "tpu.region"() ({
      %run_scoped3A = tpu.sem_alloc : memref<!tpu.dma_semaphore, #tpu.memory_space<semaphore_mem>>
      %dma_start3A = tpu.memref_slice %arg3[%add3A_206] : memref<20480xf32, #tpu.memory_space<hbm>> -> memref<640xf32, #tpu.memory_space<hbm>>
      %dma_start3A_207 = tpu.memref_slice %arg4[%mul3A_0] : memref<10240xf32, #tpu.memory_space<vmem_shared>> -> memref<640xf32, #tpu.memory_space<vmem_shared>>
      tpu.enqueue_dma source(%dma_start3A_207 : memref<640xf32, #tpu.memory_space<vmem_shared>>) target(%dma_start3A : memref<640xf32, #tpu.memory_space<hbm>>) target_semaphore(%run_scoped3A : memref<!tpu.dma_semaphore, #tpu.memory_space<semaphore_mem>>)
      %dma_wait3A = tpu.memref_slice %arg3[%add3A_206] : memref<20480xf32, #tpu.memory_space<hbm>> -> memref<640xf32, #tpu.memory_space<hbm>>
      %dma_wait3A_208 = tpu.memref_slice %arg4[%mul3A_0] : memref<10240xf32, #tpu.memory_space<vmem_shared>> -> memref<640xf32, #tpu.memory_space<vmem_shared>>
      tpu.wait_dma2 semaphore(%run_scoped3A : memref<!tpu.dma_semaphore, #tpu.memory_space<semaphore_mem>>) src(%dma_wait3A_208 : memref<640xf32, #tpu.memory_space<vmem_shared>>) dst(%dma_wait3A : memref<640xf32, #tpu.memory_space<hbm>>)
      tpu.yield
    }) : () -> ()
    return
  }
}

#map = affine_map<(d0, d1) -> (0, 0)>
module attributes {stable_mosaic.version = 14 : i64} {
  func.func @_agg_body(%arg0: i32, %arg1: i32, %arg2: memref<2560x128xi32, #tpu.memory_space<hbm>>, %arg3: memref<2560x128xi32, #tpu.memory_space<hbm>>, %arg4: memref<10240x64xf32, #tpu.memory_space<hbm>>, %arg5: memref<10240x64xf32, #tpu.memory_space<hbm>>, %arg6: memref<20480x64xf32, #tpu.memory_space<hbm>>, %arg7: memref<10240x64xf32, #tpu.memory_space<vmem_shared>>, %arg8: memref<10240x64xf32, #tpu.memory_space<vmem_shared>>, %arg9: memref<128x64xf32, #tpu.memory_space<vmem>>, %arg10: memref<8x128xi32, #tpu.memory_space<vmem>>, %arg11: memref<8x128xi32, #tpu.memory_space<vmem>>, %arg12: memref<16x64xf32, #tpu.memory_space<vmem>>) attributes {dimension_semantics = [#tpu.dimension_semantics<core_parallel>, #tpu.dimension_semantics<subcore_parallel>], iteration_bounds = array<i64: 2, 16>, scalar_prefetch = 0 : i64, scratch_operands = 6 : i64, tpu.core_type = #tpu.core_type<sc_vector_subcore>, window_params = [{transform_indices = #map}, {transform_indices = #map}, {transform_indices = #map}, {transform_indices = #map}, {transform_indices = #map}]} {
    %mul3A = arith.constant 640 : i32
    %mul3A_0 = arith.muli %arg1, %mul3A : i32
    %mul3A_1 = arith.constant 160 : i32
    %mul3A_2 = arith.muli %arg1, %mul3A_1 : i32
    %broadcast_in_dim3A = arith.constant 0.000000e+00 : f32
    %broadcast_in_dim3A_3 = vector.broadcast %broadcast_in_dim3A : f32 to vector<16xf32>
    %swap3A = arith.constant 0 : i32
    %swap3A_4 = arith.index_cast %swap3A : i32 to index
    %swap3A_5 = arith.constant 0 : index
    %swap3A_6 = tpu.vector_load %arg12[%swap3A_4, %swap3A_5] {strides = array<i32>} : memref<16x64xf32, #tpu.memory_space<vmem>>, vector<1x16xf32>,
    %swap3A_7 = vector.shape_cast %swap3A_6 : vector<1x16xf32> to vector<16xf32>
    %swap3A_8 = vector.shape_cast %broadcast_in_dim3A_3 : vector<16xf32> to vector<1x16xf32>
    tpu.vector_store %arg12[%swap3A_4, %swap3A_5], %swap3A_8 {strides = array<i32>} : memref<16x64xf32, #tpu.memory_space<vmem>>, vector<1x16xf32>,
    %swap3A_9 = arith.constant 0 : i32
    %swap3A_10 = arith.index_cast %swap3A_9 : i32 to index
    %swap3A_11 = arith.constant 16 : index
    %swap3A_12 = tpu.vector_load %arg12[%swap3A_10, %swap3A_11] {strides = array<i32>} : memref<16x64xf32, #tpu.memory_space<vmem>>, vector<1x16xf32>,
    %swap3A_13 = vector.shape_cast %swap3A_12 : vector<1x16xf32> to vector<16xf32>
    %swap3A_14 = vector.shape_cast %broadcast_in_dim3A_3 : vector<16xf32> to vector<1x16xf32>
    tpu.vector_store %arg12[%swap3A_10, %swap3A_11], %swap3A_14 {strides = array<i32>} : memref<16x64xf32, #tpu.memory_space<vmem>>, vector<1x16xf32>,
    %swap3A_15 = arith.constant 0 : i32
    %swap3A_16 = arith.index_cast %swap3A_15 : i32 to index
    %swap3A_17 = arith.constant 32 : index
    %swap3A_18 = tpu.vector_load %arg12[%swap3A_16, %swap3A_17] {strides = array<i32>} : memref<16x64xf32, #tpu.memory_space<vmem>>, vector<1x16xf32>,
    %swap3A_19 = vector.shape_cast %swap3A_18 : vector<1x16xf32> to vector<16xf32>
    %swap3A_20 = vector.shape_cast %broadcast_in_dim3A_3 : vector<16xf32> to vector<1x16xf32>
    tpu.vector_store %arg12[%swap3A_16, %swap3A_17], %swap3A_20 {strides = array<i32>} : memref<16x64xf32, #tpu.memory_space<vmem>>, vector<1x16xf32>,
    %swap3A_21 = arith.constant 0 : i32
    %swap3A_22 = arith.index_cast %swap3A_21 : i32 to index
    %swap3A_23 = arith.constant 48 : index
    %swap3A_24 = tpu.vector_load %arg12[%swap3A_22, %swap3A_23] {strides = array<i32>} : memref<16x64xf32, #tpu.memory_space<vmem>>, vector<1x16xf32>,
    %swap3A_25 = vector.shape_cast %swap3A_24 : vector<1x16xf32> to vector<16xf32>
    %swap3A_26 = vector.shape_cast %broadcast_in_dim3A_3 : vector<16xf32> to vector<1x16xf32>
    tpu.vector_store %arg12[%swap3A_22, %swap3A_23], %swap3A_26 {strides = array<i32>} : memref<16x64xf32, #tpu.memory_space<vmem>>, vector<1x16xf32>,
    %swap3A_27 = arith.constant 1 : i32
    %swap3A_28 = arith.index_cast %swap3A_27 : i32 to index
    %swap3A_29 = arith.constant 0 : index
    %swap3A_30 = tpu.vector_load %arg12[%swap3A_28, %swap3A_29] {strides = array<i32>} : memref<16x64xf32, #tpu.memory_space<vmem>>, vector<1x16xf32>,
    %swap3A_31 = vector.shape_cast %swap3A_30 : vector<1x16xf32> to vector<16xf32>
    %swap3A_32 = vector.shape_cast %broadcast_in_dim3A_3 : vector<16xf32> to vector<1x16xf32>
    tpu.vector_store %arg12[%swap3A_28, %swap3A_29], %swap3A_32 {strides = array<i32>} : memref<16x64xf32, #tpu.memory_space<vmem>>, vector<1x16xf32>,
    %swap3A_33 = arith.constant 1 : i32
    %swap3A_34 = arith.index_cast %swap3A_33 : i32 to index
    %swap3A_35 = arith.constant 16 : index
    %swap3A_36 = tpu.vector_load %arg12[%swap3A_34, %swap3A_35] {strides = array<i32>} : memref<16x64xf32, #tpu.memory_space<vmem>>, vector<1x16xf32>,
    %swap3A_37 = vector.shape_cast %swap3A_36 : vector<1x16xf32> to vector<16xf32>
    %swap3A_38 = vector.shape_cast %broadcast_in_dim3A_3 : vector<16xf32> to vector<1x16xf32>
    tpu.vector_store %arg12[%swap3A_34, %swap3A_35], %swap3A_38 {strides = array<i32>} : memref<16x64xf32, #tpu.memory_space<vmem>>, vector<1x16xf32>,
    %swap3A_39 = arith.constant 1 : i32
    %swap3A_40 = arith.index_cast %swap3A_39 : i32 to index
    %swap3A_41 = arith.constant 32 : index
    %swap3A_42 = tpu.vector_load %arg12[%swap3A_40, %swap3A_41] {strides = array<i32>} : memref<16x64xf32, #tpu.memory_space<vmem>>, vector<1x16xf32>,
    %swap3A_43 = vector.shape_cast %swap3A_42 : vector<1x16xf32> to vector<16xf32>
    %swap3A_44 = vector.shape_cast %broadcast_in_dim3A_3 : vector<16xf32> to vector<1x16xf32>
    tpu.vector_store %arg12[%swap3A_40, %swap3A_41], %swap3A_44 {strides = array<i32>} : memref<16x64xf32, #tpu.memory_space<vmem>>, vector<1x16xf32>,
    %swap3A_45 = arith.constant 1 : i32
    %swap3A_46 = arith.index_cast %swap3A_45 : i32 to index
    %swap3A_47 = arith.constant 48 : index
    %swap3A_48 = tpu.vector_load %arg12[%swap3A_46, %swap3A_47] {strides = array<i32>} : memref<16x64xf32, #tpu.memory_space<vmem>>, vector<1x16xf32>,
    %swap3A_49 = vector.shape_cast %swap3A_48 : vector<1x16xf32> to vector<16xf32>
    %swap3A_50 = vector.shape_cast %broadcast_in_dim3A_3 : vector<16xf32> to vector<1x16xf32>
    tpu.vector_store %arg12[%swap3A_46, %swap3A_47], %swap3A_50 {strides = array<i32>} : memref<16x64xf32, #tpu.memory_space<vmem>>, vector<1x16xf32>,
    %swap3A_51 = arith.constant 2 : i32
    %swap3A_52 = arith.index_cast %swap3A_51 : i32 to index
    %swap3A_53 = arith.constant 0 : index
    %swap3A_54 = tpu.vector_load %arg12[%swap3A_52, %swap3A_53] {strides = array<i32>} : memref<16x64xf32, #tpu.memory_space<vmem>>, vector<1x16xf32>,
    %swap3A_55 = vector.shape_cast %swap3A_54 : vector<1x16xf32> to vector<16xf32>
    %swap3A_56 = vector.shape_cast %broadcast_in_dim3A_3 : vector<16xf32> to vector<1x16xf32>
    tpu.vector_store %arg12[%swap3A_52, %swap3A_53], %swap3A_56 {strides = array<i32>} : memref<16x64xf32, #tpu.memory_space<vmem>>, vector<1x16xf32>,
    %swap3A_57 = arith.constant 2 : i32
    %swap3A_58 = arith.index_cast %swap3A_57 : i32 to index
    %swap3A_59 = arith.constant 16 : index
    %swap3A_60 = tpu.vector_load %arg12[%swap3A_58, %swap3A_59] {strides = array<i32>} : memref<16x64xf32, #tpu.memory_space<vmem>>, vector<1x16xf32>,
    %swap3A_61 = vector.shape_cast %swap3A_60 : vector<1x16xf32> to vector<16xf32>
    %swap3A_62 = vector.shape_cast %broadcast_in_dim3A_3 : vector<16xf32> to vector<1x16xf32>
    tpu.vector_store %arg12[%swap3A_58, %swap3A_59], %swap3A_62 {strides = array<i32>} : memref<16x64xf32, #tpu.memory_space<vmem>>, vector<1x16xf32>,
    %swap3A_63 = arith.constant 2 : i32
    %swap3A_64 = arith.index_cast %swap3A_63 : i32 to index
    %swap3A_65 = arith.constant 32 : index
    %swap3A_66 = tpu.vector_load %arg12[%swap3A_64, %swap3A_65] {strides = array<i32>} : memref<16x64xf32, #tpu.memory_space<vmem>>, vector<1x16xf32>,
    %swap3A_67 = vector.shape_cast %swap3A_66 : vector<1x16xf32> to vector<16xf32>
    %swap3A_68 = vector.shape_cast %broadcast_in_dim3A_3 : vector<16xf32> to vector<1x16xf32>
    tpu.vector_store %arg12[%swap3A_64, %swap3A_65], %swap3A_68 {strides = array<i32>} : memref<16x64xf32, #tpu.memory_space<vmem>>, vector<1x16xf32>,
    %swap3A_69 = arith.constant 2 : i32
    %swap3A_70 = arith.index_cast %swap3A_69 : i32 to index
    %swap3A_71 = arith.constant 48 : index
    %swap3A_72 = tpu.vector_load %arg12[%swap3A_70, %swap3A_71] {strides = array<i32>} : memref<16x64xf32, #tpu.memory_space<vmem>>, vector<1x16xf32>,
    %swap3A_73 = vector.shape_cast %swap3A_72 : vector<1x16xf32> to vector<16xf32>
    %swap3A_74 = vector.shape_cast %broadcast_in_dim3A_3 : vector<16xf32> to vector<1x16xf32>
    tpu.vector_store %arg12[%swap3A_70, %swap3A_71], %swap3A_74 {strides = array<i32>} : memref<16x64xf32, #tpu.memory_space<vmem>>, vector<1x16xf32>,
    %swap3A_75 = arith.constant 3 : i32
    %swap3A_76 = arith.index_cast %swap3A_75 : i32 to index
    %swap3A_77 = arith.constant 0 : index
    %swap3A_78 = tpu.vector_load %arg12[%swap3A_76, %swap3A_77] {strides = array<i32>} : memref<16x64xf32, #tpu.memory_space<vmem>>, vector<1x16xf32>,
    %swap3A_79 = vector.shape_cast %swap3A_78 : vector<1x16xf32> to vector<16xf32>
    %swap3A_80 = vector.shape_cast %broadcast_in_dim3A_3 : vector<16xf32> to vector<1x16xf32>
    tpu.vector_store %arg12[%swap3A_76, %swap3A_77], %swap3A_80 {strides = array<i32>} : memref<16x64xf32, #tpu.memory_space<vmem>>, vector<1x16xf32>,
    %swap3A_81 = arith.constant 3 : i32
    %swap3A_82 = arith.index_cast %swap3A_81 : i32 to index
    %swap3A_83 = arith.constant 16 : index
    %swap3A_84 = tpu.vector_load %arg12[%swap3A_82, %swap3A_83] {strides = array<i32>} : memref<16x64xf32, #tpu.memory_space<vmem>>, vector<1x16xf32>,
    %swap3A_85 = vector.shape_cast %swap3A_84 : vector<1x16xf32> to vector<16xf32>
    %swap3A_86 = vector.shape_cast %broadcast_in_dim3A_3 : vector<16xf32> to vector<1x16xf32>
    tpu.vector_store %arg12[%swap3A_82, %swap3A_83], %swap3A_86 {strides = array<i32>} : memref<16x64xf32, #tpu.memory_space<vmem>>, vector<1x16xf32>,
    %swap3A_87 = arith.constant 3 : i32
    %swap3A_88 = arith.index_cast %swap3A_87 : i32 to index
    %swap3A_89 = arith.constant 32 : index
    %swap3A_90 = tpu.vector_load %arg12[%swap3A_88, %swap3A_89] {strides = array<i32>} : memref<16x64xf32, #tpu.memory_space<vmem>>, vector<1x16xf32>,
    %swap3A_91 = vector.shape_cast %swap3A_90 : vector<1x16xf32> to vector<16xf32>
    %swap3A_92 = vector.shape_cast %broadcast_in_dim3A_3 : vector<16xf32> to vector<1x16xf32>
    tpu.vector_store %arg12[%swap3A_88, %swap3A_89], %swap3A_92 {strides = array<i32>} : memref<16x64xf32, #tpu.memory_space<vmem>>, vector<1x16xf32>,
    %swap3A_93 = arith.constant 3 : i32
    %swap3A_94 = arith.index_cast %swap3A_93 : i32 to index
    %swap3A_95 = arith.constant 48 : index
    %swap3A_96 = tpu.vector_load %arg12[%swap3A_94, %swap3A_95] {strides = array<i32>} : memref<16x64xf32, #tpu.memory_space<vmem>>, vector<1x16xf32>,
    %swap3A_97 = vector.shape_cast %swap3A_96 : vector<1x16xf32> to vector<16xf32>
    %swap3A_98 = vector.shape_cast %broadcast_in_dim3A_3 : vector<16xf32> to vector<1x16xf32>
    tpu.vector_store %arg12[%swap3A_94, %swap3A_95], %swap3A_98 {strides = array<i32>} : memref<16x64xf32, #tpu.memory_space<vmem>>, vector<1x16xf32>,
    %swap3A_99 = arith.constant 4 : i32
    %swap3A_100 = arith.index_cast %swap3A_99 : i32 to index
    %swap3A_101 = arith.constant 0 : index
    %swap3A_102 = tpu.vector_load %arg12[%swap3A_100, %swap3A_101] {strides = array<i32>} : memref<16x64xf32, #tpu.memory_space<vmem>>, vector<1x16xf32>,
    %swap3A_103 = vector.shape_cast %swap3A_102 : vector<1x16xf32> to vector<16xf32>
    %swap3A_104 = vector.shape_cast %broadcast_in_dim3A_3 : vector<16xf32> to vector<1x16xf32>
    tpu.vector_store %arg12[%swap3A_100, %swap3A_101], %swap3A_104 {strides = array<i32>} : memref<16x64xf32, #tpu.memory_space<vmem>>, vector<1x16xf32>,
    %swap3A_105 = arith.constant 4 : i32
    %swap3A_106 = arith.index_cast %swap3A_105 : i32 to index
    %swap3A_107 = arith.constant 16 : index
    %swap3A_108 = tpu.vector_load %arg12[%swap3A_106, %swap3A_107] {strides = array<i32>} : memref<16x64xf32, #tpu.memory_space<vmem>>, vector<1x16xf32>,
    %swap3A_109 = vector.shape_cast %swap3A_108 : vector<1x16xf32> to vector<16xf32>
    %swap3A_110 = vector.shape_cast %broadcast_in_dim3A_3 : vector<16xf32> to vector<1x16xf32>
    tpu.vector_store %arg12[%swap3A_106, %swap3A_107], %swap3A_110 {strides = array<i32>} : memref<16x64xf32, #tpu.memory_space<vmem>>, vector<1x16xf32>,
    %swap3A_111 = arith.constant 4 : i32
    %swap3A_112 = arith.index_cast %swap3A_111 : i32 to index
    %swap3A_113 = arith.constant 32 : index
    %swap3A_114 = tpu.vector_load %arg12[%swap3A_112, %swap3A_113] {strides = array<i32>} : memref<16x64xf32, #tpu.memory_space<vmem>>, vector<1x16xf32>,
    %swap3A_115 = vector.shape_cast %swap3A_114 : vector<1x16xf32> to vector<16xf32>
    %swap3A_116 = vector.shape_cast %broadcast_in_dim3A_3 : vector<16xf32> to vector<1x16xf32>
    tpu.vector_store %arg12[%swap3A_112, %swap3A_113], %swap3A_116 {strides = array<i32>} : memref<16x64xf32, #tpu.memory_space<vmem>>, vector<1x16xf32>,
    %swap3A_117 = arith.constant 4 : i32
    %swap3A_118 = arith.index_cast %swap3A_117 : i32 to index
    %swap3A_119 = arith.constant 48 : index
    %swap3A_120 = tpu.vector_load %arg12[%swap3A_118, %swap3A_119] {strides = array<i32>} : memref<16x64xf32, #tpu.memory_space<vmem>>, vector<1x16xf32>,
    %swap3A_121 = vector.shape_cast %swap3A_120 : vector<1x16xf32> to vector<16xf32>
    %swap3A_122 = vector.shape_cast %broadcast_in_dim3A_3 : vector<16xf32> to vector<1x16xf32>
    tpu.vector_store %arg12[%swap3A_118, %swap3A_119], %swap3A_122 {strides = array<i32>} : memref<16x64xf32, #tpu.memory_space<vmem>>, vector<1x16xf32>,
    %swap3A_123 = arith.constant 5 : i32
    %swap3A_124 = arith.index_cast %swap3A_123 : i32 to index
    %swap3A_125 = arith.constant 0 : index
    %swap3A_126 = tpu.vector_load %arg12[%swap3A_124, %swap3A_125] {strides = array<i32>} : memref<16x64xf32, #tpu.memory_space<vmem>>, vector<1x16xf32>,
    %swap3A_127 = vector.shape_cast %swap3A_126 : vector<1x16xf32> to vector<16xf32>
    %swap3A_128 = vector.shape_cast %broadcast_in_dim3A_3 : vector<16xf32> to vector<1x16xf32>
    tpu.vector_store %arg12[%swap3A_124, %swap3A_125], %swap3A_128 {strides = array<i32>} : memref<16x64xf32, #tpu.memory_space<vmem>>, vector<1x16xf32>,
    %swap3A_129 = arith.constant 5 : i32
    %swap3A_130 = arith.index_cast %swap3A_129 : i32 to index
    %swap3A_131 = arith.constant 16 : index
    %swap3A_132 = tpu.vector_load %arg12[%swap3A_130, %swap3A_131] {strides = array<i32>} : memref<16x64xf32, #tpu.memory_space<vmem>>, vector<1x16xf32>,
    %swap3A_133 = vector.shape_cast %swap3A_132 : vector<1x16xf32> to vector<16xf32>
    %swap3A_134 = vector.shape_cast %broadcast_in_dim3A_3 : vector<16xf32> to vector<1x16xf32>
    tpu.vector_store %arg12[%swap3A_130, %swap3A_131], %swap3A_134 {strides = array<i32>} : memref<16x64xf32, #tpu.memory_space<vmem>>, vector<1x16xf32>,
    %swap3A_135 = arith.constant 5 : i32
    %swap3A_136 = arith.index_cast %swap3A_135 : i32 to index
    %swap3A_137 = arith.constant 32 : index
    %swap3A_138 = tpu.vector_load %arg12[%swap3A_136, %swap3A_137] {strides = array<i32>} : memref<16x64xf32, #tpu.memory_space<vmem>>, vector<1x16xf32>,
    %swap3A_139 = vector.shape_cast %swap3A_138 : vector<1x16xf32> to vector<16xf32>
    %swap3A_140 = vector.shape_cast %broadcast_in_dim3A_3 : vector<16xf32> to vector<1x16xf32>
    tpu.vector_store %arg12[%swap3A_136, %swap3A_137], %swap3A_140 {strides = array<i32>} : memref<16x64xf32, #tpu.memory_space<vmem>>, vector<1x16xf32>,
    %swap3A_141 = arith.constant 5 : i32
    %swap3A_142 = arith.index_cast %swap3A_141 : i32 to index
    %swap3A_143 = arith.constant 48 : index
    %swap3A_144 = tpu.vector_load %arg12[%swap3A_142, %swap3A_143] {strides = array<i32>} : memref<16x64xf32, #tpu.memory_space<vmem>>, vector<1x16xf32>,
    %swap3A_145 = vector.shape_cast %swap3A_144 : vector<1x16xf32> to vector<16xf32>
    %swap3A_146 = vector.shape_cast %broadcast_in_dim3A_3 : vector<16xf32> to vector<1x16xf32>
    tpu.vector_store %arg12[%swap3A_142, %swap3A_143], %swap3A_146 {strides = array<i32>} : memref<16x64xf32, #tpu.memory_space<vmem>>, vector<1x16xf32>,
    %swap3A_147 = arith.constant 6 : i32
    %swap3A_148 = arith.index_cast %swap3A_147 : i32 to index
    %swap3A_149 = arith.constant 0 : index
    %swap3A_150 = tpu.vector_load %arg12[%swap3A_148, %swap3A_149] {strides = array<i32>} : memref<16x64xf32, #tpu.memory_space<vmem>>, vector<1x16xf32>,
    %swap3A_151 = vector.shape_cast %swap3A_150 : vector<1x16xf32> to vector<16xf32>
    %swap3A_152 = vector.shape_cast %broadcast_in_dim3A_3 : vector<16xf32> to vector<1x16xf32>
    tpu.vector_store %arg12[%swap3A_148, %swap3A_149], %swap3A_152 {strides = array<i32>} : memref<16x64xf32, #tpu.memory_space<vmem>>, vector<1x16xf32>,
    %swap3A_153 = arith.constant 6 : i32
    %swap3A_154 = arith.index_cast %swap3A_153 : i32 to index
    %swap3A_155 = arith.constant 16 : index
    %swap3A_156 = tpu.vector_load %arg12[%swap3A_154, %swap3A_155] {strides = array<i32>} : memref<16x64xf32, #tpu.memory_space<vmem>>, vector<1x16xf32>,
    %swap3A_157 = vector.shape_cast %swap3A_156 : vector<1x16xf32> to vector<16xf32>
    %swap3A_158 = vector.shape_cast %broadcast_in_dim3A_3 : vector<16xf32> to vector<1x16xf32>
    tpu.vector_store %arg12[%swap3A_154, %swap3A_155], %swap3A_158 {strides = array<i32>} : memref<16x64xf32, #tpu.memory_space<vmem>>, vector<1x16xf32>,
    %swap3A_159 = arith.constant 6 : i32
    %swap3A_160 = arith.index_cast %swap3A_159 : i32 to index
    %swap3A_161 = arith.constant 32 : index
    %swap3A_162 = tpu.vector_load %arg12[%swap3A_160, %swap3A_161] {strides = array<i32>} : memref<16x64xf32, #tpu.memory_space<vmem>>, vector<1x16xf32>,
    %swap3A_163 = vector.shape_cast %swap3A_162 : vector<1x16xf32> to vector<16xf32>
    %swap3A_164 = vector.shape_cast %broadcast_in_dim3A_3 : vector<16xf32> to vector<1x16xf32>
    tpu.vector_store %arg12[%swap3A_160, %swap3A_161], %swap3A_164 {strides = array<i32>} : memref<16x64xf32, #tpu.memory_space<vmem>>, vector<1x16xf32>,
    %swap3A_165 = arith.constant 6 : i32
    %swap3A_166 = arith.index_cast %swap3A_165 : i32 to index
    %swap3A_167 = arith.constant 48 : index
    %swap3A_168 = tpu.vector_load %arg12[%swap3A_166, %swap3A_167] {strides = array<i32>} : memref<16x64xf32, #tpu.memory_space<vmem>>, vector<1x16xf32>,
    %swap3A_169 = vector.shape_cast %swap3A_168 : vector<1x16xf32> to vector<16xf32>
    %swap3A_170 = vector.shape_cast %broadcast_in_dim3A_3 : vector<16xf32> to vector<1x16xf32>
    tpu.vector_store %arg12[%swap3A_166, %swap3A_167], %swap3A_170 {strides = array<i32>} : memref<16x64xf32, #tpu.memory_space<vmem>>, vector<1x16xf32>,
    %swap3A_171 = arith.constant 7 : i32
    %swap3A_172 = arith.index_cast %swap3A_171 : i32 to index
    %swap3A_173 = arith.constant 0 : index
    %swap3A_174 = tpu.vector_load %arg12[%swap3A_172, %swap3A_173] {strides = array<i32>} : memref<16x64xf32, #tpu.memory_space<vmem>>, vector<1x16xf32>,
    %swap3A_175 = vector.shape_cast %swap3A_174 : vector<1x16xf32> to vector<16xf32>
    %swap3A_176 = vector.shape_cast %broadcast_in_dim3A_3 : vector<16xf32> to vector<1x16xf32>
    tpu.vector_store %arg12[%swap3A_172, %swap3A_173], %swap3A_176 {strides = array<i32>} : memref<16x64xf32, #tpu.memory_space<vmem>>, vector<1x16xf32>,
    %swap3A_177 = arith.constant 7 : i32
    %swap3A_178 = arith.index_cast %swap3A_177 : i32 to index
    %swap3A_179 = arith.constant 16 : index
    %swap3A_180 = tpu.vector_load %arg12[%swap3A_178, %swap3A_179] {strides = array<i32>} : memref<16x64xf32, #tpu.memory_space<vmem>>, vector<1x16xf32>,
    %swap3A_181 = vector.shape_cast %swap3A_180 : vector<1x16xf32> to vector<16xf32>
    %swap3A_182 = vector.shape_cast %broadcast_in_dim3A_3 : vector<16xf32> to vector<1x16xf32>
    tpu.vector_store %arg12[%swap3A_178, %swap3A_179], %swap3A_182 {strides = array<i32>} : memref<16x64xf32, #tpu.memory_space<vmem>>, vector<1x16xf32>,
    %swap3A_183 = arith.constant 7 : i32
    %swap3A_184 = arith.index_cast %swap3A_183 : i32 to index
    %swap3A_185 = arith.constant 32 : index
    %swap3A_186 = tpu.vector_load %arg12[%swap3A_184, %swap3A_185] {strides = array<i32>} : memref<16x64xf32, #tpu.memory_space<vmem>>, vector<1x16xf32>,
    %swap3A_187 = vector.shape_cast %swap3A_186 : vector<1x16xf32> to vector<16xf32>
    %swap3A_188 = vector.shape_cast %broadcast_in_dim3A_3 : vector<16xf32> to vector<1x16xf32>
    tpu.vector_store %arg12[%swap3A_184, %swap3A_185], %swap3A_188 {strides = array<i32>} : memref<16x64xf32, #tpu.memory_space<vmem>>, vector<1x16xf32>,
    %swap3A_189 = arith.constant 7 : i32
    %swap3A_190 = arith.index_cast %swap3A_189 : i32 to index
    %swap3A_191 = arith.constant 48 : index
    %swap3A_192 = tpu.vector_load %arg12[%swap3A_190, %swap3A_191] {strides = array<i32>} : memref<16x64xf32, #tpu.memory_space<vmem>>, vector<1x16xf32>,
    %swap3A_193 = vector.shape_cast %swap3A_192 : vector<1x16xf32> to vector<16xf32>
    %swap3A_194 = vector.shape_cast %broadcast_in_dim3A_3 : vector<16xf32> to vector<1x16xf32>
    tpu.vector_store %arg12[%swap3A_190, %swap3A_191], %swap3A_194 {strides = array<i32>} : memref<16x64xf32, #tpu.memory_space<vmem>>, vector<1x16xf32>,
    %swap3A_195 = arith.constant 8 : i32
    %swap3A_196 = arith.index_cast %swap3A_195 : i32 to index
    %swap3A_197 = arith.constant 0 : index
    %swap3A_198 = tpu.vector_load %arg12[%swap3A_196, %swap3A_197] {strides = array<i32>} : memref<16x64xf32, #tpu.memory_space<vmem>>, vector<1x16xf32>,
    %swap3A_199 = vector.shape_cast %swap3A_198 : vector<1x16xf32> to vector<16xf32>
    %swap3A_200 = vector.shape_cast %broadcast_in_dim3A_3 : vector<16xf32> to vector<1x16xf32>
    tpu.vector_store %arg12[%swap3A_196, %swap3A_197], %swap3A_200 {strides = array<i32>} : memref<16x64xf32, #tpu.memory_space<vmem>>, vector<1x16xf32>,
    %swap3A_201 = arith.constant 8 : i32
    %swap3A_202 = arith.index_cast %swap3A_201 : i32 to index
    %swap3A_203 = arith.constant 16 : index
    %swap3A_204 = tpu.vector_load %arg12[%swap3A_202, %swap3A_203] {strides = array<i32>} : memref<16x64xf32, #tpu.memory_space<vmem>>, vector<1x16xf32>,
    %swap3A_205 = vector.shape_cast %swap3A_204 : vector<1x16xf32> to vector<16xf32>
    %swap3A_206 = vector.shape_cast %broadcast_in_dim3A_3 : vector<16xf32> to vector<1x16xf32>
    tpu.vector_store %arg12[%swap3A_202, %swap3A_203], %swap3A_206 {strides = array<i32>} : memref<16x64xf32, #tpu.memory_space<vmem>>, vector<1x16xf32>,
    %swap3A_207 = arith.constant 8 : i32
    %swap3A_208 = arith.index_cast %swap3A_207 : i32 to index
    %swap3A_209 = arith.constant 32 : index
    %swap3A_210 = tpu.vector_load %arg12[%swap3A_208, %swap3A_209] {strides = array<i32>} : memref<16x64xf32, #tpu.memory_space<vmem>>, vector<1x16xf32>,
    %swap3A_211 = vector.shape_cast %swap3A_210 : vector<1x16xf32> to vector<16xf32>
    %swap3A_212 = vector.shape_cast %broadcast_in_dim3A_3 : vector<16xf32> to vector<1x16xf32>
    tpu.vector_store %arg12[%swap3A_208, %swap3A_209], %swap3A_212 {strides = array<i32>} : memref<16x64xf32, #tpu.memory_space<vmem>>, vector<1x16xf32>,
    %swap3A_213 = arith.constant 8 : i32
    %swap3A_214 = arith.index_cast %swap3A_213 : i32 to index
    %swap3A_215 = arith.constant 48 : index
    %swap3A_216 = tpu.vector_load %arg12[%swap3A_214, %swap3A_215] {strides = array<i32>} : memref<16x64xf32, #tpu.memory_space<vmem>>, vector<1x16xf32>,
    %swap3A_217 = vector.shape_cast %swap3A_216 : vector<1x16xf32> to vector<16xf32>
    %swap3A_218 = vector.shape_cast %broadcast_in_dim3A_3 : vector<16xf32> to vector<1x16xf32>
    tpu.vector_store %arg12[%swap3A_214, %swap3A_215], %swap3A_218 {strides = array<i32>} : memref<16x64xf32, #tpu.memory_space<vmem>>, vector<1x16xf32>,
    %swap3A_219 = arith.constant 9 : i32
    %swap3A_220 = arith.index_cast %swap3A_219 : i32 to index
    %swap3A_221 = arith.constant 0 : index
    %swap3A_222 = tpu.vector_load %arg12[%swap3A_220, %swap3A_221] {strides = array<i32>} : memref<16x64xf32, #tpu.memory_space<vmem>>, vector<1x16xf32>,
    %swap3A_223 = vector.shape_cast %swap3A_222 : vector<1x16xf32> to vector<16xf32>
    %swap3A_224 = vector.shape_cast %broadcast_in_dim3A_3 : vector<16xf32> to vector<1x16xf32>
    tpu.vector_store %arg12[%swap3A_220, %swap3A_221], %swap3A_224 {strides = array<i32>} : memref<16x64xf32, #tpu.memory_space<vmem>>, vector<1x16xf32>,
    %swap3A_225 = arith.constant 9 : i32
    %swap3A_226 = arith.index_cast %swap3A_225 : i32 to index
    %swap3A_227 = arith.constant 16 : index
    %swap3A_228 = tpu.vector_load %arg12[%swap3A_226, %swap3A_227] {strides = array<i32>} : memref<16x64xf32, #tpu.memory_space<vmem>>, vector<1x16xf32>,
    %swap3A_229 = vector.shape_cast %swap3A_228 : vector<1x16xf32> to vector<16xf32>
    %swap3A_230 = vector.shape_cast %broadcast_in_dim3A_3 : vector<16xf32> to vector<1x16xf32>
    tpu.vector_store %arg12[%swap3A_226, %swap3A_227], %swap3A_230 {strides = array<i32>} : memref<16x64xf32, #tpu.memory_space<vmem>>, vector<1x16xf32>,
    %swap3A_231 = arith.constant 9 : i32
    %swap3A_232 = arith.index_cast %swap3A_231 : i32 to index
    %swap3A_233 = arith.constant 32 : index
    %swap3A_234 = tpu.vector_load %arg12[%swap3A_232, %swap3A_233] {strides = array<i32>} : memref<16x64xf32, #tpu.memory_space<vmem>>, vector<1x16xf32>,
    %swap3A_235 = vector.shape_cast %swap3A_234 : vector<1x16xf32> to vector<16xf32>
    %swap3A_236 = vector.shape_cast %broadcast_in_dim3A_3 : vector<16xf32> to vector<1x16xf32>
    tpu.vector_store %arg12[%swap3A_232, %swap3A_233], %swap3A_236 {strides = array<i32>} : memref<16x64xf32, #tpu.memory_space<vmem>>, vector<1x16xf32>,
    %swap3A_237 = arith.constant 9 : i32
    %swap3A_238 = arith.index_cast %swap3A_237 : i32 to index
    %swap3A_239 = arith.constant 48 : index
    %swap3A_240 = tpu.vector_load %arg12[%swap3A_238, %swap3A_239] {strides = array<i32>} : memref<16x64xf32, #tpu.memory_space<vmem>>, vector<1x16xf32>,
    %swap3A_241 = vector.shape_cast %swap3A_240 : vector<1x16xf32> to vector<16xf32>
    %swap3A_242 = vector.shape_cast %broadcast_in_dim3A_3 : vector<16xf32> to vector<1x16xf32>
    tpu.vector_store %arg12[%swap3A_238, %swap3A_239], %swap3A_242 {strides = array<i32>} : memref<16x64xf32, #tpu.memory_space<vmem>>, vector<1x16xf32>,
    %swap3A_243 = arith.constant 10 : i32
    %swap3A_244 = arith.index_cast %swap3A_243 : i32 to index
    %swap3A_245 = arith.constant 0 : index
    %swap3A_246 = tpu.vector_load %arg12[%swap3A_244, %swap3A_245] {strides = array<i32>} : memref<16x64xf32, #tpu.memory_space<vmem>>, vector<1x16xf32>,
    %swap3A_247 = vector.shape_cast %swap3A_246 : vector<1x16xf32> to vector<16xf32>
    %swap3A_248 = vector.shape_cast %broadcast_in_dim3A_3 : vector<16xf32> to vector<1x16xf32>
    tpu.vector_store %arg12[%swap3A_244, %swap3A_245], %swap3A_248 {strides = array<i32>} : memref<16x64xf32, #tpu.memory_space<vmem>>, vector<1x16xf32>,
    %swap3A_249 = arith.constant 10 : i32
    %swap3A_250 = arith.index_cast %swap3A_249 : i32 to index
    %swap3A_251 = arith.constant 16 : index
    %swap3A_252 = tpu.vector_load %arg12[%swap3A_250, %swap3A_251] {strides = array<i32>} : memref<16x64xf32, #tpu.memory_space<vmem>>, vector<1x16xf32>,
    %swap3A_253 = vector.shape_cast %swap3A_252 : vector<1x16xf32> to vector<16xf32>
    %swap3A_254 = vector.shape_cast %broadcast_in_dim3A_3 : vector<16xf32> to vector<1x16xf32>
    tpu.vector_store %arg12[%swap3A_250, %swap3A_251], %swap3A_254 {strides = array<i32>} : memref<16x64xf32, #tpu.memory_space<vmem>>, vector<1x16xf32>,
    %swap3A_255 = arith.constant 10 : i32
    %swap3A_256 = arith.index_cast %swap3A_255 : i32 to index
    %swap3A_257 = arith.constant 32 : index
    %swap3A_258 = tpu.vector_load %arg12[%swap3A_256, %swap3A_257] {strides = array<i32>} : memref<16x64xf32, #tpu.memory_space<vmem>>, vector<1x16xf32>,
    %swap3A_259 = vector.shape_cast %swap3A_258 : vector<1x16xf32> to vector<16xf32>
    %swap3A_260 = vector.shape_cast %broadcast_in_dim3A_3 : vector<16xf32> to vector<1x16xf32>
    tpu.vector_store %arg12[%swap3A_256, %swap3A_257], %swap3A_260 {strides = array<i32>} : memref<16x64xf32, #tpu.memory_space<vmem>>, vector<1x16xf32>,
    %swap3A_261 = arith.constant 10 : i32
    %swap3A_262 = arith.index_cast %swap3A_261 : i32 to index
    %swap3A_263 = arith.constant 48 : index
    %swap3A_264 = tpu.vector_load %arg12[%swap3A_262, %swap3A_263] {strides = array<i32>} : memref<16x64xf32, #tpu.memory_space<vmem>>, vector<1x16xf32>,
    %swap3A_265 = vector.shape_cast %swap3A_264 : vector<1x16xf32> to vector<16xf32>
    %swap3A_266 = vector.shape_cast %broadcast_in_dim3A_3 : vector<16xf32> to vector<1x16xf32>
    tpu.vector_store %arg12[%swap3A_262, %swap3A_263], %swap3A_266 {strides = array<i32>} : memref<16x64xf32, #tpu.memory_space<vmem>>, vector<1x16xf32>,
    %swap3A_267 = arith.constant 11 : i32
    %swap3A_268 = arith.index_cast %swap3A_267 : i32 to index
    %swap3A_269 = arith.constant 0 : index
    %swap3A_270 = tpu.vector_load %arg12[%swap3A_268, %swap3A_269] {strides = array<i32>} : memref<16x64xf32, #tpu.memory_space<vmem>>, vector<1x16xf32>,
    %swap3A_271 = vector.shape_cast %swap3A_270 : vector<1x16xf32> to vector<16xf32>
    %swap3A_272 = vector.shape_cast %broadcast_in_dim3A_3 : vector<16xf32> to vector<1x16xf32>
    tpu.vector_store %arg12[%swap3A_268, %swap3A_269], %swap3A_272 {strides = array<i32>} : memref<16x64xf32, #tpu.memory_space<vmem>>, vector<1x16xf32>,
    %swap3A_273 = arith.constant 11 : i32
    %swap3A_274 = arith.index_cast %swap3A_273 : i32 to index
    %swap3A_275 = arith.constant 16 : index
    %swap3A_276 = tpu.vector_load %arg12[%swap3A_274, %swap3A_275] {strides = array<i32>} : memref<16x64xf32, #tpu.memory_space<vmem>>, vector<1x16xf32>,
    %swap3A_277 = vector.shape_cast %swap3A_276 : vector<1x16xf32> to vector<16xf32>
    %swap3A_278 = vector.shape_cast %broadcast_in_dim3A_3 : vector<16xf32> to vector<1x16xf32>
    tpu.vector_store %arg12[%swap3A_274, %swap3A_275], %swap3A_278 {strides = array<i32>} : memref<16x64xf32, #tpu.memory_space<vmem>>, vector<1x16xf32>,
    %swap3A_279 = arith.constant 11 : i32
    %swap3A_280 = arith.index_cast %swap3A_279 : i32 to index
    %swap3A_281 = arith.constant 32 : index
    %swap3A_282 = tpu.vector_load %arg12[%swap3A_280, %swap3A_281] {strides = array<i32>} : memref<16x64xf32, #tpu.memory_space<vmem>>, vector<1x16xf32>,
    %swap3A_283 = vector.shape_cast %swap3A_282 : vector<1x16xf32> to vector<16xf32>
    %swap3A_284 = vector.shape_cast %broadcast_in_dim3A_3 : vector<16xf32> to vector<1x16xf32>
    tpu.vector_store %arg12[%swap3A_280, %swap3A_281], %swap3A_284 {strides = array<i32>} : memref<16x64xf32, #tpu.memory_space<vmem>>, vector<1x16xf32>,
    %swap3A_285 = arith.constant 11 : i32
    %swap3A_286 = arith.index_cast %swap3A_285 : i32 to index
    %swap3A_287 = arith.constant 48 : index
    %swap3A_288 = tpu.vector_load %arg12[%swap3A_286, %swap3A_287] {strides = array<i32>} : memref<16x64xf32, #tpu.memory_space<vmem>>, vector<1x16xf32>,
    %swap3A_289 = vector.shape_cast %swap3A_288 : vector<1x16xf32> to vector<16xf32>
    %swap3A_290 = vector.shape_cast %broadcast_in_dim3A_3 : vector<16xf32> to vector<1x16xf32>
    tpu.vector_store %arg12[%swap3A_286, %swap3A_287], %swap3A_290 {strides = array<i32>} : memref<16x64xf32, #tpu.memory_space<vmem>>, vector<1x16xf32>,
    %swap3A_291 = arith.constant 12 : i32
    %swap3A_292 = arith.index_cast %swap3A_291 : i32 to index
    %swap3A_293 = arith.constant 0 : index
    %swap3A_294 = tpu.vector_load %arg12[%swap3A_292, %swap3A_293] {strides = array<i32>} : memref<16x64xf32, #tpu.memory_space<vmem>>, vector<1x16xf32>,
    %swap3A_295 = vector.shape_cast %swap3A_294 : vector<1x16xf32> to vector<16xf32>
    %swap3A_296 = vector.shape_cast %broadcast_in_dim3A_3 : vector<16xf32> to vector<1x16xf32>
    tpu.vector_store %arg12[%swap3A_292, %swap3A_293], %swap3A_296 {strides = array<i32>} : memref<16x64xf32, #tpu.memory_space<vmem>>, vector<1x16xf32>,
    %swap3A_297 = arith.constant 12 : i32
    %swap3A_298 = arith.index_cast %swap3A_297 : i32 to index
    %swap3A_299 = arith.constant 16 : index
    %swap3A_300 = tpu.vector_load %arg12[%swap3A_298, %swap3A_299] {strides = array<i32>} : memref<16x64xf32, #tpu.memory_space<vmem>>, vector<1x16xf32>,
    %swap3A_301 = vector.shape_cast %swap3A_300 : vector<1x16xf32> to vector<16xf32>
    %swap3A_302 = vector.shape_cast %broadcast_in_dim3A_3 : vector<16xf32> to vector<1x16xf32>
    tpu.vector_store %arg12[%swap3A_298, %swap3A_299], %swap3A_302 {strides = array<i32>} : memref<16x64xf32, #tpu.memory_space<vmem>>, vector<1x16xf32>,
    %swap3A_303 = arith.constant 12 : i32
    %swap3A_304 = arith.index_cast %swap3A_303 : i32 to index
    %swap3A_305 = arith.constant 32 : index
    %swap3A_306 = tpu.vector_load %arg12[%swap3A_304, %swap3A_305] {strides = array<i32>} : memref<16x64xf32, #tpu.memory_space<vmem>>, vector<1x16xf32>,
    %swap3A_307 = vector.shape_cast %swap3A_306 : vector<1x16xf32> to vector<16xf32>
    %swap3A_308 = vector.shape_cast %broadcast_in_dim3A_3 : vector<16xf32> to vector<1x16xf32>
    tpu.vector_store %arg12[%swap3A_304, %swap3A_305], %swap3A_308 {strides = array<i32>} : memref<16x64xf32, #tpu.memory_space<vmem>>, vector<1x16xf32>,
    %swap3A_309 = arith.constant 12 : i32
    %swap3A_310 = arith.index_cast %swap3A_309 : i32 to index
    %swap3A_311 = arith.constant 48 : index
    %swap3A_312 = tpu.vector_load %arg12[%swap3A_310, %swap3A_311] {strides = array<i32>} : memref<16x64xf32, #tpu.memory_space<vmem>>, vector<1x16xf32>,
    %swap3A_313 = vector.shape_cast %swap3A_312 : vector<1x16xf32> to vector<16xf32>
    %swap3A_314 = vector.shape_cast %broadcast_in_dim3A_3 : vector<16xf32> to vector<1x16xf32>
    tpu.vector_store %arg12[%swap3A_310, %swap3A_311], %swap3A_314 {strides = array<i32>} : memref<16x64xf32, #tpu.memory_space<vmem>>, vector<1x16xf32>,
    %swap3A_315 = arith.constant 13 : i32
    %swap3A_316 = arith.index_cast %swap3A_315 : i32 to index
    %swap3A_317 = arith.constant 0 : index
    %swap3A_318 = tpu.vector_load %arg12[%swap3A_316, %swap3A_317] {strides = array<i32>} : memref<16x64xf32, #tpu.memory_space<vmem>>, vector<1x16xf32>,
    %swap3A_319 = vector.shape_cast %swap3A_318 : vector<1x16xf32> to vector<16xf32>
    %swap3A_320 = vector.shape_cast %broadcast_in_dim3A_3 : vector<16xf32> to vector<1x16xf32>
    tpu.vector_store %arg12[%swap3A_316, %swap3A_317], %swap3A_320 {strides = array<i32>} : memref<16x64xf32, #tpu.memory_space<vmem>>, vector<1x16xf32>,
    %swap3A_321 = arith.constant 13 : i32
    %swap3A_322 = arith.index_cast %swap3A_321 : i32 to index
    %swap3A_323 = arith.constant 16 : index
    %swap3A_324 = tpu.vector_load %arg12[%swap3A_322, %swap3A_323] {strides = array<i32>} : memref<16x64xf32, #tpu.memory_space<vmem>>, vector<1x16xf32>,
    %swap3A_325 = vector.shape_cast %swap3A_324 : vector<1x16xf32> to vector<16xf32>
    %swap3A_326 = vector.shape_cast %broadcast_in_dim3A_3 : vector<16xf32> to vector<1x16xf32>
    tpu.vector_store %arg12[%swap3A_322, %swap3A_323], %swap3A_326 {strides = array<i32>} : memref<16x64xf32, #tpu.memory_space<vmem>>, vector<1x16xf32>,
    %swap3A_327 = arith.constant 13 : i32
    %swap3A_328 = arith.index_cast %swap3A_327 : i32 to index
    %swap3A_329 = arith.constant 32 : index
    %swap3A_330 = tpu.vector_load %arg12[%swap3A_328, %swap3A_329] {strides = array<i32>} : memref<16x64xf32, #tpu.memory_space<vmem>>, vector<1x16xf32>,
    %swap3A_331 = vector.shape_cast %swap3A_330 : vector<1x16xf32> to vector<16xf32>
    %swap3A_332 = vector.shape_cast %broadcast_in_dim3A_3 : vector<16xf32> to vector<1x16xf32>
    tpu.vector_store %arg12[%swap3A_328, %swap3A_329], %swap3A_332 {strides = array<i32>} : memref<16x64xf32, #tpu.memory_space<vmem>>, vector<1x16xf32>,
    %swap3A_333 = arith.constant 13 : i32
    %swap3A_334 = arith.index_cast %swap3A_333 : i32 to index
    %swap3A_335 = arith.constant 48 : index
    %swap3A_336 = tpu.vector_load %arg12[%swap3A_334, %swap3A_335] {strides = array<i32>} : memref<16x64xf32, #tpu.memory_space<vmem>>, vector<1x16xf32>,
    %swap3A_337 = vector.shape_cast %swap3A_336 : vector<1x16xf32> to vector<16xf32>
    %swap3A_338 = vector.shape_cast %broadcast_in_dim3A_3 : vector<16xf32> to vector<1x16xf32>
    tpu.vector_store %arg12[%swap3A_334, %swap3A_335], %swap3A_338 {strides = array<i32>} : memref<16x64xf32, #tpu.memory_space<vmem>>, vector<1x16xf32>,
    %swap3A_339 = arith.constant 14 : i32
    %swap3A_340 = arith.index_cast %swap3A_339 : i32 to index
    %swap3A_341 = arith.constant 0 : index
    %swap3A_342 = tpu.vector_load %arg12[%swap3A_340, %swap3A_341] {strides = array<i32>} : memref<16x64xf32, #tpu.memory_space<vmem>>, vector<1x16xf32>,
    %swap3A_343 = vector.shape_cast %swap3A_342 : vector<1x16xf32> to vector<16xf32>
    %swap3A_344 = vector.shape_cast %broadcast_in_dim3A_3 : vector<16xf32> to vector<1x16xf32>
    tpu.vector_store %arg12[%swap3A_340, %swap3A_341], %swap3A_344 {strides = array<i32>} : memref<16x64xf32, #tpu.memory_space<vmem>>, vector<1x16xf32>,
    %swap3A_345 = arith.constant 14 : i32
    %swap3A_346 = arith.index_cast %swap3A_345 : i32 to index
    %swap3A_347 = arith.constant 16 : index
    %swap3A_348 = tpu.vector_load %arg12[%swap3A_346, %swap3A_347] {strides = array<i32>} : memref<16x64xf32, #tpu.memory_space<vmem>>, vector<1x16xf32>,
    %swap3A_349 = vector.shape_cast %swap3A_348 : vector<1x16xf32> to vector<16xf32>
    %swap3A_350 = vector.shape_cast %broadcast_in_dim3A_3 : vector<16xf32> to vector<1x16xf32>
    tpu.vector_store %arg12[%swap3A_346, %swap3A_347], %swap3A_350 {strides = array<i32>} : memref<16x64xf32, #tpu.memory_space<vmem>>, vector<1x16xf32>,
    %swap3A_351 = arith.constant 14 : i32
    %swap3A_352 = arith.index_cast %swap3A_351 : i32 to index
    %swap3A_353 = arith.constant 32 : index
    %swap3A_354 = tpu.vector_load %arg12[%swap3A_352, %swap3A_353] {strides = array<i32>} : memref<16x64xf32, #tpu.memory_space<vmem>>, vector<1x16xf32>,
    %swap3A_355 = vector.shape_cast %swap3A_354 : vector<1x16xf32> to vector<16xf32>
    %swap3A_356 = vector.shape_cast %broadcast_in_dim3A_3 : vector<16xf32> to vector<1x16xf32>
    tpu.vector_store %arg12[%swap3A_352, %swap3A_353], %swap3A_356 {strides = array<i32>} : memref<16x64xf32, #tpu.memory_space<vmem>>, vector<1x16xf32>,
    %swap3A_357 = arith.constant 14 : i32
    %swap3A_358 = arith.index_cast %swap3A_357 : i32 to index
    %swap3A_359 = arith.constant 48 : index
    %swap3A_360 = tpu.vector_load %arg12[%swap3A_358, %swap3A_359] {strides = array<i32>} : memref<16x64xf32, #tpu.memory_space<vmem>>, vector<1x16xf32>,
    %swap3A_361 = vector.shape_cast %swap3A_360 : vector<1x16xf32> to vector<16xf32>
    %swap3A_362 = vector.shape_cast %broadcast_in_dim3A_3 : vector<16xf32> to vector<1x16xf32>
    tpu.vector_store %arg12[%swap3A_358, %swap3A_359], %swap3A_362 {strides = array<i32>} : memref<16x64xf32, #tpu.memory_space<vmem>>, vector<1x16xf32>,
    %swap3A_363 = arith.constant 15 : i32
    %swap3A_364 = arith.index_cast %swap3A_363 : i32 to index
    %swap3A_365 = arith.constant 0 : index
    %swap3A_366 = tpu.vector_load %arg12[%swap3A_364, %swap3A_365] {strides = array<i32>} : memref<16x64xf32, #tpu.memory_space<vmem>>, vector<1x16xf32>,
    %swap3A_367 = vector.shape_cast %swap3A_366 : vector<1x16xf32> to vector<16xf32>
    %swap3A_368 = vector.shape_cast %broadcast_in_dim3A_3 : vector<16xf32> to vector<1x16xf32>
    tpu.vector_store %arg12[%swap3A_364, %swap3A_365], %swap3A_368 {strides = array<i32>} : memref<16x64xf32, #tpu.memory_space<vmem>>, vector<1x16xf32>,
    %swap3A_369 = arith.constant 15 : i32
    %swap3A_370 = arith.index_cast %swap3A_369 : i32 to index
    %swap3A_371 = arith.constant 16 : index
    %swap3A_372 = tpu.vector_load %arg12[%swap3A_370, %swap3A_371] {strides = array<i32>} : memref<16x64xf32, #tpu.memory_space<vmem>>, vector<1x16xf32>,
    %swap3A_373 = vector.shape_cast %swap3A_372 : vector<1x16xf32> to vector<16xf32>
    %swap3A_374 = vector.shape_cast %broadcast_in_dim3A_3 : vector<16xf32> to vector<1x16xf32>
    tpu.vector_store %arg12[%swap3A_370, %swap3A_371], %swap3A_374 {strides = array<i32>} : memref<16x64xf32, #tpu.memory_space<vmem>>, vector<1x16xf32>,
    %swap3A_375 = arith.constant 15 : i32
    %swap3A_376 = arith.index_cast %swap3A_375 : i32 to index
    %swap3A_377 = arith.constant 32 : index
    %swap3A_378 = tpu.vector_load %arg12[%swap3A_376, %swap3A_377] {strides = array<i32>} : memref<16x64xf32, #tpu.memory_space<vmem>>, vector<1x16xf32>,
    %swap3A_379 = vector.shape_cast %swap3A_378 : vector<1x16xf32> to vector<16xf32>
    %swap3A_380 = vector.shape_cast %broadcast_in_dim3A_3 : vector<16xf32> to vector<1x16xf32>
    tpu.vector_store %arg12[%swap3A_376, %swap3A_377], %swap3A_380 {strides = array<i32>} : memref<16x64xf32, #tpu.memory_space<vmem>>, vector<1x16xf32>,
    %swap3A_381 = arith.constant 15 : i32
    %swap3A_382 = arith.index_cast %swap3A_381 : i32 to index
    %swap3A_383 = arith.constant 48 : index
    %swap3A_384 = tpu.vector_load %arg12[%swap3A_382, %swap3A_383] {strides = array<i32>} : memref<16x64xf32, #tpu.memory_space<vmem>>, vector<1x16xf32>,
    %swap3A_385 = vector.shape_cast %swap3A_384 : vector<1x16xf32> to vector<16xf32>
    %swap3A_386 = vector.shape_cast %broadcast_in_dim3A_3 : vector<16xf32> to vector<1x16xf32>
    tpu.vector_store %arg12[%swap3A_382, %swap3A_383], %swap3A_386 {strides = array<i32>} : memref<16x64xf32, #tpu.memory_space<vmem>>, vector<1x16xf32>,
    %add3A = arith.constant 0 : i32
    %add3A_387 = arith.addi %mul3A_0, %add3A : i32
    "tpu.region"() ({
      %run_scoped3A = tpu.sem_alloc : memref<!tpu.dma_semaphore, #tpu.memory_space<semaphore_mem>>
      %dma_start3A = arith.constant 0 : i32
      %dma_start3A_481 = tpu.memref_slice %arg8[%add3A_387, %dma_start3A] : memref<10240x64xf32, #tpu.memory_space<vmem_shared>> -> memref<16x64xf32, #tpu.memory_space<vmem_shared>>
      %dma_start3A_482 = arith.constant 0 : i32
      %dma_start3A_483 = tpu.memref_slice %arg8[%add3A_387, %dma_start3A_482] : memref<10240x64xf32, #tpu.memory_space<vmem_shared>> -> memref<16x64xf32, #tpu.memory_space<vmem_shared>>
      tpu.enqueue_dma source(%arg12 : memref<16x64xf32, #tpu.memory_space<vmem>>) target(%dma_start3A_483 : memref<16x64xf32, #tpu.memory_space<vmem_shared>>) target_semaphore(%run_scoped3A : memref<!tpu.dma_semaphore, #tpu.memory_space<semaphore_mem>>)
      %dma_wait3A = arith.constant 0 : i32
      %dma_wait3A_484 = tpu.memref_slice %arg8[%add3A_387, %dma_wait3A] : memref<10240x64xf32, #tpu.memory_space<vmem_shared>> -> memref<16x64xf32, #tpu.memory_space<vmem_shared>>
      %dma_wait3A_485 = arith.constant 0 : i32
      %dma_wait3A_486 = tpu.memref_slice %arg8[%add3A_387, %dma_wait3A_485] : memref<10240x64xf32, #tpu.memory_space<vmem_shared>> -> memref<16x64xf32, #tpu.memory_space<vmem_shared>>
      tpu.wait_dma2 semaphore(%run_scoped3A : memref<!tpu.dma_semaphore, #tpu.memory_space<semaphore_mem>>) src(%arg12 : memref<16x64xf32, #tpu.memory_space<vmem>>) dst(%dma_wait3A_486 : memref<16x64xf32, #tpu.memory_space<vmem_shared>>)
      tpu.yield
    }) : () -> ()
    %add3A_388 = arith.constant 16 : i32
    %add3A_389 = arith.addi %mul3A_0, %add3A_388 : i32
    "tpu.region"() ({
      %run_scoped3A = tpu.sem_alloc : memref<!tpu.dma_semaphore, #tpu.memory_space<semaphore_mem>>
      %dma_start3A = arith.constant 0 : i32
      %dma_start3A_481 = tpu.memref_slice %arg8[%add3A_389, %dma_start3A] : memref<10240x64xf32, #tpu.memory_space<vmem_shared>> -> memref<16x64xf32, #tpu.memory_space<vmem_shared>>
      %dma_start3A_482 = arith.constant 0 : i32
      %dma_start3A_483 = tpu.memref_slice %arg8[%add3A_389, %dma_start3A_482] : memref<10240x64xf32, #tpu.memory_space<vmem_shared>> -> memref<16x64xf32, #tpu.memory_space<vmem_shared>>
      tpu.enqueue_dma source(%arg12 : memref<16x64xf32, #tpu.memory_space<vmem>>) target(%dma_start3A_483 : memref<16x64xf32, #tpu.memory_space<vmem_shared>>) target_semaphore(%run_scoped3A : memref<!tpu.dma_semaphore, #tpu.memory_space<semaphore_mem>>)
      %dma_wait3A = arith.constant 0 : i32
      %dma_wait3A_484 = tpu.memref_slice %arg8[%add3A_389, %dma_wait3A] : memref<10240x64xf32, #tpu.memory_space<vmem_shared>> -> memref<16x64xf32, #tpu.memory_space<vmem_shared>>
      %dma_wait3A_485 = arith.constant 0 : i32
      %dma_wait3A_486 = tpu.memref_slice %arg8[%add3A_389, %dma_wait3A_485] : memref<10240x64xf32, #tpu.memory_space<vmem_shared>> -> memref<16x64xf32, #tpu.memory_space<vmem_shared>>
      tpu.wait_dma2 semaphore(%run_scoped3A : memref<!tpu.dma_semaphore, #tpu.memory_space<semaphore_mem>>) src(%arg12 : memref<16x64xf32, #tpu.memory_space<vmem>>) dst(%dma_wait3A_486 : memref<16x64xf32, #tpu.memory_space<vmem_shared>>)
      tpu.yield
    }) : () -> ()
    %add3A_390 = arith.constant 32 : i32
    %add3A_391 = arith.addi %mul3A_0, %add3A_390 : i32
    "tpu.region"() ({
      %run_scoped3A = tpu.sem_alloc : memref<!tpu.dma_semaphore, #tpu.memory_space<semaphore_mem>>
      %dma_start3A = arith.constant 0 : i32
      %dma_start3A_481 = tpu.memref_slice %arg8[%add3A_391, %dma_start3A] : memref<10240x64xf32, #tpu.memory_space<vmem_shared>> -> memref<16x64xf32, #tpu.memory_space<vmem_shared>>
      %dma_start3A_482 = arith.constant 0 : i32
      %dma_start3A_483 = tpu.memref_slice %arg8[%add3A_391, %dma_start3A_482] : memref<10240x64xf32, #tpu.memory_space<vmem_shared>> -> memref<16x64xf32, #tpu.memory_space<vmem_shared>>
      tpu.enqueue_dma source(%arg12 : memref<16x64xf32, #tpu.memory_space<vmem>>) target(%dma_start3A_483 : memref<16x64xf32, #tpu.memory_space<vmem_shared>>) target_semaphore(%run_scoped3A : memref<!tpu.dma_semaphore, #tpu.memory_space<semaphore_mem>>)
      %dma_wait3A = arith.constant 0 : i32
      %dma_wait3A_484 = tpu.memref_slice %arg8[%add3A_391, %dma_wait3A] : memref<10240x64xf32, #tpu.memory_space<vmem_shared>> -> memref<16x64xf32, #tpu.memory_space<vmem_shared>>
      %dma_wait3A_485 = arith.constant 0 : i32
      %dma_wait3A_486 = tpu.memref_slice %arg8[%add3A_391, %dma_wait3A_485] : memref<10240x64xf32, #tpu.memory_space<vmem_shared>> -> memref<16x64xf32, #tpu.memory_space<vmem_shared>>
      tpu.wait_dma2 semaphore(%run_scoped3A : memref<!tpu.dma_semaphore, #tpu.memory_space<semaphore_mem>>) src(%arg12 : memref<16x64xf32, #tpu.memory_space<vmem>>) dst(%dma_wait3A_486 : memref<16x64xf32, #tpu.memory_space<vmem_shared>>)
      tpu.yield
    }) : () -> ()
    %add3A_392 = arith.constant 48 : i32
    %add3A_393 = arith.addi %mul3A_0, %add3A_392 : i32
    "tpu.region"() ({
      %run_scoped3A = tpu.sem_alloc : memref<!tpu.dma_semaphore, #tpu.memory_space<semaphore_mem>>
      %dma_start3A = arith.constant 0 : i32
      %dma_start3A_481 = tpu.memref_slice %arg8[%add3A_393, %dma_start3A] : memref<10240x64xf32, #tpu.memory_space<vmem_shared>> -> memref<16x64xf32, #tpu.memory_space<vmem_shared>>
      %dma_start3A_482 = arith.constant 0 : i32
      %dma_start3A_483 = tpu.memref_slice %arg8[%add3A_393, %dma_start3A_482] : memref<10240x64xf32, #tpu.memory_space<vmem_shared>> -> memref<16x64xf32, #tpu.memory_space<vmem_shared>>
      tpu.enqueue_dma source(%arg12 : memref<16x64xf32, #tpu.memory_space<vmem>>) target(%dma_start3A_483 : memref<16x64xf32, #tpu.memory_space<vmem_shared>>) target_semaphore(%run_scoped3A : memref<!tpu.dma_semaphore, #tpu.memory_space<semaphore_mem>>)
      %dma_wait3A = arith.constant 0 : i32
      %dma_wait3A_484 = tpu.memref_slice %arg8[%add3A_393, %dma_wait3A] : memref<10240x64xf32, #tpu.memory_space<vmem_shared>> -> memref<16x64xf32, #tpu.memory_space<vmem_shared>>
      %dma_wait3A_485 = arith.constant 0 : i32
      %dma_wait3A_486 = tpu.memref_slice %arg8[%add3A_393, %dma_wait3A_485] : memref<10240x64xf32, #tpu.memory_space<vmem_shared>> -> memref<16x64xf32, #tpu.memory_space<vmem_shared>>
      tpu.wait_dma2 semaphore(%run_scoped3A : memref<!tpu.dma_semaphore, #tpu.memory_space<semaphore_mem>>) src(%arg12 : memref<16x64xf32, #tpu.memory_space<vmem>>) dst(%dma_wait3A_486 : memref<16x64xf32, #tpu.memory_space<vmem_shared>>)
      tpu.yield
    }) : () -> ()
    %add3A_394 = arith.constant 64 : i32
    %add3A_395 = arith.addi %mul3A_0, %add3A_394 : i32
    "tpu.region"() ({
      %run_scoped3A = tpu.sem_alloc : memref<!tpu.dma_semaphore, #tpu.memory_space<semaphore_mem>>
      %dma_start3A = arith.constant 0 : i32
      %dma_start3A_481 = tpu.memref_slice %arg8[%add3A_395, %dma_start3A] : memref<10240x64xf32, #tpu.memory_space<vmem_shared>> -> memref<16x64xf32, #tpu.memory_space<vmem_shared>>
      %dma_start3A_482 = arith.constant 0 : i32
      %dma_start3A_483 = tpu.memref_slice %arg8[%add3A_395, %dma_start3A_482] : memref<10240x64xf32, #tpu.memory_space<vmem_shared>> -> memref<16x64xf32, #tpu.memory_space<vmem_shared>>
      tpu.enqueue_dma source(%arg12 : memref<16x64xf32, #tpu.memory_space<vmem>>) target(%dma_start3A_483 : memref<16x64xf32, #tpu.memory_space<vmem_shared>>) target_semaphore(%run_scoped3A : memref<!tpu.dma_semaphore, #tpu.memory_space<semaphore_mem>>)
      %dma_wait3A = arith.constant 0 : i32
      %dma_wait3A_484 = tpu.memref_slice %arg8[%add3A_395, %dma_wait3A] : memref<10240x64xf32, #tpu.memory_space<vmem_shared>> -> memref<16x64xf32, #tpu.memory_space<vmem_shared>>
      %dma_wait3A_485 = arith.constant 0 : i32
      %dma_wait3A_486 = tpu.memref_slice %arg8[%add3A_395, %dma_wait3A_485] : memref<10240x64xf32, #tpu.memory_space<vmem_shared>> -> memref<16x64xf32, #tpu.memory_space<vmem_shared>>
      tpu.wait_dma2 semaphore(%run_scoped3A : memref<!tpu.dma_semaphore, #tpu.memory_space<semaphore_mem>>) src(%arg12 : memref<16x64xf32, #tpu.memory_space<vmem>>) dst(%dma_wait3A_486 : memref<16x64xf32, #tpu.memory_space<vmem_shared>>)
      tpu.yield
    }) : () -> ()
    %add3A_396 = arith.constant 80 : i32
    %add3A_397 = arith.addi %mul3A_0, %add3A_396 : i32
    "tpu.region"() ({
      %run_scoped3A = tpu.sem_alloc : memref<!tpu.dma_semaphore, #tpu.memory_space<semaphore_mem>>
      %dma_start3A = arith.constant 0 : i32
      %dma_start3A_481 = tpu.memref_slice %arg8[%add3A_397, %dma_start3A] : memref<10240x64xf32, #tpu.memory_space<vmem_shared>> -> memref<16x64xf32, #tpu.memory_space<vmem_shared>>
      %dma_start3A_482 = arith.constant 0 : i32
      %dma_start3A_483 = tpu.memref_slice %arg8[%add3A_397, %dma_start3A_482] : memref<10240x64xf32, #tpu.memory_space<vmem_shared>> -> memref<16x64xf32, #tpu.memory_space<vmem_shared>>
      tpu.enqueue_dma source(%arg12 : memref<16x64xf32, #tpu.memory_space<vmem>>) target(%dma_start3A_483 : memref<16x64xf32, #tpu.memory_space<vmem_shared>>) target_semaphore(%run_scoped3A : memref<!tpu.dma_semaphore, #tpu.memory_space<semaphore_mem>>)
      %dma_wait3A = arith.constant 0 : i32
      %dma_wait3A_484 = tpu.memref_slice %arg8[%add3A_397, %dma_wait3A] : memref<10240x64xf32, #tpu.memory_space<vmem_shared>> -> memref<16x64xf32, #tpu.memory_space<vmem_shared>>
      %dma_wait3A_485 = arith.constant 0 : i32
      %dma_wait3A_486 = tpu.memref_slice %arg8[%add3A_397, %dma_wait3A_485] : memref<10240x64xf32, #tpu.memory_space<vmem_shared>> -> memref<16x64xf32, #tpu.memory_space<vmem_shared>>
      tpu.wait_dma2 semaphore(%run_scoped3A : memref<!tpu.dma_semaphore, #tpu.memory_space<semaphore_mem>>) src(%arg12 : memref<16x64xf32, #tpu.memory_space<vmem>>) dst(%dma_wait3A_486 : memref<16x64xf32, #tpu.memory_space<vmem_shared>>)
      tpu.yield
    }) : () -> ()
    %add3A_398 = arith.constant 96 : i32
    %add3A_399 = arith.addi %mul3A_0, %add3A_398 : i32
    "tpu.region"() ({
      %run_scoped3A = tpu.sem_alloc : memref<!tpu.dma_semaphore, #tpu.memory_space<semaphore_mem>>
      %dma_start3A = arith.constant 0 : i32
      %dma_start3A_481 = tpu.memref_slice %arg8[%add3A_399, %dma_start3A] : memref<10240x64xf32, #tpu.memory_space<vmem_shared>> -> memref<16x64xf32, #tpu.memory_space<vmem_shared>>
      %dma_start3A_482 = arith.constant 0 : i32
      %dma_start3A_483 = tpu.memref_slice %arg8[%add3A_399, %dma_start3A_482] : memref<10240x64xf32, #tpu.memory_space<vmem_shared>> -> memref<16x64xf32, #tpu.memory_space<vmem_shared>>
      tpu.enqueue_dma source(%arg12 : memref<16x64xf32, #tpu.memory_space<vmem>>) target(%dma_start3A_483 : memref<16x64xf32, #tpu.memory_space<vmem_shared>>) target_semaphore(%run_scoped3A : memref<!tpu.dma_semaphore, #tpu.memory_space<semaphore_mem>>)
      %dma_wait3A = arith.constant 0 : i32
      %dma_wait3A_484 = tpu.memref_slice %arg8[%add3A_399, %dma_wait3A] : memref<10240x64xf32, #tpu.memory_space<vmem_shared>> -> memref<16x64xf32, #tpu.memory_space<vmem_shared>>
      %dma_wait3A_485 = arith.constant 0 : i32
      %dma_wait3A_486 = tpu.memref_slice %arg8[%add3A_399, %dma_wait3A_485] : memref<10240x64xf32, #tpu.memory_space<vmem_shared>> -> memref<16x64xf32, #tpu.memory_space<vmem_shared>>
      tpu.wait_dma2 semaphore(%run_scoped3A : memref<!tpu.dma_semaphore, #tpu.memory_space<semaphore_mem>>) src(%arg12 : memref<16x64xf32, #tpu.memory_space<vmem>>) dst(%dma_wait3A_486 : memref<16x64xf32, #tpu.memory_space<vmem_shared>>)
      tpu.yield
    }) : () -> ()
    %add3A_400 = arith.constant 112 : i32
    %add3A_401 = arith.addi %mul3A_0, %add3A_400 : i32
    "tpu.region"() ({
      %run_scoped3A = tpu.sem_alloc : memref<!tpu.dma_semaphore, #tpu.memory_space<semaphore_mem>>
      %dma_start3A = arith.constant 0 : i32
      %dma_start3A_481 = tpu.memref_slice %arg8[%add3A_401, %dma_start3A] : memref<10240x64xf32, #tpu.memory_space<vmem_shared>> -> memref<16x64xf32, #tpu.memory_space<vmem_shared>>
      %dma_start3A_482 = arith.constant 0 : i32
      %dma_start3A_483 = tpu.memref_slice %arg8[%add3A_401, %dma_start3A_482] : memref<10240x64xf32, #tpu.memory_space<vmem_shared>> -> memref<16x64xf32, #tpu.memory_space<vmem_shared>>
      tpu.enqueue_dma source(%arg12 : memref<16x64xf32, #tpu.memory_space<vmem>>) target(%dma_start3A_483 : memref<16x64xf32, #tpu.memory_space<vmem_shared>>) target_semaphore(%run_scoped3A : memref<!tpu.dma_semaphore, #tpu.memory_space<semaphore_mem>>)
      %dma_wait3A = arith.constant 0 : i32
      %dma_wait3A_484 = tpu.memref_slice %arg8[%add3A_401, %dma_wait3A] : memref<10240x64xf32, #tpu.memory_space<vmem_shared>> -> memref<16x64xf32, #tpu.memory_space<vmem_shared>>
      %dma_wait3A_485 = arith.constant 0 : i32
      %dma_wait3A_486 = tpu.memref_slice %arg8[%add3A_401, %dma_wait3A_485] : memref<10240x64xf32, #tpu.memory_space<vmem_shared>> -> memref<16x64xf32, #tpu.memory_space<vmem_shared>>
      tpu.wait_dma2 semaphore(%run_scoped3A : memref<!tpu.dma_semaphore, #tpu.memory_space<semaphore_mem>>) src(%arg12 : memref<16x64xf32, #tpu.memory_space<vmem>>) dst(%dma_wait3A_486 : memref<16x64xf32, #tpu.memory_space<vmem_shared>>)
      tpu.yield
    }) : () -> ()
    %add3A_402 = arith.constant 128 : i32
    %add3A_403 = arith.addi %mul3A_0, %add3A_402 : i32
    "tpu.region"() ({
      %run_scoped3A = tpu.sem_alloc : memref<!tpu.dma_semaphore, #tpu.memory_space<semaphore_mem>>
      %dma_start3A = arith.constant 0 : i32
      %dma_start3A_481 = tpu.memref_slice %arg8[%add3A_403, %dma_start3A] : memref<10240x64xf32, #tpu.memory_space<vmem_shared>> -> memref<16x64xf32, #tpu.memory_space<vmem_shared>>
      %dma_start3A_482 = arith.constant 0 : i32
      %dma_start3A_483 = tpu.memref_slice %arg8[%add3A_403, %dma_start3A_482] : memref<10240x64xf32, #tpu.memory_space<vmem_shared>> -> memref<16x64xf32, #tpu.memory_space<vmem_shared>>
      tpu.enqueue_dma source(%arg12 : memref<16x64xf32, #tpu.memory_space<vmem>>) target(%dma_start3A_483 : memref<16x64xf32, #tpu.memory_space<vmem_shared>>) target_semaphore(%run_scoped3A : memref<!tpu.dma_semaphore, #tpu.memory_space<semaphore_mem>>)
      %dma_wait3A = arith.constant 0 : i32
      %dma_wait3A_484 = tpu.memref_slice %arg8[%add3A_403, %dma_wait3A] : memref<10240x64xf32, #tpu.memory_space<vmem_shared>> -> memref<16x64xf32, #tpu.memory_space<vmem_shared>>
      %dma_wait3A_485 = arith.constant 0 : i32
      %dma_wait3A_486 = tpu.memref_slice %arg8[%add3A_403, %dma_wait3A_485] : memref<10240x64xf32, #tpu.memory_space<vmem_shared>> -> memref<16x64xf32, #tpu.memory_space<vmem_shared>>
      tpu.wait_dma2 semaphore(%run_scoped3A : memref<!tpu.dma_semaphore, #tpu.memory_space<semaphore_mem>>) src(%arg12 : memref<16x64xf32, #tpu.memory_space<vmem>>) dst(%dma_wait3A_486 : memref<16x64xf32, #tpu.memory_space<vmem_shared>>)
      tpu.yield
    }) : () -> ()
    %add3A_404 = arith.constant 144 : i32
    %add3A_405 = arith.addi %mul3A_0, %add3A_404 : i32
    "tpu.region"() ({
      %run_scoped3A = tpu.sem_alloc : memref<!tpu.dma_semaphore, #tpu.memory_space<semaphore_mem>>
      %dma_start3A = arith.constant 0 : i32
      %dma_start3A_481 = tpu.memref_slice %arg8[%add3A_405, %dma_start3A] : memref<10240x64xf32, #tpu.memory_space<vmem_shared>> -> memref<16x64xf32, #tpu.memory_space<vmem_shared>>
      %dma_start3A_482 = arith.constant 0 : i32
      %dma_start3A_483 = tpu.memref_slice %arg8[%add3A_405, %dma_start3A_482] : memref<10240x64xf32, #tpu.memory_space<vmem_shared>> -> memref<16x64xf32, #tpu.memory_space<vmem_shared>>
      tpu.enqueue_dma source(%arg12 : memref<16x64xf32, #tpu.memory_space<vmem>>) target(%dma_start3A_483 : memref<16x64xf32, #tpu.memory_space<vmem_shared>>) target_semaphore(%run_scoped3A : memref<!tpu.dma_semaphore, #tpu.memory_space<semaphore_mem>>)
      %dma_wait3A = arith.constant 0 : i32
      %dma_wait3A_484 = tpu.memref_slice %arg8[%add3A_405, %dma_wait3A] : memref<10240x64xf32, #tpu.memory_space<vmem_shared>> -> memref<16x64xf32, #tpu.memory_space<vmem_shared>>
      %dma_wait3A_485 = arith.constant 0 : i32
      %dma_wait3A_486 = tpu.memref_slice %arg8[%add3A_405, %dma_wait3A_485] : memref<10240x64xf32, #tpu.memory_space<vmem_shared>> -> memref<16x64xf32, #tpu.memory_space<vmem_shared>>
      tpu.wait_dma2 semaphore(%run_scoped3A : memref<!tpu.dma_semaphore, #tpu.memory_space<semaphore_mem>>) src(%arg12 : memref<16x64xf32, #tpu.memory_space<vmem>>) dst(%dma_wait3A_486 : memref<16x64xf32, #tpu.memory_space<vmem_shared>>)
      tpu.yield
    }) : () -> ()
    %add3A_406 = arith.constant 160 : i32
    %add3A_407 = arith.addi %mul3A_0, %add3A_406 : i32
    "tpu.region"() ({
      %run_scoped3A = tpu.sem_alloc : memref<!tpu.dma_semaphore, #tpu.memory_space<semaphore_mem>>
      %dma_start3A = arith.constant 0 : i32
      %dma_start3A_481 = tpu.memref_slice %arg8[%add3A_407, %dma_start3A] : memref<10240x64xf32, #tpu.memory_space<vmem_shared>> -> memref<16x64xf32, #tpu.memory_space<vmem_shared>>
      %dma_start3A_482 = arith.constant 0 : i32
      %dma_start3A_483 = tpu.memref_slice %arg8[%add3A_407, %dma_start3A_482] : memref<10240x64xf32, #tpu.memory_space<vmem_shared>> -> memref<16x64xf32, #tpu.memory_space<vmem_shared>>
      tpu.enqueue_dma source(%arg12 : memref<16x64xf32, #tpu.memory_space<vmem>>) target(%dma_start3A_483 : memref<16x64xf32, #tpu.memory_space<vmem_shared>>) target_semaphore(%run_scoped3A : memref<!tpu.dma_semaphore, #tpu.memory_space<semaphore_mem>>)
      %dma_wait3A = arith.constant 0 : i32
      %dma_wait3A_484 = tpu.memref_slice %arg8[%add3A_407, %dma_wait3A] : memref<10240x64xf32, #tpu.memory_space<vmem_shared>> -> memref<16x64xf32, #tpu.memory_space<vmem_shared>>
      %dma_wait3A_485 = arith.constant 0 : i32
      %dma_wait3A_486 = tpu.memref_slice %arg8[%add3A_407, %dma_wait3A_485] : memref<10240x64xf32, #tpu.memory_space<vmem_shared>> -> memref<16x64xf32, #tpu.memory_space<vmem_shared>>
      tpu.wait_dma2 semaphore(%run_scoped3A : memref<!tpu.dma_semaphore, #tpu.memory_space<semaphore_mem>>) src(%arg12 : memref<16x64xf32, #tpu.memory_space<vmem>>) dst(%dma_wait3A_486 : memref<16x64xf32, #tpu.memory_space<vmem_shared>>)
      tpu.yield
    }) : () -> ()
    %add3A_408 = arith.constant 176 : i32
    %add3A_409 = arith.addi %mul3A_0, %add3A_408 : i32
    "tpu.region"() ({
      %run_scoped3A = tpu.sem_alloc : memref<!tpu.dma_semaphore, #tpu.memory_space<semaphore_mem>>
      %dma_start3A = arith.constant 0 : i32
      %dma_start3A_481 = tpu.memref_slice %arg8[%add3A_409, %dma_start3A] : memref<10240x64xf32, #tpu.memory_space<vmem_shared>> -> memref<16x64xf32, #tpu.memory_space<vmem_shared>>
      %dma_start3A_482 = arith.constant 0 : i32
      %dma_start3A_483 = tpu.memref_slice %arg8[%add3A_409, %dma_start3A_482] : memref<10240x64xf32, #tpu.memory_space<vmem_shared>> -> memref<16x64xf32, #tpu.memory_space<vmem_shared>>
      tpu.enqueue_dma source(%arg12 : memref<16x64xf32, #tpu.memory_space<vmem>>) target(%dma_start3A_483 : memref<16x64xf32, #tpu.memory_space<vmem_shared>>) target_semaphore(%run_scoped3A : memref<!tpu.dma_semaphore, #tpu.memory_space<semaphore_mem>>)
      %dma_wait3A = arith.constant 0 : i32
      %dma_wait3A_484 = tpu.memref_slice %arg8[%add3A_409, %dma_wait3A] : memref<10240x64xf32, #tpu.memory_space<vmem_shared>> -> memref<16x64xf32, #tpu.memory_space<vmem_shared>>
      %dma_wait3A_485 = arith.constant 0 : i32
      %dma_wait3A_486 = tpu.memref_slice %arg8[%add3A_409, %dma_wait3A_485] : memref<10240x64xf32, #tpu.memory_space<vmem_shared>> -> memref<16x64xf32, #tpu.memory_space<vmem_shared>>
      tpu.wait_dma2 semaphore(%run_scoped3A : memref<!tpu.dma_semaphore, #tpu.memory_space<semaphore_mem>>) src(%arg12 : memref<16x64xf32, #tpu.memory_space<vmem>>) dst(%dma_wait3A_486 : memref<16x64xf32, #tpu.memory_space<vmem_shared>>)
      tpu.yield
    }) : () -> ()
    %add3A_410 = arith.constant 192 : i32
    %add3A_411 = arith.addi %mul3A_0, %add3A_410 : i32
    "tpu.region"() ({
      %run_scoped3A = tpu.sem_alloc : memref<!tpu.dma_semaphore, #tpu.memory_space<semaphore_mem>>
      %dma_start3A = arith.constant 0 : i32
      %dma_start3A_481 = tpu.memref_slice %arg8[%add3A_411, %dma_start3A] : memref<10240x64xf32, #tpu.memory_space<vmem_shared>> -> memref<16x64xf32, #tpu.memory_space<vmem_shared>>
      %dma_start3A_482 = arith.constant 0 : i32
      %dma_start3A_483 = tpu.memref_slice %arg8[%add3A_411, %dma_start3A_482] : memref<10240x64xf32, #tpu.memory_space<vmem_shared>> -> memref<16x64xf32, #tpu.memory_space<vmem_shared>>
      tpu.enqueue_dma source(%arg12 : memref<16x64xf32, #tpu.memory_space<vmem>>) target(%dma_start3A_483 : memref<16x64xf32, #tpu.memory_space<vmem_shared>>) target_semaphore(%run_scoped3A : memref<!tpu.dma_semaphore, #tpu.memory_space<semaphore_mem>>)
      %dma_wait3A = arith.constant 0 : i32
      %dma_wait3A_484 = tpu.memref_slice %arg8[%add3A_411, %dma_wait3A] : memref<10240x64xf32, #tpu.memory_space<vmem_shared>> -> memref<16x64xf32, #tpu.memory_space<vmem_shared>>
      %dma_wait3A_485 = arith.constant 0 : i32
      %dma_wait3A_486 = tpu.memref_slice %arg8[%add3A_411, %dma_wait3A_485] : memref<10240x64xf32, #tpu.memory_space<vmem_shared>> -> memref<16x64xf32, #tpu.memory_space<vmem_shared>>
      tpu.wait_dma2 semaphore(%run_scoped3A : memref<!tpu.dma_semaphore, #tpu.memory_space<semaphore_mem>>) src(%arg12 : memref<16x64xf32, #tpu.memory_space<vmem>>) dst(%dma_wait3A_486 : memref<16x64xf32, #tpu.memory_space<vmem_shared>>)
      tpu.yield
    }) : () -> ()
    %add3A_412 = arith.constant 208 : i32
    %add3A_413 = arith.addi %mul3A_0, %add3A_412 : i32
    "tpu.region"() ({
      %run_scoped3A = tpu.sem_alloc : memref<!tpu.dma_semaphore, #tpu.memory_space<semaphore_mem>>
      %dma_start3A = arith.constant 0 : i32
      %dma_start3A_481 = tpu.memref_slice %arg8[%add3A_413, %dma_start3A] : memref<10240x64xf32, #tpu.memory_space<vmem_shared>> -> memref<16x64xf32, #tpu.memory_space<vmem_shared>>
      %dma_start3A_482 = arith.constant 0 : i32
      %dma_start3A_483 = tpu.memref_slice %arg8[%add3A_413, %dma_start3A_482] : memref<10240x64xf32, #tpu.memory_space<vmem_shared>> -> memref<16x64xf32, #tpu.memory_space<vmem_shared>>
      tpu.enqueue_dma source(%arg12 : memref<16x64xf32, #tpu.memory_space<vmem>>) target(%dma_start3A_483 : memref<16x64xf32, #tpu.memory_space<vmem_shared>>) target_semaphore(%run_scoped3A : memref<!tpu.dma_semaphore, #tpu.memory_space<semaphore_mem>>)
      %dma_wait3A = arith.constant 0 : i32
      %dma_wait3A_484 = tpu.memref_slice %arg8[%add3A_413, %dma_wait3A] : memref<10240x64xf32, #tpu.memory_space<vmem_shared>> -> memref<16x64xf32, #tpu.memory_space<vmem_shared>>
      %dma_wait3A_485 = arith.constant 0 : i32
      %dma_wait3A_486 = tpu.memref_slice %arg8[%add3A_413, %dma_wait3A_485] : memref<10240x64xf32, #tpu.memory_space<vmem_shared>> -> memref<16x64xf32, #tpu.memory_space<vmem_shared>>
      tpu.wait_dma2 semaphore(%run_scoped3A : memref<!tpu.dma_semaphore, #tpu.memory_space<semaphore_mem>>) src(%arg12 : memref<16x64xf32, #tpu.memory_space<vmem>>) dst(%dma_wait3A_486 : memref<16x64xf32, #tpu.memory_space<vmem_shared>>)
      tpu.yield
    }) : () -> ()
    %add3A_414 = arith.constant 224 : i32
    %add3A_415 = arith.addi %mul3A_0, %add3A_414 : i32
    "tpu.region"() ({
      %run_scoped3A = tpu.sem_alloc : memref<!tpu.dma_semaphore, #tpu.memory_space<semaphore_mem>>
      %dma_start3A = arith.constant 0 : i32
      %dma_start3A_481 = tpu.memref_slice %arg8[%add3A_415, %dma_start3A] : memref<10240x64xf32, #tpu.memory_space<vmem_shared>> -> memref<16x64xf32, #tpu.memory_space<vmem_shared>>
      %dma_start3A_482 = arith.constant 0 : i32
      %dma_start3A_483 = tpu.memref_slice %arg8[%add3A_415, %dma_start3A_482] : memref<10240x64xf32, #tpu.memory_space<vmem_shared>> -> memref<16x64xf32, #tpu.memory_space<vmem_shared>>
      tpu.enqueue_dma source(%arg12 : memref<16x64xf32, #tpu.memory_space<vmem>>) target(%dma_start3A_483 : memref<16x64xf32, #tpu.memory_space<vmem_shared>>) target_semaphore(%run_scoped3A : memref<!tpu.dma_semaphore, #tpu.memory_space<semaphore_mem>>)
      %dma_wait3A = arith.constant 0 : i32
      %dma_wait3A_484 = tpu.memref_slice %arg8[%add3A_415, %dma_wait3A] : memref<10240x64xf32, #tpu.memory_space<vmem_shared>> -> memref<16x64xf32, #tpu.memory_space<vmem_shared>>
      %dma_wait3A_485 = arith.constant 0 : i32
      %dma_wait3A_486 = tpu.memref_slice %arg8[%add3A_415, %dma_wait3A_485] : memref<10240x64xf32, #tpu.memory_space<vmem_shared>> -> memref<16x64xf32, #tpu.memory_space<vmem_shared>>
      tpu.wait_dma2 semaphore(%run_scoped3A : memref<!tpu.dma_semaphore, #tpu.memory_space<semaphore_mem>>) src(%arg12 : memref<16x64xf32, #tpu.memory_space<vmem>>) dst(%dma_wait3A_486 : memref<16x64xf32, #tpu.memory_space<vmem_shared>>)
      tpu.yield
    }) : () -> ()
    %add3A_416 = arith.constant 240 : i32
    %add3A_417 = arith.addi %mul3A_0, %add3A_416 : i32
    "tpu.region"() ({
      %run_scoped3A = tpu.sem_alloc : memref<!tpu.dma_semaphore, #tpu.memory_space<semaphore_mem>>
      %dma_start3A = arith.constant 0 : i32
      %dma_start3A_481 = tpu.memref_slice %arg8[%add3A_417, %dma_start3A] : memref<10240x64xf32, #tpu.memory_space<vmem_shared>> -> memref<16x64xf32, #tpu.memory_space<vmem_shared>>
      %dma_start3A_482 = arith.constant 0 : i32
      %dma_start3A_483 = tpu.memref_slice %arg8[%add3A_417, %dma_start3A_482] : memref<10240x64xf32, #tpu.memory_space<vmem_shared>> -> memref<16x64xf32, #tpu.memory_space<vmem_shared>>
      tpu.enqueue_dma source(%arg12 : memref<16x64xf32, #tpu.memory_space<vmem>>) target(%dma_start3A_483 : memref<16x64xf32, #tpu.memory_space<vmem_shared>>) target_semaphore(%run_scoped3A : memref<!tpu.dma_semaphore, #tpu.memory_space<semaphore_mem>>)
      %dma_wait3A = arith.constant 0 : i32
      %dma_wait3A_484 = tpu.memref_slice %arg8[%add3A_417, %dma_wait3A] : memref<10240x64xf32, #tpu.memory_space<vmem_shared>> -> memref<16x64xf32, #tpu.memory_space<vmem_shared>>
      %dma_wait3A_485 = arith.constant 0 : i32
      %dma_wait3A_486 = tpu.memref_slice %arg8[%add3A_417, %dma_wait3A_485] : memref<10240x64xf32, #tpu.memory_space<vmem_shared>> -> memref<16x64xf32, #tpu.memory_space<vmem_shared>>
      tpu.wait_dma2 semaphore(%run_scoped3A : memref<!tpu.dma_semaphore, #tpu.memory_space<semaphore_mem>>) src(%arg12 : memref<16x64xf32, #tpu.memory_space<vmem>>) dst(%dma_wait3A_486 : memref<16x64xf32, #tpu.memory_space<vmem_shared>>)
      tpu.yield
    }) : () -> ()
    %add3A_418 = arith.constant 256 : i32
    %add3A_419 = arith.addi %mul3A_0, %add3A_418 : i32
    "tpu.region"() ({
      %run_scoped3A = tpu.sem_alloc : memref<!tpu.dma_semaphore, #tpu.memory_space<semaphore_mem>>
      %dma_start3A = arith.constant 0 : i32
      %dma_start3A_481 = tpu.memref_slice %arg8[%add3A_419, %dma_start3A] : memref<10240x64xf32, #tpu.memory_space<vmem_shared>> -> memref<16x64xf32, #tpu.memory_space<vmem_shared>>
      %dma_start3A_482 = arith.constant 0 : i32
      %dma_start3A_483 = tpu.memref_slice %arg8[%add3A_419, %dma_start3A_482] : memref<10240x64xf32, #tpu.memory_space<vmem_shared>> -> memref<16x64xf32, #tpu.memory_space<vmem_shared>>
      tpu.enqueue_dma source(%arg12 : memref<16x64xf32, #tpu.memory_space<vmem>>) target(%dma_start3A_483 : memref<16x64xf32, #tpu.memory_space<vmem_shared>>) target_semaphore(%run_scoped3A : memref<!tpu.dma_semaphore, #tpu.memory_space<semaphore_mem>>)
      %dma_wait3A = arith.constant 0 : i32
      %dma_wait3A_484 = tpu.memref_slice %arg8[%add3A_419, %dma_wait3A] : memref<10240x64xf32, #tpu.memory_space<vmem_shared>> -> memref<16x64xf32, #tpu.memory_space<vmem_shared>>
      %dma_wait3A_485 = arith.constant 0 : i32
      %dma_wait3A_486 = tpu.memref_slice %arg8[%add3A_419, %dma_wait3A_485] : memref<10240x64xf32, #tpu.memory_space<vmem_shared>> -> memref<16x64xf32, #tpu.memory_space<vmem_shared>>
      tpu.wait_dma2 semaphore(%run_scoped3A : memref<!tpu.dma_semaphore, #tpu.memory_space<semaphore_mem>>) src(%arg12 : memref<16x64xf32, #tpu.memory_space<vmem>>) dst(%dma_wait3A_486 : memref<16x64xf32, #tpu.memory_space<vmem_shared>>)
      tpu.yield
    }) : () -> ()
    %add3A_420 = arith.constant 272 : i32
    %add3A_421 = arith.addi %mul3A_0, %add3A_420 : i32
    "tpu.region"() ({
      %run_scoped3A = tpu.sem_alloc : memref<!tpu.dma_semaphore, #tpu.memory_space<semaphore_mem>>
      %dma_start3A = arith.constant 0 : i32
      %dma_start3A_481 = tpu.memref_slice %arg8[%add3A_421, %dma_start3A] : memref<10240x64xf32, #tpu.memory_space<vmem_shared>> -> memref<16x64xf32, #tpu.memory_space<vmem_shared>>
      %dma_start3A_482 = arith.constant 0 : i32
      %dma_start3A_483 = tpu.memref_slice %arg8[%add3A_421, %dma_start3A_482] : memref<10240x64xf32, #tpu.memory_space<vmem_shared>> -> memref<16x64xf32, #tpu.memory_space<vmem_shared>>
      tpu.enqueue_dma source(%arg12 : memref<16x64xf32, #tpu.memory_space<vmem>>) target(%dma_start3A_483 : memref<16x64xf32, #tpu.memory_space<vmem_shared>>) target_semaphore(%run_scoped3A : memref<!tpu.dma_semaphore, #tpu.memory_space<semaphore_mem>>)
      %dma_wait3A = arith.constant 0 : i32
      %dma_wait3A_484 = tpu.memref_slice %arg8[%add3A_421, %dma_wait3A] : memref<10240x64xf32, #tpu.memory_space<vmem_shared>> -> memref<16x64xf32, #tpu.memory_space<vmem_shared>>
      %dma_wait3A_485 = arith.constant 0 : i32
      %dma_wait3A_486 = tpu.memref_slice %arg8[%add3A_421, %dma_wait3A_485] : memref<10240x64xf32, #tpu.memory_space<vmem_shared>> -> memref<16x64xf32, #tpu.memory_space<vmem_shared>>
      tpu.wait_dma2 semaphore(%run_scoped3A : memref<!tpu.dma_semaphore, #tpu.memory_space<semaphore_mem>>) src(%arg12 : memref<16x64xf32, #tpu.memory_space<vmem>>) dst(%dma_wait3A_486 : memref<16x64xf32, #tpu.memory_space<vmem_shared>>)
      tpu.yield
    }) : () -> ()
    %add3A_422 = arith.constant 288 : i32
    %add3A_423 = arith.addi %mul3A_0, %add3A_422 : i32
    "tpu.region"() ({
      %run_scoped3A = tpu.sem_alloc : memref<!tpu.dma_semaphore, #tpu.memory_space<semaphore_mem>>
      %dma_start3A = arith.constant 0 : i32
      %dma_start3A_481 = tpu.memref_slice %arg8[%add3A_423, %dma_start3A] : memref<10240x64xf32, #tpu.memory_space<vmem_shared>> -> memref<16x64xf32, #tpu.memory_space<vmem_shared>>
      %dma_start3A_482 = arith.constant 0 : i32
      %dma_start3A_483 = tpu.memref_slice %arg8[%add3A_423, %dma_start3A_482] : memref<10240x64xf32, #tpu.memory_space<vmem_shared>> -> memref<16x64xf32, #tpu.memory_space<vmem_shared>>
      tpu.enqueue_dma source(%arg12 : memref<16x64xf32, #tpu.memory_space<vmem>>) target(%dma_start3A_483 : memref<16x64xf32, #tpu.memory_space<vmem_shared>>) target_semaphore(%run_scoped3A : memref<!tpu.dma_semaphore, #tpu.memory_space<semaphore_mem>>)
      %dma_wait3A = arith.constant 0 : i32
      %dma_wait3A_484 = tpu.memref_slice %arg8[%add3A_423, %dma_wait3A] : memref<10240x64xf32, #tpu.memory_space<vmem_shared>> -> memref<16x64xf32, #tpu.memory_space<vmem_shared>>
      %dma_wait3A_485 = arith.constant 0 : i32
      %dma_wait3A_486 = tpu.memref_slice %arg8[%add3A_423, %dma_wait3A_485] : memref<10240x64xf32, #tpu.memory_space<vmem_shared>> -> memref<16x64xf32, #tpu.memory_space<vmem_shared>>
      tpu.wait_dma2 semaphore(%run_scoped3A : memref<!tpu.dma_semaphore, #tpu.memory_space<semaphore_mem>>) src(%arg12 : memref<16x64xf32, #tpu.memory_space<vmem>>) dst(%dma_wait3A_486 : memref<16x64xf32, #tpu.memory_space<vmem_shared>>)
      tpu.yield
    }) : () -> ()
    %add3A_424 = arith.constant 304 : i32
    %add3A_425 = arith.addi %mul3A_0, %add3A_424 : i32
    "tpu.region"() ({
      %run_scoped3A = tpu.sem_alloc : memref<!tpu.dma_semaphore, #tpu.memory_space<semaphore_mem>>
      %dma_start3A = arith.constant 0 : i32
      %dma_start3A_481 = tpu.memref_slice %arg8[%add3A_425, %dma_start3A] : memref<10240x64xf32, #tpu.memory_space<vmem_shared>> -> memref<16x64xf32, #tpu.memory_space<vmem_shared>>
      %dma_start3A_482 = arith.constant 0 : i32
      %dma_start3A_483 = tpu.memref_slice %arg8[%add3A_425, %dma_start3A_482] : memref<10240x64xf32, #tpu.memory_space<vmem_shared>> -> memref<16x64xf32, #tpu.memory_space<vmem_shared>>
      tpu.enqueue_dma source(%arg12 : memref<16x64xf32, #tpu.memory_space<vmem>>) target(%dma_start3A_483 : memref<16x64xf32, #tpu.memory_space<vmem_shared>>) target_semaphore(%run_scoped3A : memref<!tpu.dma_semaphore, #tpu.memory_space<semaphore_mem>>)
      %dma_wait3A = arith.constant 0 : i32
      %dma_wait3A_484 = tpu.memref_slice %arg8[%add3A_425, %dma_wait3A] : memref<10240x64xf32, #tpu.memory_space<vmem_shared>> -> memref<16x64xf32, #tpu.memory_space<vmem_shared>>
      %dma_wait3A_485 = arith.constant 0 : i32
      %dma_wait3A_486 = tpu.memref_slice %arg8[%add3A_425, %dma_wait3A_485] : memref<10240x64xf32, #tpu.memory_space<vmem_shared>> -> memref<16x64xf32, #tpu.memory_space<vmem_shared>>
      tpu.wait_dma2 semaphore(%run_scoped3A : memref<!tpu.dma_semaphore, #tpu.memory_space<semaphore_mem>>) src(%arg12 : memref<16x64xf32, #tpu.memory_space<vmem>>) dst(%dma_wait3A_486 : memref<16x64xf32, #tpu.memory_space<vmem_shared>>)
      tpu.yield
    }) : () -> ()
    %add3A_426 = arith.constant 320 : i32
    %add3A_427 = arith.addi %mul3A_0, %add3A_426 : i32
    "tpu.region"() ({
      %run_scoped3A = tpu.sem_alloc : memref<!tpu.dma_semaphore, #tpu.memory_space<semaphore_mem>>
      %dma_start3A = arith.constant 0 : i32
      %dma_start3A_481 = tpu.memref_slice %arg8[%add3A_427, %dma_start3A] : memref<10240x64xf32, #tpu.memory_space<vmem_shared>> -> memref<16x64xf32, #tpu.memory_space<vmem_shared>>
      %dma_start3A_482 = arith.constant 0 : i32
      %dma_start3A_483 = tpu.memref_slice %arg8[%add3A_427, %dma_start3A_482] : memref<10240x64xf32, #tpu.memory_space<vmem_shared>> -> memref<16x64xf32, #tpu.memory_space<vmem_shared>>
      tpu.enqueue_dma source(%arg12 : memref<16x64xf32, #tpu.memory_space<vmem>>) target(%dma_start3A_483 : memref<16x64xf32, #tpu.memory_space<vmem_shared>>) target_semaphore(%run_scoped3A : memref<!tpu.dma_semaphore, #tpu.memory_space<semaphore_mem>>)
      %dma_wait3A = arith.constant 0 : i32
      %dma_wait3A_484 = tpu.memref_slice %arg8[%add3A_427, %dma_wait3A] : memref<10240x64xf32, #tpu.memory_space<vmem_shared>> -> memref<16x64xf32, #tpu.memory_space<vmem_shared>>
      %dma_wait3A_485 = arith.constant 0 : i32
      %dma_wait3A_486 = tpu.memref_slice %arg8[%add3A_427, %dma_wait3A_485] : memref<10240x64xf32, #tpu.memory_space<vmem_shared>> -> memref<16x64xf32, #tpu.memory_space<vmem_shared>>
      tpu.wait_dma2 semaphore(%run_scoped3A : memref<!tpu.dma_semaphore, #tpu.memory_space<semaphore_mem>>) src(%arg12 : memref<16x64xf32, #tpu.memory_space<vmem>>) dst(%dma_wait3A_486 : memref<16x64xf32, #tpu.memory_space<vmem_shared>>)
      tpu.yield
    }) : () -> ()
    %add3A_428 = arith.constant 336 : i32
    %add3A_429 = arith.addi %mul3A_0, %add3A_428 : i32
    "tpu.region"() ({
      %run_scoped3A = tpu.sem_alloc : memref<!tpu.dma_semaphore, #tpu.memory_space<semaphore_mem>>
      %dma_start3A = arith.constant 0 : i32
      %dma_start3A_481 = tpu.memref_slice %arg8[%add3A_429, %dma_start3A] : memref<10240x64xf32, #tpu.memory_space<vmem_shared>> -> memref<16x64xf32, #tpu.memory_space<vmem_shared>>
      %dma_start3A_482 = arith.constant 0 : i32
      %dma_start3A_483 = tpu.memref_slice %arg8[%add3A_429, %dma_start3A_482] : memref<10240x64xf32, #tpu.memory_space<vmem_shared>> -> memref<16x64xf32, #tpu.memory_space<vmem_shared>>
      tpu.enqueue_dma source(%arg12 : memref<16x64xf32, #tpu.memory_space<vmem>>) target(%dma_start3A_483 : memref<16x64xf32, #tpu.memory_space<vmem_shared>>) target_semaphore(%run_scoped3A : memref<!tpu.dma_semaphore, #tpu.memory_space<semaphore_mem>>)
      %dma_wait3A = arith.constant 0 : i32
      %dma_wait3A_484 = tpu.memref_slice %arg8[%add3A_429, %dma_wait3A] : memref<10240x64xf32, #tpu.memory_space<vmem_shared>> -> memref<16x64xf32, #tpu.memory_space<vmem_shared>>
      %dma_wait3A_485 = arith.constant 0 : i32
      %dma_wait3A_486 = tpu.memref_slice %arg8[%add3A_429, %dma_wait3A_485] : memref<10240x64xf32, #tpu.memory_space<vmem_shared>> -> memref<16x64xf32, #tpu.memory_space<vmem_shared>>
      tpu.wait_dma2 semaphore(%run_scoped3A : memref<!tpu.dma_semaphore, #tpu.memory_space<semaphore_mem>>) src(%arg12 : memref<16x64xf32, #tpu.memory_space<vmem>>) dst(%dma_wait3A_486 : memref<16x64xf32, #tpu.memory_space<vmem_shared>>)
      tpu.yield
    }) : () -> ()
    %add3A_430 = arith.constant 352 : i32
    %add3A_431 = arith.addi %mul3A_0, %add3A_430 : i32
    "tpu.region"() ({
      %run_scoped3A = tpu.sem_alloc : memref<!tpu.dma_semaphore, #tpu.memory_space<semaphore_mem>>
      %dma_start3A = arith.constant 0 : i32
      %dma_start3A_481 = tpu.memref_slice %arg8[%add3A_431, %dma_start3A] : memref<10240x64xf32, #tpu.memory_space<vmem_shared>> -> memref<16x64xf32, #tpu.memory_space<vmem_shared>>
      %dma_start3A_482 = arith.constant 0 : i32
      %dma_start3A_483 = tpu.memref_slice %arg8[%add3A_431, %dma_start3A_482] : memref<10240x64xf32, #tpu.memory_space<vmem_shared>> -> memref<16x64xf32, #tpu.memory_space<vmem_shared>>
      tpu.enqueue_dma source(%arg12 : memref<16x64xf32, #tpu.memory_space<vmem>>) target(%dma_start3A_483 : memref<16x64xf32, #tpu.memory_space<vmem_shared>>) target_semaphore(%run_scoped3A : memref<!tpu.dma_semaphore, #tpu.memory_space<semaphore_mem>>)
      %dma_wait3A = arith.constant 0 : i32
      %dma_wait3A_484 = tpu.memref_slice %arg8[%add3A_431, %dma_wait3A] : memref<10240x64xf32, #tpu.memory_space<vmem_shared>> -> memref<16x64xf32, #tpu.memory_space<vmem_shared>>
      %dma_wait3A_485 = arith.constant 0 : i32
      %dma_wait3A_486 = tpu.memref_slice %arg8[%add3A_431, %dma_wait3A_485] : memref<10240x64xf32, #tpu.memory_space<vmem_shared>> -> memref<16x64xf32, #tpu.memory_space<vmem_shared>>
      tpu.wait_dma2 semaphore(%run_scoped3A : memref<!tpu.dma_semaphore, #tpu.memory_space<semaphore_mem>>) src(%arg12 : memref<16x64xf32, #tpu.memory_space<vmem>>) dst(%dma_wait3A_486 : memref<16x64xf32, #tpu.memory_space<vmem_shared>>)
      tpu.yield
    }) : () -> ()
    %add3A_432 = arith.constant 368 : i32
    %add3A_433 = arith.addi %mul3A_0, %add3A_432 : i32
    "tpu.region"() ({
      %run_scoped3A = tpu.sem_alloc : memref<!tpu.dma_semaphore, #tpu.memory_space<semaphore_mem>>
      %dma_start3A = arith.constant 0 : i32
      %dma_start3A_481 = tpu.memref_slice %arg8[%add3A_433, %dma_start3A] : memref<10240x64xf32, #tpu.memory_space<vmem_shared>> -> memref<16x64xf32, #tpu.memory_space<vmem_shared>>
      %dma_start3A_482 = arith.constant 0 : i32
      %dma_start3A_483 = tpu.memref_slice %arg8[%add3A_433, %dma_start3A_482] : memref<10240x64xf32, #tpu.memory_space<vmem_shared>> -> memref<16x64xf32, #tpu.memory_space<vmem_shared>>
      tpu.enqueue_dma source(%arg12 : memref<16x64xf32, #tpu.memory_space<vmem>>) target(%dma_start3A_483 : memref<16x64xf32, #tpu.memory_space<vmem_shared>>) target_semaphore(%run_scoped3A : memref<!tpu.dma_semaphore, #tpu.memory_space<semaphore_mem>>)
      %dma_wait3A = arith.constant 0 : i32
      %dma_wait3A_484 = tpu.memref_slice %arg8[%add3A_433, %dma_wait3A] : memref<10240x64xf32, #tpu.memory_space<vmem_shared>> -> memref<16x64xf32, #tpu.memory_space<vmem_shared>>
      %dma_wait3A_485 = arith.constant 0 : i32
      %dma_wait3A_486 = tpu.memref_slice %arg8[%add3A_433, %dma_wait3A_485] : memref<10240x64xf32, #tpu.memory_space<vmem_shared>> -> memref<16x64xf32, #tpu.memory_space<vmem_shared>>
      tpu.wait_dma2 semaphore(%run_scoped3A : memref<!tpu.dma_semaphore, #tpu.memory_space<semaphore_mem>>) src(%arg12 : memref<16x64xf32, #tpu.memory_space<vmem>>) dst(%dma_wait3A_486 : memref<16x64xf32, #tpu.memory_space<vmem_shared>>)
      tpu.yield
    }) : () -> ()
    %add3A_434 = arith.constant 384 : i32
    %add3A_435 = arith.addi %mul3A_0, %add3A_434 : i32
    "tpu.region"() ({
      %run_scoped3A = tpu.sem_alloc : memref<!tpu.dma_semaphore, #tpu.memory_space<semaphore_mem>>
      %dma_start3A = arith.constant 0 : i32
      %dma_start3A_481 = tpu.memref_slice %arg8[%add3A_435, %dma_start3A] : memref<10240x64xf32, #tpu.memory_space<vmem_shared>> -> memref<16x64xf32, #tpu.memory_space<vmem_shared>>
      %dma_start3A_482 = arith.constant 0 : i32
      %dma_start3A_483 = tpu.memref_slice %arg8[%add3A_435, %dma_start3A_482] : memref<10240x64xf32, #tpu.memory_space<vmem_shared>> -> memref<16x64xf32, #tpu.memory_space<vmem_shared>>
      tpu.enqueue_dma source(%arg12 : memref<16x64xf32, #tpu.memory_space<vmem>>) target(%dma_start3A_483 : memref<16x64xf32, #tpu.memory_space<vmem_shared>>) target_semaphore(%run_scoped3A : memref<!tpu.dma_semaphore, #tpu.memory_space<semaphore_mem>>)
      %dma_wait3A = arith.constant 0 : i32
      %dma_wait3A_484 = tpu.memref_slice %arg8[%add3A_435, %dma_wait3A] : memref<10240x64xf32, #tpu.memory_space<vmem_shared>> -> memref<16x64xf32, #tpu.memory_space<vmem_shared>>
      %dma_wait3A_485 = arith.constant 0 : i32
      %dma_wait3A_486 = tpu.memref_slice %arg8[%add3A_435, %dma_wait3A_485] : memref<10240x64xf32, #tpu.memory_space<vmem_shared>> -> memref<16x64xf32, #tpu.memory_space<vmem_shared>>
      tpu.wait_dma2 semaphore(%run_scoped3A : memref<!tpu.dma_semaphore, #tpu.memory_space<semaphore_mem>>) src(%arg12 : memref<16x64xf32, #tpu.memory_space<vmem>>) dst(%dma_wait3A_486 : memref<16x64xf32, #tpu.memory_space<vmem_shared>>)
      tpu.yield
    }) : () -> ()
    %add3A_436 = arith.constant 400 : i32
    %add3A_437 = arith.addi %mul3A_0, %add3A_436 : i32
    "tpu.region"() ({
      %run_scoped3A = tpu.sem_alloc : memref<!tpu.dma_semaphore, #tpu.memory_space<semaphore_mem>>
      %dma_start3A = arith.constant 0 : i32
      %dma_start3A_481 = tpu.memref_slice %arg8[%add3A_437, %dma_start3A] : memref<10240x64xf32, #tpu.memory_space<vmem_shared>> -> memref<16x64xf32, #tpu.memory_space<vmem_shared>>
      %dma_start3A_482 = arith.constant 0 : i32
      %dma_start3A_483 = tpu.memref_slice %arg8[%add3A_437, %dma_start3A_482] : memref<10240x64xf32, #tpu.memory_space<vmem_shared>> -> memref<16x64xf32, #tpu.memory_space<vmem_shared>>
      tpu.enqueue_dma source(%arg12 : memref<16x64xf32, #tpu.memory_space<vmem>>) target(%dma_start3A_483 : memref<16x64xf32, #tpu.memory_space<vmem_shared>>) target_semaphore(%run_scoped3A : memref<!tpu.dma_semaphore, #tpu.memory_space<semaphore_mem>>)
      %dma_wait3A = arith.constant 0 : i32
      %dma_wait3A_484 = tpu.memref_slice %arg8[%add3A_437, %dma_wait3A] : memref<10240x64xf32, #tpu.memory_space<vmem_shared>> -> memref<16x64xf32, #tpu.memory_space<vmem_shared>>
      %dma_wait3A_485 = arith.constant 0 : i32
      %dma_wait3A_486 = tpu.memref_slice %arg8[%add3A_437, %dma_wait3A_485] : memref<10240x64xf32, #tpu.memory_space<vmem_shared>> -> memref<16x64xf32, #tpu.memory_space<vmem_shared>>
      tpu.wait_dma2 semaphore(%run_scoped3A : memref<!tpu.dma_semaphore, #tpu.memory_space<semaphore_mem>>) src(%arg12 : memref<16x64xf32, #tpu.memory_space<vmem>>) dst(%dma_wait3A_486 : memref<16x64xf32, #tpu.memory_space<vmem_shared>>)
      tpu.yield
    }) : () -> ()
    %add3A_438 = arith.constant 416 : i32
    %add3A_439 = arith.addi %mul3A_0, %add3A_438 : i32
    "tpu.region"() ({
      %run_scoped3A = tpu.sem_alloc : memref<!tpu.dma_semaphore, #tpu.memory_space<semaphore_mem>>
      %dma_start3A = arith.constant 0 : i32
      %dma_start3A_481 = tpu.memref_slice %arg8[%add3A_439, %dma_start3A] : memref<10240x64xf32, #tpu.memory_space<vmem_shared>> -> memref<16x64xf32, #tpu.memory_space<vmem_shared>>
      %dma_start3A_482 = arith.constant 0 : i32
      %dma_start3A_483 = tpu.memref_slice %arg8[%add3A_439, %dma_start3A_482] : memref<10240x64xf32, #tpu.memory_space<vmem_shared>> -> memref<16x64xf32, #tpu.memory_space<vmem_shared>>
      tpu.enqueue_dma source(%arg12 : memref<16x64xf32, #tpu.memory_space<vmem>>) target(%dma_start3A_483 : memref<16x64xf32, #tpu.memory_space<vmem_shared>>) target_semaphore(%run_scoped3A : memref<!tpu.dma_semaphore, #tpu.memory_space<semaphore_mem>>)
      %dma_wait3A = arith.constant 0 : i32
      %dma_wait3A_484 = tpu.memref_slice %arg8[%add3A_439, %dma_wait3A] : memref<10240x64xf32, #tpu.memory_space<vmem_shared>> -> memref<16x64xf32, #tpu.memory_space<vmem_shared>>
      %dma_wait3A_485 = arith.constant 0 : i32
      %dma_wait3A_486 = tpu.memref_slice %arg8[%add3A_439, %dma_wait3A_485] : memref<10240x64xf32, #tpu.memory_space<vmem_shared>> -> memref<16x64xf32, #tpu.memory_space<vmem_shared>>
      tpu.wait_dma2 semaphore(%run_scoped3A : memref<!tpu.dma_semaphore, #tpu.memory_space<semaphore_mem>>) src(%arg12 : memref<16x64xf32, #tpu.memory_space<vmem>>) dst(%dma_wait3A_486 : memref<16x64xf32, #tpu.memory_space<vmem_shared>>)
      tpu.yield
    }) : () -> ()
    %add3A_440 = arith.constant 432 : i32
    %add3A_441 = arith.addi %mul3A_0, %add3A_440 : i32
    "tpu.region"() ({
      %run_scoped3A = tpu.sem_alloc : memref<!tpu.dma_semaphore, #tpu.memory_space<semaphore_mem>>
      %dma_start3A = arith.constant 0 : i32
      %dma_start3A_481 = tpu.memref_slice %arg8[%add3A_441, %dma_start3A] : memref<10240x64xf32, #tpu.memory_space<vmem_shared>> -> memref<16x64xf32, #tpu.memory_space<vmem_shared>>
      %dma_start3A_482 = arith.constant 0 : i32
      %dma_start3A_483 = tpu.memref_slice %arg8[%add3A_441, %dma_start3A_482] : memref<10240x64xf32, #tpu.memory_space<vmem_shared>> -> memref<16x64xf32, #tpu.memory_space<vmem_shared>>
      tpu.enqueue_dma source(%arg12 : memref<16x64xf32, #tpu.memory_space<vmem>>) target(%dma_start3A_483 : memref<16x64xf32, #tpu.memory_space<vmem_shared>>) target_semaphore(%run_scoped3A : memref<!tpu.dma_semaphore, #tpu.memory_space<semaphore_mem>>)
      %dma_wait3A = arith.constant 0 : i32
      %dma_wait3A_484 = tpu.memref_slice %arg8[%add3A_441, %dma_wait3A] : memref<10240x64xf32, #tpu.memory_space<vmem_shared>> -> memref<16x64xf32, #tpu.memory_space<vmem_shared>>
      %dma_wait3A_485 = arith.constant 0 : i32
      %dma_wait3A_486 = tpu.memref_slice %arg8[%add3A_441, %dma_wait3A_485] : memref<10240x64xf32, #tpu.memory_space<vmem_shared>> -> memref<16x64xf32, #tpu.memory_space<vmem_shared>>
      tpu.wait_dma2 semaphore(%run_scoped3A : memref<!tpu.dma_semaphore, #tpu.memory_space<semaphore_mem>>) src(%arg12 : memref<16x64xf32, #tpu.memory_space<vmem>>) dst(%dma_wait3A_486 : memref<16x64xf32, #tpu.memory_space<vmem_shared>>)
      tpu.yield
    }) : () -> ()
    %add3A_442 = arith.constant 448 : i32
    %add3A_443 = arith.addi %mul3A_0, %add3A_442 : i32
    "tpu.region"() ({
      %run_scoped3A = tpu.sem_alloc : memref<!tpu.dma_semaphore, #tpu.memory_space<semaphore_mem>>
      %dma_start3A = arith.constant 0 : i32
      %dma_start3A_481 = tpu.memref_slice %arg8[%add3A_443, %dma_start3A] : memref<10240x64xf32, #tpu.memory_space<vmem_shared>> -> memref<16x64xf32, #tpu.memory_space<vmem_shared>>
      %dma_start3A_482 = arith.constant 0 : i32
      %dma_start3A_483 = tpu.memref_slice %arg8[%add3A_443, %dma_start3A_482] : memref<10240x64xf32, #tpu.memory_space<vmem_shared>> -> memref<16x64xf32, #tpu.memory_space<vmem_shared>>
      tpu.enqueue_dma source(%arg12 : memref<16x64xf32, #tpu.memory_space<vmem>>) target(%dma_start3A_483 : memref<16x64xf32, #tpu.memory_space<vmem_shared>>) target_semaphore(%run_scoped3A : memref<!tpu.dma_semaphore, #tpu.memory_space<semaphore_mem>>)
      %dma_wait3A = arith.constant 0 : i32
      %dma_wait3A_484 = tpu.memref_slice %arg8[%add3A_443, %dma_wait3A] : memref<10240x64xf32, #tpu.memory_space<vmem_shared>> -> memref<16x64xf32, #tpu.memory_space<vmem_shared>>
      %dma_wait3A_485 = arith.constant 0 : i32
      %dma_wait3A_486 = tpu.memref_slice %arg8[%add3A_443, %dma_wait3A_485] : memref<10240x64xf32, #tpu.memory_space<vmem_shared>> -> memref<16x64xf32, #tpu.memory_space<vmem_shared>>
      tpu.wait_dma2 semaphore(%run_scoped3A : memref<!tpu.dma_semaphore, #tpu.memory_space<semaphore_mem>>) src(%arg12 : memref<16x64xf32, #tpu.memory_space<vmem>>) dst(%dma_wait3A_486 : memref<16x64xf32, #tpu.memory_space<vmem_shared>>)
      tpu.yield
    }) : () -> ()
    %add3A_444 = arith.constant 464 : i32
    %add3A_445 = arith.addi %mul3A_0, %add3A_444 : i32
    "tpu.region"() ({
      %run_scoped3A = tpu.sem_alloc : memref<!tpu.dma_semaphore, #tpu.memory_space<semaphore_mem>>
      %dma_start3A = arith.constant 0 : i32
      %dma_start3A_481 = tpu.memref_slice %arg8[%add3A_445, %dma_start3A] : memref<10240x64xf32, #tpu.memory_space<vmem_shared>> -> memref<16x64xf32, #tpu.memory_space<vmem_shared>>
      %dma_start3A_482 = arith.constant 0 : i32
      %dma_start3A_483 = tpu.memref_slice %arg8[%add3A_445, %dma_start3A_482] : memref<10240x64xf32, #tpu.memory_space<vmem_shared>> -> memref<16x64xf32, #tpu.memory_space<vmem_shared>>
      tpu.enqueue_dma source(%arg12 : memref<16x64xf32, #tpu.memory_space<vmem>>) target(%dma_start3A_483 : memref<16x64xf32, #tpu.memory_space<vmem_shared>>) target_semaphore(%run_scoped3A : memref<!tpu.dma_semaphore, #tpu.memory_space<semaphore_mem>>)
      %dma_wait3A = arith.constant 0 : i32
      %dma_wait3A_484 = tpu.memref_slice %arg8[%add3A_445, %dma_wait3A] : memref<10240x64xf32, #tpu.memory_space<vmem_shared>> -> memref<16x64xf32, #tpu.memory_space<vmem_shared>>
      %dma_wait3A_485 = arith.constant 0 : i32
      %dma_wait3A_486 = tpu.memref_slice %arg8[%add3A_445, %dma_wait3A_485] : memref<10240x64xf32, #tpu.memory_space<vmem_shared>> -> memref<16x64xf32, #tpu.memory_space<vmem_shared>>
      tpu.wait_dma2 semaphore(%run_scoped3A : memref<!tpu.dma_semaphore, #tpu.memory_space<semaphore_mem>>) src(%arg12 : memref<16x64xf32, #tpu.memory_space<vmem>>) dst(%dma_wait3A_486 : memref<16x64xf32, #tpu.memory_space<vmem_shared>>)
      tpu.yield
    }) : () -> ()
    %add3A_446 = arith.constant 480 : i32
    %add3A_447 = arith.addi %mul3A_0, %add3A_446 : i32
    "tpu.region"() ({
      %run_scoped3A = tpu.sem_alloc : memref<!tpu.dma_semaphore, #tpu.memory_space<semaphore_mem>>
      %dma_start3A = arith.constant 0 : i32
      %dma_start3A_481 = tpu.memref_slice %arg8[%add3A_447, %dma_start3A] : memref<10240x64xf32, #tpu.memory_space<vmem_shared>> -> memref<16x64xf32, #tpu.memory_space<vmem_shared>>
      %dma_start3A_482 = arith.constant 0 : i32
      %dma_start3A_483 = tpu.memref_slice %arg8[%add3A_447, %dma_start3A_482] : memref<10240x64xf32, #tpu.memory_space<vmem_shared>> -> memref<16x64xf32, #tpu.memory_space<vmem_shared>>
      tpu.enqueue_dma source(%arg12 : memref<16x64xf32, #tpu.memory_space<vmem>>) target(%dma_start3A_483 : memref<16x64xf32, #tpu.memory_space<vmem_shared>>) target_semaphore(%run_scoped3A : memref<!tpu.dma_semaphore, #tpu.memory_space<semaphore_mem>>)
      %dma_wait3A = arith.constant 0 : i32
      %dma_wait3A_484 = tpu.memref_slice %arg8[%add3A_447, %dma_wait3A] : memref<10240x64xf32, #tpu.memory_space<vmem_shared>> -> memref<16x64xf32, #tpu.memory_space<vmem_shared>>
      %dma_wait3A_485 = arith.constant 0 : i32
      %dma_wait3A_486 = tpu.memref_slice %arg8[%add3A_447, %dma_wait3A_485] : memref<10240x64xf32, #tpu.memory_space<vmem_shared>> -> memref<16x64xf32, #tpu.memory_space<vmem_shared>>
      tpu.wait_dma2 semaphore(%run_scoped3A : memref<!tpu.dma_semaphore, #tpu.memory_space<semaphore_mem>>) src(%arg12 : memref<16x64xf32, #tpu.memory_space<vmem>>) dst(%dma_wait3A_486 : memref<16x64xf32, #tpu.memory_space<vmem_shared>>)
      tpu.yield
    }) : () -> ()
    %add3A_448 = arith.constant 496 : i32
    %add3A_449 = arith.addi %mul3A_0, %add3A_448 : i32
    "tpu.region"() ({
      %run_scoped3A = tpu.sem_alloc : memref<!tpu.dma_semaphore, #tpu.memory_space<semaphore_mem>>
      %dma_start3A = arith.constant 0 : i32
      %dma_start3A_481 = tpu.memref_slice %arg8[%add3A_449, %dma_start3A] : memref<10240x64xf32, #tpu.memory_space<vmem_shared>> -> memref<16x64xf32, #tpu.memory_space<vmem_shared>>
      %dma_start3A_482 = arith.constant 0 : i32
      %dma_start3A_483 = tpu.memref_slice %arg8[%add3A_449, %dma_start3A_482] : memref<10240x64xf32, #tpu.memory_space<vmem_shared>> -> memref<16x64xf32, #tpu.memory_space<vmem_shared>>
      tpu.enqueue_dma source(%arg12 : memref<16x64xf32, #tpu.memory_space<vmem>>) target(%dma_start3A_483 : memref<16x64xf32, #tpu.memory_space<vmem_shared>>) target_semaphore(%run_scoped3A : memref<!tpu.dma_semaphore, #tpu.memory_space<semaphore_mem>>)
      %dma_wait3A = arith.constant 0 : i32
      %dma_wait3A_484 = tpu.memref_slice %arg8[%add3A_449, %dma_wait3A] : memref<10240x64xf32, #tpu.memory_space<vmem_shared>> -> memref<16x64xf32, #tpu.memory_space<vmem_shared>>
      %dma_wait3A_485 = arith.constant 0 : i32
      %dma_wait3A_486 = tpu.memref_slice %arg8[%add3A_449, %dma_wait3A_485] : memref<10240x64xf32, #tpu.memory_space<vmem_shared>> -> memref<16x64xf32, #tpu.memory_space<vmem_shared>>
      tpu.wait_dma2 semaphore(%run_scoped3A : memref<!tpu.dma_semaphore, #tpu.memory_space<semaphore_mem>>) src(%arg12 : memref<16x64xf32, #tpu.memory_space<vmem>>) dst(%dma_wait3A_486 : memref<16x64xf32, #tpu.memory_space<vmem_shared>>)
      tpu.yield
    }) : () -> ()
    %add3A_450 = arith.constant 512 : i32
    %add3A_451 = arith.addi %mul3A_0, %add3A_450 : i32
    "tpu.region"() ({
      %run_scoped3A = tpu.sem_alloc : memref<!tpu.dma_semaphore, #tpu.memory_space<semaphore_mem>>
      %dma_start3A = arith.constant 0 : i32
      %dma_start3A_481 = tpu.memref_slice %arg8[%add3A_451, %dma_start3A] : memref<10240x64xf32, #tpu.memory_space<vmem_shared>> -> memref<16x64xf32, #tpu.memory_space<vmem_shared>>
      %dma_start3A_482 = arith.constant 0 : i32
      %dma_start3A_483 = tpu.memref_slice %arg8[%add3A_451, %dma_start3A_482] : memref<10240x64xf32, #tpu.memory_space<vmem_shared>> -> memref<16x64xf32, #tpu.memory_space<vmem_shared>>
      tpu.enqueue_dma source(%arg12 : memref<16x64xf32, #tpu.memory_space<vmem>>) target(%dma_start3A_483 : memref<16x64xf32, #tpu.memory_space<vmem_shared>>) target_semaphore(%run_scoped3A : memref<!tpu.dma_semaphore, #tpu.memory_space<semaphore_mem>>)
      %dma_wait3A = arith.constant 0 : i32
      %dma_wait3A_484 = tpu.memref_slice %arg8[%add3A_451, %dma_wait3A] : memref<10240x64xf32, #tpu.memory_space<vmem_shared>> -> memref<16x64xf32, #tpu.memory_space<vmem_shared>>
      %dma_wait3A_485 = arith.constant 0 : i32
      %dma_wait3A_486 = tpu.memref_slice %arg8[%add3A_451, %dma_wait3A_485] : memref<10240x64xf32, #tpu.memory_space<vmem_shared>> -> memref<16x64xf32, #tpu.memory_space<vmem_shared>>
      tpu.wait_dma2 semaphore(%run_scoped3A : memref<!tpu.dma_semaphore, #tpu.memory_space<semaphore_mem>>) src(%arg12 : memref<16x64xf32, #tpu.memory_space<vmem>>) dst(%dma_wait3A_486 : memref<16x64xf32, #tpu.memory_space<vmem_shared>>)
      tpu.yield
    }) : () -> ()
    %add3A_452 = arith.constant 528 : i32
    %add3A_453 = arith.addi %mul3A_0, %add3A_452 : i32
    "tpu.region"() ({
      %run_scoped3A = tpu.sem_alloc : memref<!tpu.dma_semaphore, #tpu.memory_space<semaphore_mem>>
      %dma_start3A = arith.constant 0 : i32
      %dma_start3A_481 = tpu.memref_slice %arg8[%add3A_453, %dma_start3A] : memref<10240x64xf32, #tpu.memory_space<vmem_shared>> -> memref<16x64xf32, #tpu.memory_space<vmem_shared>>
      %dma_start3A_482 = arith.constant 0 : i32
      %dma_start3A_483 = tpu.memref_slice %arg8[%add3A_453, %dma_start3A_482] : memref<10240x64xf32, #tpu.memory_space<vmem_shared>> -> memref<16x64xf32, #tpu.memory_space<vmem_shared>>
      tpu.enqueue_dma source(%arg12 : memref<16x64xf32, #tpu.memory_space<vmem>>) target(%dma_start3A_483 : memref<16x64xf32, #tpu.memory_space<vmem_shared>>) target_semaphore(%run_scoped3A : memref<!tpu.dma_semaphore, #tpu.memory_space<semaphore_mem>>)
      %dma_wait3A = arith.constant 0 : i32
      %dma_wait3A_484 = tpu.memref_slice %arg8[%add3A_453, %dma_wait3A] : memref<10240x64xf32, #tpu.memory_space<vmem_shared>> -> memref<16x64xf32, #tpu.memory_space<vmem_shared>>
      %dma_wait3A_485 = arith.constant 0 : i32
      %dma_wait3A_486 = tpu.memref_slice %arg8[%add3A_453, %dma_wait3A_485] : memref<10240x64xf32, #tpu.memory_space<vmem_shared>> -> memref<16x64xf32, #tpu.memory_space<vmem_shared>>
      tpu.wait_dma2 semaphore(%run_scoped3A : memref<!tpu.dma_semaphore, #tpu.memory_space<semaphore_mem>>) src(%arg12 : memref<16x64xf32, #tpu.memory_space<vmem>>) dst(%dma_wait3A_486 : memref<16x64xf32, #tpu.memory_space<vmem_shared>>)
      tpu.yield
    }) : () -> ()
    %add3A_454 = arith.constant 544 : i32
    %add3A_455 = arith.addi %mul3A_0, %add3A_454 : i32
    "tpu.region"() ({
      %run_scoped3A = tpu.sem_alloc : memref<!tpu.dma_semaphore, #tpu.memory_space<semaphore_mem>>
      %dma_start3A = arith.constant 0 : i32
      %dma_start3A_481 = tpu.memref_slice %arg8[%add3A_455, %dma_start3A] : memref<10240x64xf32, #tpu.memory_space<vmem_shared>> -> memref<16x64xf32, #tpu.memory_space<vmem_shared>>
      %dma_start3A_482 = arith.constant 0 : i32
      %dma_start3A_483 = tpu.memref_slice %arg8[%add3A_455, %dma_start3A_482] : memref<10240x64xf32, #tpu.memory_space<vmem_shared>> -> memref<16x64xf32, #tpu.memory_space<vmem_shared>>
      tpu.enqueue_dma source(%arg12 : memref<16x64xf32, #tpu.memory_space<vmem>>) target(%dma_start3A_483 : memref<16x64xf32, #tpu.memory_space<vmem_shared>>) target_semaphore(%run_scoped3A : memref<!tpu.dma_semaphore, #tpu.memory_space<semaphore_mem>>)
      %dma_wait3A = arith.constant 0 : i32
      %dma_wait3A_484 = tpu.memref_slice %arg8[%add3A_455, %dma_wait3A] : memref<10240x64xf32, #tpu.memory_space<vmem_shared>> -> memref<16x64xf32, #tpu.memory_space<vmem_shared>>
      %dma_wait3A_485 = arith.constant 0 : i32
      %dma_wait3A_486 = tpu.memref_slice %arg8[%add3A_455, %dma_wait3A_485] : memref<10240x64xf32, #tpu.memory_space<vmem_shared>> -> memref<16x64xf32, #tpu.memory_space<vmem_shared>>
      tpu.wait_dma2 semaphore(%run_scoped3A : memref<!tpu.dma_semaphore, #tpu.memory_space<semaphore_mem>>) src(%arg12 : memref<16x64xf32, #tpu.memory_space<vmem>>) dst(%dma_wait3A_486 : memref<16x64xf32, #tpu.memory_space<vmem_shared>>)
      tpu.yield
    }) : () -> ()
    %add3A_456 = arith.constant 560 : i32
    %add3A_457 = arith.addi %mul3A_0, %add3A_456 : i32
    "tpu.region"() ({
      %run_scoped3A = tpu.sem_alloc : memref<!tpu.dma_semaphore, #tpu.memory_space<semaphore_mem>>
      %dma_start3A = arith.constant 0 : i32
      %dma_start3A_481 = tpu.memref_slice %arg8[%add3A_457, %dma_start3A] : memref<10240x64xf32, #tpu.memory_space<vmem_shared>> -> memref<16x64xf32, #tpu.memory_space<vmem_shared>>
      %dma_start3A_482 = arith.constant 0 : i32
      %dma_start3A_483 = tpu.memref_slice %arg8[%add3A_457, %dma_start3A_482] : memref<10240x64xf32, #tpu.memory_space<vmem_shared>> -> memref<16x64xf32, #tpu.memory_space<vmem_shared>>
      tpu.enqueue_dma source(%arg12 : memref<16x64xf32, #tpu.memory_space<vmem>>) target(%dma_start3A_483 : memref<16x64xf32, #tpu.memory_space<vmem_shared>>) target_semaphore(%run_scoped3A : memref<!tpu.dma_semaphore, #tpu.memory_space<semaphore_mem>>)
      %dma_wait3A = arith.constant 0 : i32
      %dma_wait3A_484 = tpu.memref_slice %arg8[%add3A_457, %dma_wait3A] : memref<10240x64xf32, #tpu.memory_space<vmem_shared>> -> memref<16x64xf32, #tpu.memory_space<vmem_shared>>
      %dma_wait3A_485 = arith.constant 0 : i32
      %dma_wait3A_486 = tpu.memref_slice %arg8[%add3A_457, %dma_wait3A_485] : memref<10240x64xf32, #tpu.memory_space<vmem_shared>> -> memref<16x64xf32, #tpu.memory_space<vmem_shared>>
      tpu.wait_dma2 semaphore(%run_scoped3A : memref<!tpu.dma_semaphore, #tpu.memory_space<semaphore_mem>>) src(%arg12 : memref<16x64xf32, #tpu.memory_space<vmem>>) dst(%dma_wait3A_486 : memref<16x64xf32, #tpu.memory_space<vmem_shared>>)
      tpu.yield
    }) : () -> ()
    %add3A_458 = arith.constant 576 : i32
    %add3A_459 = arith.addi %mul3A_0, %add3A_458 : i32
    "tpu.region"() ({
      %run_scoped3A = tpu.sem_alloc : memref<!tpu.dma_semaphore, #tpu.memory_space<semaphore_mem>>
      %dma_start3A = arith.constant 0 : i32
      %dma_start3A_481 = tpu.memref_slice %arg8[%add3A_459, %dma_start3A] : memref<10240x64xf32, #tpu.memory_space<vmem_shared>> -> memref<16x64xf32, #tpu.memory_space<vmem_shared>>
      %dma_start3A_482 = arith.constant 0 : i32
      %dma_start3A_483 = tpu.memref_slice %arg8[%add3A_459, %dma_start3A_482] : memref<10240x64xf32, #tpu.memory_space<vmem_shared>> -> memref<16x64xf32, #tpu.memory_space<vmem_shared>>
      tpu.enqueue_dma source(%arg12 : memref<16x64xf32, #tpu.memory_space<vmem>>) target(%dma_start3A_483 : memref<16x64xf32, #tpu.memory_space<vmem_shared>>) target_semaphore(%run_scoped3A : memref<!tpu.dma_semaphore, #tpu.memory_space<semaphore_mem>>)
      %dma_wait3A = arith.constant 0 : i32
      %dma_wait3A_484 = tpu.memref_slice %arg8[%add3A_459, %dma_wait3A] : memref<10240x64xf32, #tpu.memory_space<vmem_shared>> -> memref<16x64xf32, #tpu.memory_space<vmem_shared>>
      %dma_wait3A_485 = arith.constant 0 : i32
      %dma_wait3A_486 = tpu.memref_slice %arg8[%add3A_459, %dma_wait3A_485] : memref<10240x64xf32, #tpu.memory_space<vmem_shared>> -> memref<16x64xf32, #tpu.memory_space<vmem_shared>>
      tpu.wait_dma2 semaphore(%run_scoped3A : memref<!tpu.dma_semaphore, #tpu.memory_space<semaphore_mem>>) src(%arg12 : memref<16x64xf32, #tpu.memory_space<vmem>>) dst(%dma_wait3A_486 : memref<16x64xf32, #tpu.memory_space<vmem_shared>>)
      tpu.yield
    }) : () -> ()
    %add3A_460 = arith.constant 592 : i32
    %add3A_461 = arith.addi %mul3A_0, %add3A_460 : i32
    "tpu.region"() ({
      %run_scoped3A = tpu.sem_alloc : memref<!tpu.dma_semaphore, #tpu.memory_space<semaphore_mem>>
      %dma_start3A = arith.constant 0 : i32
      %dma_start3A_481 = tpu.memref_slice %arg8[%add3A_461, %dma_start3A] : memref<10240x64xf32, #tpu.memory_space<vmem_shared>> -> memref<16x64xf32, #tpu.memory_space<vmem_shared>>
      %dma_start3A_482 = arith.constant 0 : i32
      %dma_start3A_483 = tpu.memref_slice %arg8[%add3A_461, %dma_start3A_482] : memref<10240x64xf32, #tpu.memory_space<vmem_shared>> -> memref<16x64xf32, #tpu.memory_space<vmem_shared>>
      tpu.enqueue_dma source(%arg12 : memref<16x64xf32, #tpu.memory_space<vmem>>) target(%dma_start3A_483 : memref<16x64xf32, #tpu.memory_space<vmem_shared>>) target_semaphore(%run_scoped3A : memref<!tpu.dma_semaphore, #tpu.memory_space<semaphore_mem>>)
      %dma_wait3A = arith.constant 0 : i32
      %dma_wait3A_484 = tpu.memref_slice %arg8[%add3A_461, %dma_wait3A] : memref<10240x64xf32, #tpu.memory_space<vmem_shared>> -> memref<16x64xf32, #tpu.memory_space<vmem_shared>>
      %dma_wait3A_485 = arith.constant 0 : i32
      %dma_wait3A_486 = tpu.memref_slice %arg8[%add3A_461, %dma_wait3A_485] : memref<10240x64xf32, #tpu.memory_space<vmem_shared>> -> memref<16x64xf32, #tpu.memory_space<vmem_shared>>
      tpu.wait_dma2 semaphore(%run_scoped3A : memref<!tpu.dma_semaphore, #tpu.memory_space<semaphore_mem>>) src(%arg12 : memref<16x64xf32, #tpu.memory_space<vmem>>) dst(%dma_wait3A_486 : memref<16x64xf32, #tpu.memory_space<vmem_shared>>)
      tpu.yield
    }) : () -> ()
    %add3A_462 = arith.constant 608 : i32
    %add3A_463 = arith.addi %mul3A_0, %add3A_462 : i32
    "tpu.region"() ({
      %run_scoped3A = tpu.sem_alloc : memref<!tpu.dma_semaphore, #tpu.memory_space<semaphore_mem>>
      %dma_start3A = arith.constant 0 : i32
      %dma_start3A_481 = tpu.memref_slice %arg8[%add3A_463, %dma_start3A] : memref<10240x64xf32, #tpu.memory_space<vmem_shared>> -> memref<16x64xf32, #tpu.memory_space<vmem_shared>>
      %dma_start3A_482 = arith.constant 0 : i32
      %dma_start3A_483 = tpu.memref_slice %arg8[%add3A_463, %dma_start3A_482] : memref<10240x64xf32, #tpu.memory_space<vmem_shared>> -> memref<16x64xf32, #tpu.memory_space<vmem_shared>>
      tpu.enqueue_dma source(%arg12 : memref<16x64xf32, #tpu.memory_space<vmem>>) target(%dma_start3A_483 : memref<16x64xf32, #tpu.memory_space<vmem_shared>>) target_semaphore(%run_scoped3A : memref<!tpu.dma_semaphore, #tpu.memory_space<semaphore_mem>>)
      %dma_wait3A = arith.constant 0 : i32
      %dma_wait3A_484 = tpu.memref_slice %arg8[%add3A_463, %dma_wait3A] : memref<10240x64xf32, #tpu.memory_space<vmem_shared>> -> memref<16x64xf32, #tpu.memory_space<vmem_shared>>
      %dma_wait3A_485 = arith.constant 0 : i32
      %dma_wait3A_486 = tpu.memref_slice %arg8[%add3A_463, %dma_wait3A_485] : memref<10240x64xf32, #tpu.memory_space<vmem_shared>> -> memref<16x64xf32, #tpu.memory_space<vmem_shared>>
      tpu.wait_dma2 semaphore(%run_scoped3A : memref<!tpu.dma_semaphore, #tpu.memory_space<semaphore_mem>>) src(%arg12 : memref<16x64xf32, #tpu.memory_space<vmem>>) dst(%dma_wait3A_486 : memref<16x64xf32, #tpu.memory_space<vmem_shared>>)
      tpu.yield
    }) : () -> ()
    %add3A_464 = arith.constant 624 : i32
    %add3A_465 = arith.addi %mul3A_0, %add3A_464 : i32
    "tpu.region"() ({
      %run_scoped3A = tpu.sem_alloc : memref<!tpu.dma_semaphore, #tpu.memory_space<semaphore_mem>>
      %dma_start3A = arith.constant 0 : i32
      %dma_start3A_481 = tpu.memref_slice %arg8[%add3A_465, %dma_start3A] : memref<10240x64xf32, #tpu.memory_space<vmem_shared>> -> memref<16x64xf32, #tpu.memory_space<vmem_shared>>
      %dma_start3A_482 = arith.constant 0 : i32
      %dma_start3A_483 = tpu.memref_slice %arg8[%add3A_465, %dma_start3A_482] : memref<10240x64xf32, #tpu.memory_space<vmem_shared>> -> memref<16x64xf32, #tpu.memory_space<vmem_shared>>
      tpu.enqueue_dma source(%arg12 : memref<16x64xf32, #tpu.memory_space<vmem>>) target(%dma_start3A_483 : memref<16x64xf32, #tpu.memory_space<vmem_shared>>) target_semaphore(%run_scoped3A : memref<!tpu.dma_semaphore, #tpu.memory_space<semaphore_mem>>)
      %dma_wait3A = arith.constant 0 : i32
      %dma_wait3A_484 = tpu.memref_slice %arg8[%add3A_465, %dma_wait3A] : memref<10240x64xf32, #tpu.memory_space<vmem_shared>> -> memref<16x64xf32, #tpu.memory_space<vmem_shared>>
      %dma_wait3A_485 = arith.constant 0 : i32
      %dma_wait3A_486 = tpu.memref_slice %arg8[%add3A_465, %dma_wait3A_485] : memref<10240x64xf32, #tpu.memory_space<vmem_shared>> -> memref<16x64xf32, #tpu.memory_space<vmem_shared>>
      tpu.wait_dma2 semaphore(%run_scoped3A : memref<!tpu.dma_semaphore, #tpu.memory_space<semaphore_mem>>) src(%arg12 : memref<16x64xf32, #tpu.memory_space<vmem>>) dst(%dma_wait3A_486 : memref<16x64xf32, #tpu.memory_space<vmem_shared>>)
      tpu.yield
    }) : () -> ()
    %eq3A = arith.constant 0 : i32
    %eq3A_466 = arith.cmpi eq, %arg0, %eq3A : i32
    %convert_element_type3A = arith.extui %eq3A_466 : i1 to i32
    %cond3A = arith.constant 0 : i32
    %cond3A_467 = arith.cmpi ne, %convert_element_type3A, %cond3A : i32
    scf.if %cond3A_467 {
      "tpu.region"() ({
        %run_scoped3A = tpu.sem_alloc : memref<!tpu.dma_semaphore, #tpu.memory_space<semaphore_mem>>
        %dma_start3A = arith.constant 0 : i32
        %dma_start3A_481 = tpu.memref_slice %arg7[%mul3A_0, %dma_start3A] : memref<10240x64xf32, #tpu.memory_space<vmem_shared>> -> memref<640x64xf32, #tpu.memory_space<vmem_shared>>
        %dma_start3A_482 = arith.constant 0 : i32
        %dma_start3A_483 = tpu.memref_slice %arg4[%mul3A_0, %dma_start3A_482] : memref<10240x64xf32, #tpu.memory_space<hbm>> -> memref<640x64xf32, #tpu.memory_space<hbm>>
        tpu.enqueue_dma source(%dma_start3A_483 : memref<640x64xf32, #tpu.memory_space<hbm>>) target(%dma_start3A_481 : memref<640x64xf32, #tpu.memory_space<vmem_shared>>) target_semaphore(%run_scoped3A : memref<!tpu.dma_semaphore, #tpu.memory_space<semaphore_mem>>)
        %dma_wait3A = arith.constant 0 : i32
        %dma_wait3A_484 = tpu.memref_slice %arg7[%mul3A_0, %dma_wait3A] : memref<10240x64xf32, #tpu.memory_space<vmem_shared>> -> memref<640x64xf32, #tpu.memory_space<vmem_shared>>
        %dma_wait3A_485 = arith.constant 0 : i32
        %dma_wait3A_486 = tpu.memref_slice %arg4[%mul3A_0, %dma_wait3A_485] : memref<10240x64xf32, #tpu.memory_space<hbm>> -> memref<640x64xf32, #tpu.memory_space<hbm>>
        tpu.wait_dma2 semaphore(%run_scoped3A : memref<!tpu.dma_semaphore, #tpu.memory_space<semaphore_mem>>) src(%dma_wait3A_486 : memref<640x64xf32, #tpu.memory_space<hbm>>) dst(%dma_wait3A_484 : memref<640x64xf32, #tpu.memory_space<vmem_shared>>)
        tpu.yield
      }) : () -> ()
    } else {
    }
    %eq3A_468 = arith.constant 1 : i32
    %eq3A_469 = arith.cmpi eq, %arg0, %eq3A_468 : i32
    %convert_element_type3A_470 = arith.extui %eq3A_469 : i1 to i32
    %cond3A_471 = arith.constant 0 : i32
    %cond3A_472 = arith.cmpi ne, %convert_element_type3A_470, %cond3A_471 : i32
    scf.if %cond3A_472 {
      "tpu.region"() ({
        %run_scoped3A = tpu.sem_alloc : memref<!tpu.dma_semaphore, #tpu.memory_space<semaphore_mem>>
        %dma_start3A = arith.constant 0 : i32
        %dma_start3A_481 = tpu.memref_slice %arg7[%mul3A_0, %dma_start3A] : memref<10240x64xf32, #tpu.memory_space<vmem_shared>> -> memref<640x64xf32, #tpu.memory_space<vmem_shared>>
        %dma_start3A_482 = arith.constant 0 : i32
        %dma_start3A_483 = tpu.memref_slice %arg5[%mul3A_0, %dma_start3A_482] : memref<10240x64xf32, #tpu.memory_space<hbm>> -> memref<640x64xf32, #tpu.memory_space<hbm>>
        tpu.enqueue_dma source(%dma_start3A_483 : memref<640x64xf32, #tpu.memory_space<hbm>>) target(%dma_start3A_481 : memref<640x64xf32, #tpu.memory_space<vmem_shared>>) target_semaphore(%run_scoped3A : memref<!tpu.dma_semaphore, #tpu.memory_space<semaphore_mem>>)
        %dma_wait3A = arith.constant 0 : i32
        %dma_wait3A_484 = tpu.memref_slice %arg7[%mul3A_0, %dma_wait3A] : memref<10240x64xf32, #tpu.memory_space<vmem_shared>> -> memref<640x64xf32, #tpu.memory_space<vmem_shared>>
        %dma_wait3A_485 = arith.constant 0 : i32
        %dma_wait3A_486 = tpu.memref_slice %arg5[%mul3A_0, %dma_wait3A_485] : memref<10240x64xf32, #tpu.memory_space<hbm>> -> memref<640x64xf32, #tpu.memory_space<hbm>>
        tpu.wait_dma2 semaphore(%run_scoped3A : memref<!tpu.dma_semaphore, #tpu.memory_space<semaphore_mem>>) src(%dma_wait3A_486 : memref<640x64xf32, #tpu.memory_space<hbm>>) dst(%dma_wait3A_484 : memref<640x64xf32, #tpu.memory_space<vmem_shared>>)
        tpu.yield
      }) : () -> ()
    } else {
    }
    %barrier3A = arith.constant 0 : index
    tpu.barrier barrier_id(%barrier3A)
    %scan3A = arith.constant 0 : i32
    %scan3A_473 = arith.constant 20 : i32
    %scan3A_474 = arith.addi %scan3A, %scan3A_473 : i32
    %scan3A_475 = arith.constant 1 : i32
    scf.for %scan3A_481 = %scan3A to %scan3A_474 step %scan3A_475  : i32 {
      %mul3A_482 = arith.constant 1 : i32
      %mul3A_483 = arith.muli %scan3A_481, %mul3A_482 : i32
      %add3A_484 = arith.constant 0 : i32
      %add3A_485 = arith.addi %add3A_484, %mul3A_483 : i32
      %mul3A_486 = arith.constant 8 : i32
      %mul3A_487 = arith.muli %add3A_485, %mul3A_486 : i32
      %add3A_488 = arith.addi %mul3A_2, %mul3A_487 : i32
      "tpu.region"() ({
        %run_scoped3A_507 = tpu.sem_alloc : memref<!tpu.dma_semaphore, #tpu.memory_space<semaphore_mem>>
        %dma_start3A = arith.constant 0 : i32
        %dma_start3A_508 = tpu.memref_slice %arg2[%add3A_488, %dma_start3A] : memref<2560x128xi32, #tpu.memory_space<hbm>> -> memref<8x128xi32, #tpu.memory_space<hbm>>
        %dma_start3A_509 = arith.constant 0 : i32
        %dma_start3A_510 = tpu.memref_slice %arg2[%add3A_488, %dma_start3A_509] : memref<2560x128xi32, #tpu.memory_space<hbm>> -> memref<8x128xi32, #tpu.memory_space<hbm>>
        tpu.enqueue_dma source(%dma_start3A_510 : memref<8x128xi32, #tpu.memory_space<hbm>>) target(%arg10 : memref<8x128xi32, #tpu.memory_space<vmem>>) target_semaphore(%run_scoped3A_507 : memref<!tpu.dma_semaphore, #tpu.memory_space<semaphore_mem>>)
        %dma_wait3A = arith.constant 0 : i32
        %dma_wait3A_511 = tpu.memref_slice %arg2[%add3A_488, %dma_wait3A] : memref<2560x128xi32, #tpu.memory_space<hbm>> -> memref<8x128xi32, #tpu.memory_space<hbm>>
        %dma_wait3A_512 = arith.constant 0 : i32
        %dma_wait3A_513 = tpu.memref_slice %arg2[%add3A_488, %dma_wait3A_512] : memref<2560x128xi32, #tpu.memory_space<hbm>> -> memref<8x128xi32, #tpu.memory_space<hbm>>
        tpu.wait_dma2 semaphore(%run_scoped3A_507 : memref<!tpu.dma_semaphore, #tpu.memory_space<semaphore_mem>>) src(%dma_wait3A_513 : memref<8x128xi32, #tpu.memory_space<hbm>>) dst(%arg10 : memref<8x128xi32, #tpu.memory_space<vmem>>)
        tpu.yield
      }) : () -> ()
      %mul3A_489 = arith.constant 8 : i32
      %mul3A_490 = arith.muli %add3A_485, %mul3A_489 : i32
      %add3A_491 = arith.addi %mul3A_2, %mul3A_490 : i32
      "tpu.region"() ({
        %run_scoped3A_507 = tpu.sem_alloc : memref<!tpu.dma_semaphore, #tpu.memory_space<semaphore_mem>>
        %dma_start3A = arith.constant 0 : i32
        %dma_start3A_508 = tpu.memref_slice %arg3[%add3A_491, %dma_start3A] : memref<2560x128xi32, #tpu.memory_space<hbm>> -> memref<8x128xi32, #tpu.memory_space<hbm>>
        %dma_start3A_509 = arith.constant 0 : i32
        %dma_start3A_510 = tpu.memref_slice %arg3[%add3A_491, %dma_start3A_509] : memref<2560x128xi32, #tpu.memory_space<hbm>> -> memref<8x128xi32, #tpu.memory_space<hbm>>
        tpu.enqueue_dma source(%dma_start3A_510 : memref<8x128xi32, #tpu.memory_space<hbm>>) target(%arg11 : memref<8x128xi32, #tpu.memory_space<vmem>>) target_semaphore(%run_scoped3A_507 : memref<!tpu.dma_semaphore, #tpu.memory_space<semaphore_mem>>)
        %dma_wait3A = arith.constant 0 : i32
        %dma_wait3A_511 = tpu.memref_slice %arg3[%add3A_491, %dma_wait3A] : memref<2560x128xi32, #tpu.memory_space<hbm>> -> memref<8x128xi32, #tpu.memory_space<hbm>>
        %dma_wait3A_512 = arith.constant 0 : i32
        %dma_wait3A_513 = tpu.memref_slice %arg3[%add3A_491, %dma_wait3A_512] : memref<2560x128xi32, #tpu.memory_space<hbm>> -> memref<8x128xi32, #tpu.memory_space<hbm>>
        tpu.wait_dma2 semaphore(%run_scoped3A_507 : memref<!tpu.dma_semaphore, #tpu.memory_space<semaphore_mem>>) src(%dma_wait3A_513 : memref<8x128xi32, #tpu.memory_space<hbm>>) dst(%arg11 : memref<8x128xi32, #tpu.memory_space<vmem>>)
        tpu.yield
      }) : () -> ()
      %run_scoped3A = arith.constant 0 : i32
      "tpu.region"() ({
        %run_scoped3A_507 = tpu.sem_alloc : memref<!tpu.dma_semaphore, #tpu.memory_space<semaphore_mem>>
        %dma_start3A = arith.constant 0 : i32
        %dma_start3A_508 = tpu.memref_slice %arg11[%run_scoped3A, %dma_start3A] : memref<8x128xi32, #tpu.memory_space<vmem>> -> memref<1x128xi32, #tpu.memory_space<vmem>>
        %dma_start3A_509 = tpu.memref_squeeze %dma_start3A_508 : memref<1x128xi32, #tpu.memory_space<vmem>> -> memref<128xi32, #tpu.memory_space<vmem>>
        %dma_start3A_510 = arith.constant 0 : i32
        %dma_start3A_511 = arith.constant 0 : i32
        %dma_start3A_512 = tpu.memref_slice %arg7[%dma_start3A_510, %dma_start3A_511] : memref<10240x64xf32, #tpu.memory_space<vmem_shared>> -> memref<10240x64xf32, #tpu.memory_space<vmem_shared>>
        tpu.enqueue_indirect_dma source(%dma_start3A_512 : memref<10240x64xf32, #tpu.memory_space<vmem_shared>>) target(%arg9 : memref<128x64xf32, #tpu.memory_space<vmem>>) offsets(%dma_start3A_509 : memref<128xi32, #tpu.memory_space<vmem>>) semaphore(%run_scoped3A_507 : memref<!tpu.dma_semaphore, #tpu.memory_space<semaphore_mem>>)
        %dma_wait3A = arith.constant 0 : i32
        %dma_wait3A_513 = tpu.memref_slice %arg11[%run_scoped3A, %dma_wait3A] : memref<8x128xi32, #tpu.memory_space<vmem>> -> memref<1x128xi32, #tpu.memory_space<vmem>>
        %dma_wait3A_514 = tpu.memref_squeeze %dma_wait3A_513 : memref<1x128xi32, #tpu.memory_space<vmem>> -> memref<128xi32, #tpu.memory_space<vmem>>
        %dma_wait3A_515 = arith.constant 0 : i32
        %dma_wait3A_516 = arith.constant 0 : i32
        %dma_wait3A_517 = tpu.memref_slice %arg7[%dma_wait3A_515, %dma_wait3A_516] : memref<10240x64xf32, #tpu.memory_space<vmem_shared>> -> memref<10240x64xf32, #tpu.memory_space<vmem_shared>>
        tpu.wait_indirect_dma semaphore(%run_scoped3A_507 : memref<!tpu.dma_semaphore, #tpu.memory_space<semaphore_mem>>) src(%dma_wait3A_517 : memref<10240x64xf32, #tpu.memory_space<vmem_shared>>) dst(%arg9 : memref<128x64xf32, #tpu.memory_space<vmem>>)
        tpu.yield
      }) : () -> ()
      %run_scoped3A_492 = arith.constant 0 : i32
      "tpu.region"() ({
        %run_scoped3A_507 = tpu.sem_alloc : memref<!tpu.dma_semaphore, #tpu.memory_space<semaphore_mem>>
        %dma_start3A = arith.constant 0 : i32
        %dma_start3A_508 = tpu.memref_slice %arg10[%run_scoped3A_492, %dma_start3A] : memref<8x128xi32, #tpu.memory_space<vmem>> -> memref<1x128xi32, #tpu.memory_space<vmem>>
        %dma_start3A_509 = tpu.memref_squeeze %dma_start3A_508 : memref<1x128xi32, #tpu.memory_space<vmem>> -> memref<128xi32, #tpu.memory_space<vmem>>
        %dma_start3A_510 = arith.constant 0 : i32
        %dma_start3A_511 = arith.constant 0 : i32
        %dma_start3A_512 = tpu.memref_slice %arg8[%dma_start3A_510, %dma_start3A_511] : memref<10240x64xf32, #tpu.memory_space<vmem_shared>> -> memref<10240x64xf32, #tpu.memory_space<vmem_shared>>
        tpu.enqueue_indirect_dma source(%arg9 : memref<128x64xf32, #tpu.memory_space<vmem>>) target(%dma_start3A_512 : memref<10240x64xf32, #tpu.memory_space<vmem_shared>>) offsets(%dma_start3A_509 : memref<128xi32, #tpu.memory_space<vmem>>) semaphore(%run_scoped3A_507 : memref<!tpu.dma_semaphore, #tpu.memory_space<semaphore_mem>>) {add = true}
        %dma_wait3A = arith.constant 0 : i32
        %dma_wait3A_513 = tpu.memref_slice %arg10[%run_scoped3A_492, %dma_wait3A] : memref<8x128xi32, #tpu.memory_space<vmem>> -> memref<1x128xi32, #tpu.memory_space<vmem>>
        %dma_wait3A_514 = tpu.memref_squeeze %dma_wait3A_513 : memref<1x128xi32, #tpu.memory_space<vmem>> -> memref<128xi32, #tpu.memory_space<vmem>>
        %dma_wait3A_515 = arith.constant 0 : i32
        %dma_wait3A_516 = arith.constant 0 : i32
        %dma_wait3A_517 = tpu.memref_slice %arg8[%dma_wait3A_515, %dma_wait3A_516] : memref<10240x64xf32, #tpu.memory_space<vmem_shared>> -> memref<10240x64xf32, #tpu.memory_space<vmem_shared>>
        tpu.wait_indirect_dma semaphore(%run_scoped3A_507 : memref<!tpu.dma_semaphore, #tpu.memory_space<semaphore_mem>>) src(%arg9 : memref<128x64xf32, #tpu.memory_space<vmem>>) dst(%dma_wait3A_517 : memref<10240x64xf32, #tpu.memory_space<vmem_shared>>)
        tpu.yield
      }) : () -> ()
      %run_scoped3A_493 = arith.constant 1 : i32
      "tpu.region"() ({
        %run_scoped3A_507 = tpu.sem_alloc : memref<!tpu.dma_semaphore, #tpu.memory_space<semaphore_mem>>
        %dma_start3A = arith.constant 0 : i32
        %dma_start3A_508 = tpu.memref_slice %arg11[%run_scoped3A_493, %dma_start3A] : memref<8x128xi32, #tpu.memory_space<vmem>> -> memref<1x128xi32, #tpu.memory_space<vmem>>
        %dma_start3A_509 = tpu.memref_squeeze %dma_start3A_508 : memref<1x128xi32, #tpu.memory_space<vmem>> -> memref<128xi32, #tpu.memory_space<vmem>>
        %dma_start3A_510 = arith.constant 0 : i32
        %dma_start3A_511 = arith.constant 0 : i32
        %dma_start3A_512 = tpu.memref_slice %arg7[%dma_start3A_510, %dma_start3A_511] : memref<10240x64xf32, #tpu.memory_space<vmem_shared>> -> memref<10240x64xf32, #tpu.memory_space<vmem_shared>>
        tpu.enqueue_indirect_dma source(%dma_start3A_512 : memref<10240x64xf32, #tpu.memory_space<vmem_shared>>) target(%arg9 : memref<128x64xf32, #tpu.memory_space<vmem>>) offsets(%dma_start3A_509 : memref<128xi32, #tpu.memory_space<vmem>>) semaphore(%run_scoped3A_507 : memref<!tpu.dma_semaphore, #tpu.memory_space<semaphore_mem>>)
        %dma_wait3A = arith.constant 0 : i32
        %dma_wait3A_513 = tpu.memref_slice %arg11[%run_scoped3A_493, %dma_wait3A] : memref<8x128xi32, #tpu.memory_space<vmem>> -> memref<1x128xi32, #tpu.memory_space<vmem>>
        %dma_wait3A_514 = tpu.memref_squeeze %dma_wait3A_513 : memref<1x128xi32, #tpu.memory_space<vmem>> -> memref<128xi32, #tpu.memory_space<vmem>>
        %dma_wait3A_515 = arith.constant 0 : i32
        %dma_wait3A_516 = arith.constant 0 : i32
        %dma_wait3A_517 = tpu.memref_slice %arg7[%dma_wait3A_515, %dma_wait3A_516] : memref<10240x64xf32, #tpu.memory_space<vmem_shared>> -> memref<10240x64xf32, #tpu.memory_space<vmem_shared>>
        tpu.wait_indirect_dma semaphore(%run_scoped3A_507 : memref<!tpu.dma_semaphore, #tpu.memory_space<semaphore_mem>>) src(%dma_wait3A_517 : memref<10240x64xf32, #tpu.memory_space<vmem_shared>>) dst(%arg9 : memref<128x64xf32, #tpu.memory_space<vmem>>)
        tpu.yield
      }) : () -> ()
      %run_scoped3A_494 = arith.constant 1 : i32
      "tpu.region"() ({
        %run_scoped3A_507 = tpu.sem_alloc : memref<!tpu.dma_semaphore, #tpu.memory_space<semaphore_mem>>
        %dma_start3A = arith.constant 0 : i32
        %dma_start3A_508 = tpu.memref_slice %arg10[%run_scoped3A_494, %dma_start3A] : memref<8x128xi32, #tpu.memory_space<vmem>> -> memref<1x128xi32, #tpu.memory_space<vmem>>
        %dma_start3A_509 = tpu.memref_squeeze %dma_start3A_508 : memref<1x128xi32, #tpu.memory_space<vmem>> -> memref<128xi32, #tpu.memory_space<vmem>>
        %dma_start3A_510 = arith.constant 0 : i32
        %dma_start3A_511 = arith.constant 0 : i32
        %dma_start3A_512 = tpu.memref_slice %arg8[%dma_start3A_510, %dma_start3A_511] : memref<10240x64xf32, #tpu.memory_space<vmem_shared>> -> memref<10240x64xf32, #tpu.memory_space<vmem_shared>>
        tpu.enqueue_indirect_dma source(%arg9 : memref<128x64xf32, #tpu.memory_space<vmem>>) target(%dma_start3A_512 : memref<10240x64xf32, #tpu.memory_space<vmem_shared>>) offsets(%dma_start3A_509 : memref<128xi32, #tpu.memory_space<vmem>>) semaphore(%run_scoped3A_507 : memref<!tpu.dma_semaphore, #tpu.memory_space<semaphore_mem>>) {add = true}
        %dma_wait3A = arith.constant 0 : i32
        %dma_wait3A_513 = tpu.memref_slice %arg10[%run_scoped3A_494, %dma_wait3A] : memref<8x128xi32, #tpu.memory_space<vmem>> -> memref<1x128xi32, #tpu.memory_space<vmem>>
        %dma_wait3A_514 = tpu.memref_squeeze %dma_wait3A_513 : memref<1x128xi32, #tpu.memory_space<vmem>> -> memref<128xi32, #tpu.memory_space<vmem>>
        %dma_wait3A_515 = arith.constant 0 : i32
        %dma_wait3A_516 = arith.constant 0 : i32
        %dma_wait3A_517 = tpu.memref_slice %arg8[%dma_wait3A_515, %dma_wait3A_516] : memref<10240x64xf32, #tpu.memory_space<vmem_shared>> -> memref<10240x64xf32, #tpu.memory_space<vmem_shared>>
        tpu.wait_indirect_dma semaphore(%run_scoped3A_507 : memref<!tpu.dma_semaphore, #tpu.memory_space<semaphore_mem>>) src(%arg9 : memref<128x64xf32, #tpu.memory_space<vmem>>) dst(%dma_wait3A_517 : memref<10240x64xf32, #tpu.memory_space<vmem_shared>>)
        tpu.yield
      }) : () -> ()
      %run_scoped3A_495 = arith.constant 2 : i32
      "tpu.region"() ({
        %run_scoped3A_507 = tpu.sem_alloc : memref<!tpu.dma_semaphore, #tpu.memory_space<semaphore_mem>>
        %dma_start3A = arith.constant 0 : i32
        %dma_start3A_508 = tpu.memref_slice %arg11[%run_scoped3A_495, %dma_start3A] : memref<8x128xi32, #tpu.memory_space<vmem>> -> memref<1x128xi32, #tpu.memory_space<vmem>>
        %dma_start3A_509 = tpu.memref_squeeze %dma_start3A_508 : memref<1x128xi32, #tpu.memory_space<vmem>> -> memref<128xi32, #tpu.memory_space<vmem>>
        %dma_start3A_510 = arith.constant 0 : i32
        %dma_start3A_511 = arith.constant 0 : i32
        %dma_start3A_512 = tpu.memref_slice %arg7[%dma_start3A_510, %dma_start3A_511] : memref<10240x64xf32, #tpu.memory_space<vmem_shared>> -> memref<10240x64xf32, #tpu.memory_space<vmem_shared>>
        tpu.enqueue_indirect_dma source(%dma_start3A_512 : memref<10240x64xf32, #tpu.memory_space<vmem_shared>>) target(%arg9 : memref<128x64xf32, #tpu.memory_space<vmem>>) offsets(%dma_start3A_509 : memref<128xi32, #tpu.memory_space<vmem>>) semaphore(%run_scoped3A_507 : memref<!tpu.dma_semaphore, #tpu.memory_space<semaphore_mem>>)
        %dma_wait3A = arith.constant 0 : i32
        %dma_wait3A_513 = tpu.memref_slice %arg11[%run_scoped3A_495, %dma_wait3A] : memref<8x128xi32, #tpu.memory_space<vmem>> -> memref<1x128xi32, #tpu.memory_space<vmem>>
        %dma_wait3A_514 = tpu.memref_squeeze %dma_wait3A_513 : memref<1x128xi32, #tpu.memory_space<vmem>> -> memref<128xi32, #tpu.memory_space<vmem>>
        %dma_wait3A_515 = arith.constant 0 : i32
        %dma_wait3A_516 = arith.constant 0 : i32
        %dma_wait3A_517 = tpu.memref_slice %arg7[%dma_wait3A_515, %dma_wait3A_516] : memref<10240x64xf32, #tpu.memory_space<vmem_shared>> -> memref<10240x64xf32, #tpu.memory_space<vmem_shared>>
        tpu.wait_indirect_dma semaphore(%run_scoped3A_507 : memref<!tpu.dma_semaphore, #tpu.memory_space<semaphore_mem>>) src(%dma_wait3A_517 : memref<10240x64xf32, #tpu.memory_space<vmem_shared>>) dst(%arg9 : memref<128x64xf32, #tpu.memory_space<vmem>>)
        tpu.yield
      }) : () -> ()
      %run_scoped3A_496 = arith.constant 2 : i32
      "tpu.region"() ({
        %run_scoped3A_507 = tpu.sem_alloc : memref<!tpu.dma_semaphore, #tpu.memory_space<semaphore_mem>>
        %dma_start3A = arith.constant 0 : i32
        %dma_start3A_508 = tpu.memref_slice %arg10[%run_scoped3A_496, %dma_start3A] : memref<8x128xi32, #tpu.memory_space<vmem>> -> memref<1x128xi32, #tpu.memory_space<vmem>>
        %dma_start3A_509 = tpu.memref_squeeze %dma_start3A_508 : memref<1x128xi32, #tpu.memory_space<vmem>> -> memref<128xi32, #tpu.memory_space<vmem>>
        %dma_start3A_510 = arith.constant 0 : i32
        %dma_start3A_511 = arith.constant 0 : i32
        %dma_start3A_512 = tpu.memref_slice %arg8[%dma_start3A_510, %dma_start3A_511] : memref<10240x64xf32, #tpu.memory_space<vmem_shared>> -> memref<10240x64xf32, #tpu.memory_space<vmem_shared>>
        tpu.enqueue_indirect_dma source(%arg9 : memref<128x64xf32, #tpu.memory_space<vmem>>) target(%dma_start3A_512 : memref<10240x64xf32, #tpu.memory_space<vmem_shared>>) offsets(%dma_start3A_509 : memref<128xi32, #tpu.memory_space<vmem>>) semaphore(%run_scoped3A_507 : memref<!tpu.dma_semaphore, #tpu.memory_space<semaphore_mem>>) {add = true}
        %dma_wait3A = arith.constant 0 : i32
        %dma_wait3A_513 = tpu.memref_slice %arg10[%run_scoped3A_496, %dma_wait3A] : memref<8x128xi32, #tpu.memory_space<vmem>> -> memref<1x128xi32, #tpu.memory_space<vmem>>
        %dma_wait3A_514 = tpu.memref_squeeze %dma_wait3A_513 : memref<1x128xi32, #tpu.memory_space<vmem>> -> memref<128xi32, #tpu.memory_space<vmem>>
        %dma_wait3A_515 = arith.constant 0 : i32
        %dma_wait3A_516 = arith.constant 0 : i32
        %dma_wait3A_517 = tpu.memref_slice %arg8[%dma_wait3A_515, %dma_wait3A_516] : memref<10240x64xf32, #tpu.memory_space<vmem_shared>> -> memref<10240x64xf32, #tpu.memory_space<vmem_shared>>
        tpu.wait_indirect_dma semaphore(%run_scoped3A_507 : memref<!tpu.dma_semaphore, #tpu.memory_space<semaphore_mem>>) src(%arg9 : memref<128x64xf32, #tpu.memory_space<vmem>>) dst(%dma_wait3A_517 : memref<10240x64xf32, #tpu.memory_space<vmem_shared>>)
        tpu.yield
      }) : () -> ()
      %run_scoped3A_497 = arith.constant 3 : i32
      "tpu.region"() ({
        %run_scoped3A_507 = tpu.sem_alloc : memref<!tpu.dma_semaphore, #tpu.memory_space<semaphore_mem>>
        %dma_start3A = arith.constant 0 : i32
        %dma_start3A_508 = tpu.memref_slice %arg11[%run_scoped3A_497, %dma_start3A] : memref<8x128xi32, #tpu.memory_space<vmem>> -> memref<1x128xi32, #tpu.memory_space<vmem>>
        %dma_start3A_509 = tpu.memref_squeeze %dma_start3A_508 : memref<1x128xi32, #tpu.memory_space<vmem>> -> memref<128xi32, #tpu.memory_space<vmem>>
        %dma_start3A_510 = arith.constant 0 : i32
        %dma_start3A_511 = arith.constant 0 : i32
        %dma_start3A_512 = tpu.memref_slice %arg7[%dma_start3A_510, %dma_start3A_511] : memref<10240x64xf32, #tpu.memory_space<vmem_shared>> -> memref<10240x64xf32, #tpu.memory_space<vmem_shared>>
        tpu.enqueue_indirect_dma source(%dma_start3A_512 : memref<10240x64xf32, #tpu.memory_space<vmem_shared>>) target(%arg9 : memref<128x64xf32, #tpu.memory_space<vmem>>) offsets(%dma_start3A_509 : memref<128xi32, #tpu.memory_space<vmem>>) semaphore(%run_scoped3A_507 : memref<!tpu.dma_semaphore, #tpu.memory_space<semaphore_mem>>)
        %dma_wait3A = arith.constant 0 : i32
        %dma_wait3A_513 = tpu.memref_slice %arg11[%run_scoped3A_497, %dma_wait3A] : memref<8x128xi32, #tpu.memory_space<vmem>> -> memref<1x128xi32, #tpu.memory_space<vmem>>
        %dma_wait3A_514 = tpu.memref_squeeze %dma_wait3A_513 : memref<1x128xi32, #tpu.memory_space<vmem>> -> memref<128xi32, #tpu.memory_space<vmem>>
        %dma_wait3A_515 = arith.constant 0 : i32
        %dma_wait3A_516 = arith.constant 0 : i32
        %dma_wait3A_517 = tpu.memref_slice %arg7[%dma_wait3A_515, %dma_wait3A_516] : memref<10240x64xf32, #tpu.memory_space<vmem_shared>> -> memref<10240x64xf32, #tpu.memory_space<vmem_shared>>
        tpu.wait_indirect_dma semaphore(%run_scoped3A_507 : memref<!tpu.dma_semaphore, #tpu.memory_space<semaphore_mem>>) src(%dma_wait3A_517 : memref<10240x64xf32, #tpu.memory_space<vmem_shared>>) dst(%arg9 : memref<128x64xf32, #tpu.memory_space<vmem>>)
        tpu.yield
      }) : () -> ()
      %run_scoped3A_498 = arith.constant 3 : i32
      "tpu.region"() ({
        %run_scoped3A_507 = tpu.sem_alloc : memref<!tpu.dma_semaphore, #tpu.memory_space<semaphore_mem>>
        %dma_start3A = arith.constant 0 : i32
        %dma_start3A_508 = tpu.memref_slice %arg10[%run_scoped3A_498, %dma_start3A] : memref<8x128xi32, #tpu.memory_space<vmem>> -> memref<1x128xi32, #tpu.memory_space<vmem>>
        %dma_start3A_509 = tpu.memref_squeeze %dma_start3A_508 : memref<1x128xi32, #tpu.memory_space<vmem>> -> memref<128xi32, #tpu.memory_space<vmem>>
        %dma_start3A_510 = arith.constant 0 : i32
        %dma_start3A_511 = arith.constant 0 : i32
        %dma_start3A_512 = tpu.memref_slice %arg8[%dma_start3A_510, %dma_start3A_511] : memref<10240x64xf32, #tpu.memory_space<vmem_shared>> -> memref<10240x64xf32, #tpu.memory_space<vmem_shared>>
        tpu.enqueue_indirect_dma source(%arg9 : memref<128x64xf32, #tpu.memory_space<vmem>>) target(%dma_start3A_512 : memref<10240x64xf32, #tpu.memory_space<vmem_shared>>) offsets(%dma_start3A_509 : memref<128xi32, #tpu.memory_space<vmem>>) semaphore(%run_scoped3A_507 : memref<!tpu.dma_semaphore, #tpu.memory_space<semaphore_mem>>) {add = true}
        %dma_wait3A = arith.constant 0 : i32
        %dma_wait3A_513 = tpu.memref_slice %arg10[%run_scoped3A_498, %dma_wait3A] : memref<8x128xi32, #tpu.memory_space<vmem>> -> memref<1x128xi32, #tpu.memory_space<vmem>>
        %dma_wait3A_514 = tpu.memref_squeeze %dma_wait3A_513 : memref<1x128xi32, #tpu.memory_space<vmem>> -> memref<128xi32, #tpu.memory_space<vmem>>
        %dma_wait3A_515 = arith.constant 0 : i32
        %dma_wait3A_516 = arith.constant 0 : i32
        %dma_wait3A_517 = tpu.memref_slice %arg8[%dma_wait3A_515, %dma_wait3A_516] : memref<10240x64xf32, #tpu.memory_space<vmem_shared>> -> memref<10240x64xf32, #tpu.memory_space<vmem_shared>>
        tpu.wait_indirect_dma semaphore(%run_scoped3A_507 : memref<!tpu.dma_semaphore, #tpu.memory_space<semaphore_mem>>) src(%arg9 : memref<128x64xf32, #tpu.memory_space<vmem>>) dst(%dma_wait3A_517 : memref<10240x64xf32, #tpu.memory_space<vmem_shared>>)
        tpu.yield
      }) : () -> ()
      %run_scoped3A_499 = arith.constant 4 : i32
      "tpu.region"() ({
        %run_scoped3A_507 = tpu.sem_alloc : memref<!tpu.dma_semaphore, #tpu.memory_space<semaphore_mem>>
        %dma_start3A = arith.constant 0 : i32
        %dma_start3A_508 = tpu.memref_slice %arg11[%run_scoped3A_499, %dma_start3A] : memref<8x128xi32, #tpu.memory_space<vmem>> -> memref<1x128xi32, #tpu.memory_space<vmem>>
        %dma_start3A_509 = tpu.memref_squeeze %dma_start3A_508 : memref<1x128xi32, #tpu.memory_space<vmem>> -> memref<128xi32, #tpu.memory_space<vmem>>
        %dma_start3A_510 = arith.constant 0 : i32
        %dma_start3A_511 = arith.constant 0 : i32
        %dma_start3A_512 = tpu.memref_slice %arg7[%dma_start3A_510, %dma_start3A_511] : memref<10240x64xf32, #tpu.memory_space<vmem_shared>> -> memref<10240x64xf32, #tpu.memory_space<vmem_shared>>
        tpu.enqueue_indirect_dma source(%dma_start3A_512 : memref<10240x64xf32, #tpu.memory_space<vmem_shared>>) target(%arg9 : memref<128x64xf32, #tpu.memory_space<vmem>>) offsets(%dma_start3A_509 : memref<128xi32, #tpu.memory_space<vmem>>) semaphore(%run_scoped3A_507 : memref<!tpu.dma_semaphore, #tpu.memory_space<semaphore_mem>>)
        %dma_wait3A = arith.constant 0 : i32
        %dma_wait3A_513 = tpu.memref_slice %arg11[%run_scoped3A_499, %dma_wait3A] : memref<8x128xi32, #tpu.memory_space<vmem>> -> memref<1x128xi32, #tpu.memory_space<vmem>>
        %dma_wait3A_514 = tpu.memref_squeeze %dma_wait3A_513 : memref<1x128xi32, #tpu.memory_space<vmem>> -> memref<128xi32, #tpu.memory_space<vmem>>
        %dma_wait3A_515 = arith.constant 0 : i32
        %dma_wait3A_516 = arith.constant 0 : i32
        %dma_wait3A_517 = tpu.memref_slice %arg7[%dma_wait3A_515, %dma_wait3A_516] : memref<10240x64xf32, #tpu.memory_space<vmem_shared>> -> memref<10240x64xf32, #tpu.memory_space<vmem_shared>>
        tpu.wait_indirect_dma semaphore(%run_scoped3A_507 : memref<!tpu.dma_semaphore, #tpu.memory_space<semaphore_mem>>) src(%dma_wait3A_517 : memref<10240x64xf32, #tpu.memory_space<vmem_shared>>) dst(%arg9 : memref<128x64xf32, #tpu.memory_space<vmem>>)
        tpu.yield
      }) : () -> ()
      %run_scoped3A_500 = arith.constant 4 : i32
      "tpu.region"() ({
        %run_scoped3A_507 = tpu.sem_alloc : memref<!tpu.dma_semaphore, #tpu.memory_space<semaphore_mem>>
        %dma_start3A = arith.constant 0 : i32
        %dma_start3A_508 = tpu.memref_slice %arg10[%run_scoped3A_500, %dma_start3A] : memref<8x128xi32, #tpu.memory_space<vmem>> -> memref<1x128xi32, #tpu.memory_space<vmem>>
        %dma_start3A_509 = tpu.memref_squeeze %dma_start3A_508 : memref<1x128xi32, #tpu.memory_space<vmem>> -> memref<128xi32, #tpu.memory_space<vmem>>
        %dma_start3A_510 = arith.constant 0 : i32
        %dma_start3A_511 = arith.constant 0 : i32
        %dma_start3A_512 = tpu.memref_slice %arg8[%dma_start3A_510, %dma_start3A_511] : memref<10240x64xf32, #tpu.memory_space<vmem_shared>> -> memref<10240x64xf32, #tpu.memory_space<vmem_shared>>
        tpu.enqueue_indirect_dma source(%arg9 : memref<128x64xf32, #tpu.memory_space<vmem>>) target(%dma_start3A_512 : memref<10240x64xf32, #tpu.memory_space<vmem_shared>>) offsets(%dma_start3A_509 : memref<128xi32, #tpu.memory_space<vmem>>) semaphore(%run_scoped3A_507 : memref<!tpu.dma_semaphore, #tpu.memory_space<semaphore_mem>>) {add = true}
        %dma_wait3A = arith.constant 0 : i32
        %dma_wait3A_513 = tpu.memref_slice %arg10[%run_scoped3A_500, %dma_wait3A] : memref<8x128xi32, #tpu.memory_space<vmem>> -> memref<1x128xi32, #tpu.memory_space<vmem>>
        %dma_wait3A_514 = tpu.memref_squeeze %dma_wait3A_513 : memref<1x128xi32, #tpu.memory_space<vmem>> -> memref<128xi32, #tpu.memory_space<vmem>>
        %dma_wait3A_515 = arith.constant 0 : i32
        %dma_wait3A_516 = arith.constant 0 : i32
        %dma_wait3A_517 = tpu.memref_slice %arg8[%dma_wait3A_515, %dma_wait3A_516] : memref<10240x64xf32, #tpu.memory_space<vmem_shared>> -> memref<10240x64xf32, #tpu.memory_space<vmem_shared>>
        tpu.wait_indirect_dma semaphore(%run_scoped3A_507 : memref<!tpu.dma_semaphore, #tpu.memory_space<semaphore_mem>>) src(%arg9 : memref<128x64xf32, #tpu.memory_space<vmem>>) dst(%dma_wait3A_517 : memref<10240x64xf32, #tpu.memory_space<vmem_shared>>)
        tpu.yield
      }) : () -> ()
      %run_scoped3A_501 = arith.constant 5 : i32
      "tpu.region"() ({
        %run_scoped3A_507 = tpu.sem_alloc : memref<!tpu.dma_semaphore, #tpu.memory_space<semaphore_mem>>
        %dma_start3A = arith.constant 0 : i32
        %dma_start3A_508 = tpu.memref_slice %arg11[%run_scoped3A_501, %dma_start3A] : memref<8x128xi32, #tpu.memory_space<vmem>> -> memref<1x128xi32, #tpu.memory_space<vmem>>
        %dma_start3A_509 = tpu.memref_squeeze %dma_start3A_508 : memref<1x128xi32, #tpu.memory_space<vmem>> -> memref<128xi32, #tpu.memory_space<vmem>>
        %dma_start3A_510 = arith.constant 0 : i32
        %dma_start3A_511 = arith.constant 0 : i32
        %dma_start3A_512 = tpu.memref_slice %arg7[%dma_start3A_510, %dma_start3A_511] : memref<10240x64xf32, #tpu.memory_space<vmem_shared>> -> memref<10240x64xf32, #tpu.memory_space<vmem_shared>>
        tpu.enqueue_indirect_dma source(%dma_start3A_512 : memref<10240x64xf32, #tpu.memory_space<vmem_shared>>) target(%arg9 : memref<128x64xf32, #tpu.memory_space<vmem>>) offsets(%dma_start3A_509 : memref<128xi32, #tpu.memory_space<vmem>>) semaphore(%run_scoped3A_507 : memref<!tpu.dma_semaphore, #tpu.memory_space<semaphore_mem>>)
        %dma_wait3A = arith.constant 0 : i32
        %dma_wait3A_513 = tpu.memref_slice %arg11[%run_scoped3A_501, %dma_wait3A] : memref<8x128xi32, #tpu.memory_space<vmem>> -> memref<1x128xi32, #tpu.memory_space<vmem>>
        %dma_wait3A_514 = tpu.memref_squeeze %dma_wait3A_513 : memref<1x128xi32, #tpu.memory_space<vmem>> -> memref<128xi32, #tpu.memory_space<vmem>>
        %dma_wait3A_515 = arith.constant 0 : i32
        %dma_wait3A_516 = arith.constant 0 : i32
        %dma_wait3A_517 = tpu.memref_slice %arg7[%dma_wait3A_515, %dma_wait3A_516] : memref<10240x64xf32, #tpu.memory_space<vmem_shared>> -> memref<10240x64xf32, #tpu.memory_space<vmem_shared>>
        tpu.wait_indirect_dma semaphore(%run_scoped3A_507 : memref<!tpu.dma_semaphore, #tpu.memory_space<semaphore_mem>>) src(%dma_wait3A_517 : memref<10240x64xf32, #tpu.memory_space<vmem_shared>>) dst(%arg9 : memref<128x64xf32, #tpu.memory_space<vmem>>)
        tpu.yield
      }) : () -> ()
      %run_scoped3A_502 = arith.constant 5 : i32
      "tpu.region"() ({
        %run_scoped3A_507 = tpu.sem_alloc : memref<!tpu.dma_semaphore, #tpu.memory_space<semaphore_mem>>
        %dma_start3A = arith.constant 0 : i32
        %dma_start3A_508 = tpu.memref_slice %arg10[%run_scoped3A_502, %dma_start3A] : memref<8x128xi32, #tpu.memory_space<vmem>> -> memref<1x128xi32, #tpu.memory_space<vmem>>
        %dma_start3A_509 = tpu.memref_squeeze %dma_start3A_508 : memref<1x128xi32, #tpu.memory_space<vmem>> -> memref<128xi32, #tpu.memory_space<vmem>>
        %dma_start3A_510 = arith.constant 0 : i32
        %dma_start3A_511 = arith.constant 0 : i32
        %dma_start3A_512 = tpu.memref_slice %arg8[%dma_start3A_510, %dma_start3A_511] : memref<10240x64xf32, #tpu.memory_space<vmem_shared>> -> memref<10240x64xf32, #tpu.memory_space<vmem_shared>>
        tpu.enqueue_indirect_dma source(%arg9 : memref<128x64xf32, #tpu.memory_space<vmem>>) target(%dma_start3A_512 : memref<10240x64xf32, #tpu.memory_space<vmem_shared>>) offsets(%dma_start3A_509 : memref<128xi32, #tpu.memory_space<vmem>>) semaphore(%run_scoped3A_507 : memref<!tpu.dma_semaphore, #tpu.memory_space<semaphore_mem>>) {add = true}
        %dma_wait3A = arith.constant 0 : i32
        %dma_wait3A_513 = tpu.memref_slice %arg10[%run_scoped3A_502, %dma_wait3A] : memref<8x128xi32, #tpu.memory_space<vmem>> -> memref<1x128xi32, #tpu.memory_space<vmem>>
        %dma_wait3A_514 = tpu.memref_squeeze %dma_wait3A_513 : memref<1x128xi32, #tpu.memory_space<vmem>> -> memref<128xi32, #tpu.memory_space<vmem>>
        %dma_wait3A_515 = arith.constant 0 : i32
        %dma_wait3A_516 = arith.constant 0 : i32
        %dma_wait3A_517 = tpu.memref_slice %arg8[%dma_wait3A_515, %dma_wait3A_516] : memref<10240x64xf32, #tpu.memory_space<vmem_shared>> -> memref<10240x64xf32, #tpu.memory_space<vmem_shared>>
        tpu.wait_indirect_dma semaphore(%run_scoped3A_507 : memref<!tpu.dma_semaphore, #tpu.memory_space<semaphore_mem>>) src(%arg9 : memref<128x64xf32, #tpu.memory_space<vmem>>) dst(%dma_wait3A_517 : memref<10240x64xf32, #tpu.memory_space<vmem_shared>>)
        tpu.yield
      }) : () -> ()
      %run_scoped3A_503 = arith.constant 6 : i32
      "tpu.region"() ({
        %run_scoped3A_507 = tpu.sem_alloc : memref<!tpu.dma_semaphore, #tpu.memory_space<semaphore_mem>>
        %dma_start3A = arith.constant 0 : i32
        %dma_start3A_508 = tpu.memref_slice %arg11[%run_scoped3A_503, %dma_start3A] : memref<8x128xi32, #tpu.memory_space<vmem>> -> memref<1x128xi32, #tpu.memory_space<vmem>>
        %dma_start3A_509 = tpu.memref_squeeze %dma_start3A_508 : memref<1x128xi32, #tpu.memory_space<vmem>> -> memref<128xi32, #tpu.memory_space<vmem>>
        %dma_start3A_510 = arith.constant 0 : i32
        %dma_start3A_511 = arith.constant 0 : i32
        %dma_start3A_512 = tpu.memref_slice %arg7[%dma_start3A_510, %dma_start3A_511] : memref<10240x64xf32, #tpu.memory_space<vmem_shared>> -> memref<10240x64xf32, #tpu.memory_space<vmem_shared>>
        tpu.enqueue_indirect_dma source(%dma_start3A_512 : memref<10240x64xf32, #tpu.memory_space<vmem_shared>>) target(%arg9 : memref<128x64xf32, #tpu.memory_space<vmem>>) offsets(%dma_start3A_509 : memref<128xi32, #tpu.memory_space<vmem>>) semaphore(%run_scoped3A_507 : memref<!tpu.dma_semaphore, #tpu.memory_space<semaphore_mem>>)
        %dma_wait3A = arith.constant 0 : i32
        %dma_wait3A_513 = tpu.memref_slice %arg11[%run_scoped3A_503, %dma_wait3A] : memref<8x128xi32, #tpu.memory_space<vmem>> -> memref<1x128xi32, #tpu.memory_space<vmem>>
        %dma_wait3A_514 = tpu.memref_squeeze %dma_wait3A_513 : memref<1x128xi32, #tpu.memory_space<vmem>> -> memref<128xi32, #tpu.memory_space<vmem>>
        %dma_wait3A_515 = arith.constant 0 : i32
        %dma_wait3A_516 = arith.constant 0 : i32
        %dma_wait3A_517 = tpu.memref_slice %arg7[%dma_wait3A_515, %dma_wait3A_516] : memref<10240x64xf32, #tpu.memory_space<vmem_shared>> -> memref<10240x64xf32, #tpu.memory_space<vmem_shared>>
        tpu.wait_indirect_dma semaphore(%run_scoped3A_507 : memref<!tpu.dma_semaphore, #tpu.memory_space<semaphore_mem>>) src(%dma_wait3A_517 : memref<10240x64xf32, #tpu.memory_space<vmem_shared>>) dst(%arg9 : memref<128x64xf32, #tpu.memory_space<vmem>>)
        tpu.yield
      }) : () -> ()
      %run_scoped3A_504 = arith.constant 6 : i32
      "tpu.region"() ({
        %run_scoped3A_507 = tpu.sem_alloc : memref<!tpu.dma_semaphore, #tpu.memory_space<semaphore_mem>>
        %dma_start3A = arith.constant 0 : i32
        %dma_start3A_508 = tpu.memref_slice %arg10[%run_scoped3A_504, %dma_start3A] : memref<8x128xi32, #tpu.memory_space<vmem>> -> memref<1x128xi32, #tpu.memory_space<vmem>>
        %dma_start3A_509 = tpu.memref_squeeze %dma_start3A_508 : memref<1x128xi32, #tpu.memory_space<vmem>> -> memref<128xi32, #tpu.memory_space<vmem>>
        %dma_start3A_510 = arith.constant 0 : i32
        %dma_start3A_511 = arith.constant 0 : i32
        %dma_start3A_512 = tpu.memref_slice %arg8[%dma_start3A_510, %dma_start3A_511] : memref<10240x64xf32, #tpu.memory_space<vmem_shared>> -> memref<10240x64xf32, #tpu.memory_space<vmem_shared>>
        tpu.enqueue_indirect_dma source(%arg9 : memref<128x64xf32, #tpu.memory_space<vmem>>) target(%dma_start3A_512 : memref<10240x64xf32, #tpu.memory_space<vmem_shared>>) offsets(%dma_start3A_509 : memref<128xi32, #tpu.memory_space<vmem>>) semaphore(%run_scoped3A_507 : memref<!tpu.dma_semaphore, #tpu.memory_space<semaphore_mem>>) {add = true}
        %dma_wait3A = arith.constant 0 : i32
        %dma_wait3A_513 = tpu.memref_slice %arg10[%run_scoped3A_504, %dma_wait3A] : memref<8x128xi32, #tpu.memory_space<vmem>> -> memref<1x128xi32, #tpu.memory_space<vmem>>
        %dma_wait3A_514 = tpu.memref_squeeze %dma_wait3A_513 : memref<1x128xi32, #tpu.memory_space<vmem>> -> memref<128xi32, #tpu.memory_space<vmem>>
        %dma_wait3A_515 = arith.constant 0 : i32
        %dma_wait3A_516 = arith.constant 0 : i32
        %dma_wait3A_517 = tpu.memref_slice %arg8[%dma_wait3A_515, %dma_wait3A_516] : memref<10240x64xf32, #tpu.memory_space<vmem_shared>> -> memref<10240x64xf32, #tpu.memory_space<vmem_shared>>
        tpu.wait_indirect_dma semaphore(%run_scoped3A_507 : memref<!tpu.dma_semaphore, #tpu.memory_space<semaphore_mem>>) src(%arg9 : memref<128x64xf32, #tpu.memory_space<vmem>>) dst(%dma_wait3A_517 : memref<10240x64xf32, #tpu.memory_space<vmem_shared>>)
        tpu.yield
      }) : () -> ()
      %run_scoped3A_505 = arith.constant 7 : i32
      "tpu.region"() ({
        %run_scoped3A_507 = tpu.sem_alloc : memref<!tpu.dma_semaphore, #tpu.memory_space<semaphore_mem>>
        %dma_start3A = arith.constant 0 : i32
        %dma_start3A_508 = tpu.memref_slice %arg11[%run_scoped3A_505, %dma_start3A] : memref<8x128xi32, #tpu.memory_space<vmem>> -> memref<1x128xi32, #tpu.memory_space<vmem>>
        %dma_start3A_509 = tpu.memref_squeeze %dma_start3A_508 : memref<1x128xi32, #tpu.memory_space<vmem>> -> memref<128xi32, #tpu.memory_space<vmem>>
        %dma_start3A_510 = arith.constant 0 : i32
        %dma_start3A_511 = arith.constant 0 : i32
        %dma_start3A_512 = tpu.memref_slice %arg7[%dma_start3A_510, %dma_start3A_511] : memref<10240x64xf32, #tpu.memory_space<vmem_shared>> -> memref<10240x64xf32, #tpu.memory_space<vmem_shared>>
        tpu.enqueue_indirect_dma source(%dma_start3A_512 : memref<10240x64xf32, #tpu.memory_space<vmem_shared>>) target(%arg9 : memref<128x64xf32, #tpu.memory_space<vmem>>) offsets(%dma_start3A_509 : memref<128xi32, #tpu.memory_space<vmem>>) semaphore(%run_scoped3A_507 : memref<!tpu.dma_semaphore, #tpu.memory_space<semaphore_mem>>)
        %dma_wait3A = arith.constant 0 : i32
        %dma_wait3A_513 = tpu.memref_slice %arg11[%run_scoped3A_505, %dma_wait3A] : memref<8x128xi32, #tpu.memory_space<vmem>> -> memref<1x128xi32, #tpu.memory_space<vmem>>
        %dma_wait3A_514 = tpu.memref_squeeze %dma_wait3A_513 : memref<1x128xi32, #tpu.memory_space<vmem>> -> memref<128xi32, #tpu.memory_space<vmem>>
        %dma_wait3A_515 = arith.constant 0 : i32
        %dma_wait3A_516 = arith.constant 0 : i32
        %dma_wait3A_517 = tpu.memref_slice %arg7[%dma_wait3A_515, %dma_wait3A_516] : memref<10240x64xf32, #tpu.memory_space<vmem_shared>> -> memref<10240x64xf32, #tpu.memory_space<vmem_shared>>
        tpu.wait_indirect_dma semaphore(%run_scoped3A_507 : memref<!tpu.dma_semaphore, #tpu.memory_space<semaphore_mem>>) src(%dma_wait3A_517 : memref<10240x64xf32, #tpu.memory_space<vmem_shared>>) dst(%arg9 : memref<128x64xf32, #tpu.memory_space<vmem>>)
        tpu.yield
      }) : () -> ()
      %run_scoped3A_506 = arith.constant 7 : i32
      "tpu.region"() ({
        %run_scoped3A_507 = tpu.sem_alloc : memref<!tpu.dma_semaphore, #tpu.memory_space<semaphore_mem>>
        %dma_start3A = arith.constant 0 : i32
        %dma_start3A_508 = tpu.memref_slice %arg10[%run_scoped3A_506, %dma_start3A] : memref<8x128xi32, #tpu.memory_space<vmem>> -> memref<1x128xi32, #tpu.memory_space<vmem>>
        %dma_start3A_509 = tpu.memref_squeeze %dma_start3A_508 : memref<1x128xi32, #tpu.memory_space<vmem>> -> memref<128xi32, #tpu.memory_space<vmem>>
        %dma_start3A_510 = arith.constant 0 : i32
        %dma_start3A_511 = arith.constant 0 : i32
        %dma_start3A_512 = tpu.memref_slice %arg8[%dma_start3A_510, %dma_start3A_511] : memref<10240x64xf32, #tpu.memory_space<vmem_shared>> -> memref<10240x64xf32, #tpu.memory_space<vmem_shared>>
        tpu.enqueue_indirect_dma source(%arg9 : memref<128x64xf32, #tpu.memory_space<vmem>>) target(%dma_start3A_512 : memref<10240x64xf32, #tpu.memory_space<vmem_shared>>) offsets(%dma_start3A_509 : memref<128xi32, #tpu.memory_space<vmem>>) semaphore(%run_scoped3A_507 : memref<!tpu.dma_semaphore, #tpu.memory_space<semaphore_mem>>) {add = true}
        %dma_wait3A = arith.constant 0 : i32
        %dma_wait3A_513 = tpu.memref_slice %arg10[%run_scoped3A_506, %dma_wait3A] : memref<8x128xi32, #tpu.memory_space<vmem>> -> memref<1x128xi32, #tpu.memory_space<vmem>>
        %dma_wait3A_514 = tpu.memref_squeeze %dma_wait3A_513 : memref<1x128xi32, #tpu.memory_space<vmem>> -> memref<128xi32, #tpu.memory_space<vmem>>
        %dma_wait3A_515 = arith.constant 0 : i32
        %dma_wait3A_516 = arith.constant 0 : i32
        %dma_wait3A_517 = tpu.memref_slice %arg8[%dma_wait3A_515, %dma_wait3A_516] : memref<10240x64xf32, #tpu.memory_space<vmem_shared>> -> memref<10240x64xf32, #tpu.memory_space<vmem_shared>>
        tpu.wait_indirect_dma semaphore(%run_scoped3A_507 : memref<!tpu.dma_semaphore, #tpu.memory_space<semaphore_mem>>) src(%arg9 : memref<128x64xf32, #tpu.memory_space<vmem>>) dst(%dma_wait3A_517 : memref<10240x64xf32, #tpu.memory_space<vmem_shared>>)
        tpu.yield
      }) : () -> ()
    }
    %scan3A_476 = arith.constant 20 : i32
    %barrier3A_477 = arith.constant 0 : index
    tpu.barrier barrier_id(%barrier3A_477)
    %mul3A_478 = arith.constant 10240 : i32
    %mul3A_479 = arith.muli %arg0, %mul3A_478 : i32
    %add3A_480 = arith.addi %mul3A_479, %mul3A_0 : i32
    "tpu.region"() ({
      %run_scoped3A = tpu.sem_alloc : memref<!tpu.dma_semaphore, #tpu.memory_space<semaphore_mem>>
      %dma_start3A = arith.constant 0 : i32
      %dma_start3A_481 = tpu.memref_slice %arg6[%add3A_480, %dma_start3A] : memref<20480x64xf32, #tpu.memory_space<hbm>> -> memref<640x64xf32, #tpu.memory_space<hbm>>
      %dma_start3A_482 = arith.constant 0 : i32
      %dma_start3A_483 = tpu.memref_slice %arg8[%mul3A_0, %dma_start3A_482] : memref<10240x64xf32, #tpu.memory_space<vmem_shared>> -> memref<640x64xf32, #tpu.memory_space<vmem_shared>>
      tpu.enqueue_dma source(%dma_start3A_483 : memref<640x64xf32, #tpu.memory_space<vmem_shared>>) target(%dma_start3A_481 : memref<640x64xf32, #tpu.memory_space<hbm>>) target_semaphore(%run_scoped3A : memref<!tpu.dma_semaphore, #tpu.memory_space<semaphore_mem>>)
      %dma_wait3A = arith.constant 0 : i32
      %dma_wait3A_484 = tpu.memref_slice %arg6[%add3A_480, %dma_wait3A] : memref<20480x64xf32, #tpu.memory_space<hbm>> -> memref<640x64xf32, #tpu.memory_space<hbm>>
      %dma_wait3A_485 = arith.constant 0 : i32
      %dma_wait3A_486 = tpu.memref_slice %arg8[%mul3A_0, %dma_wait3A_485] : memref<10240x64xf32, #tpu.memory_space<vmem_shared>> -> memref<640x64xf32, #tpu.memory_space<vmem_shared>>
      tpu.wait_dma2 semaphore(%run_scoped3A : memref<!tpu.dma_semaphore, #tpu.memory_space<semaphore_mem>>) src(%dma_wait3A_486 : memref<640x64xf32, #tpu.memory_space<vmem_shared>>) dst(%dma_wait3A_484 : memref<640x64xf32, #tpu.memory_space<hbm>>)
      tpu.yield
    }) : () -> ()
    return
  }
}

module attributes {stable_mosaic.version = 14 : i64} {
  func.func @_dense_body(%arg0: i32, %arg1: memref<256x128xf32, #tpu.memory_space<vmem>>, %arg2: memref<256x1xf32, #tpu.memory_space<vmem>>, %arg3: memref<256x1xf32, #tpu.memory_space<vmem>>, %arg4: memref<128x128xf32, #tpu.memory_space<vmem>>, %arg5: memref<128x128xf32, #tpu.memory_space<vmem>>, %arg6: memref<1x128xf32, #tpu.memory_space<vmem>>, %arg7: memref<128x128xf32, #tpu.memory_space<vmem>>, %arg8: memref<256x64xf32, #tpu.memory_space<vmem>>, %arg9: memref<256x64xf32, #tpu.memory_space<vmem>>, %arg10: memref<256x128xf32, #tpu.memory_space<vmem>>, %arg11: memref<256x128xf32, #tpu.memory_space<vmem>>) attributes {dimension_semantics = [#tpu.dimension_semantics<arbitrary>], iteration_bounds = array<i64: 40>, scalar_prefetch = 0 : i64, scratch_operands = 0 : i64, tpu.core_type = #tpu.core_type<tc>, window_params = [{transform_indices = @transform_0, window_bounds = array<i64: 256, 128>}, {transform_indices = @transform_1, window_bounds = array<i64: 256, 1>}, {transform_indices = @transform_2, window_bounds = array<i64: 256, 1>}, {pipeline_mode = #tpu.pipeline_mode<synchronous>, transform_indices = @transform_3, window_bounds = array<i64: 128, 128>}, {pipeline_mode = #tpu.pipeline_mode<synchronous>, transform_indices = @transform_4, window_bounds = array<i64: 128, 128>}, {pipeline_mode = #tpu.pipeline_mode<synchronous>, transform_indices = @transform_5, window_bounds = array<i64: 1, 128>}, {pipeline_mode = #tpu.pipeline_mode<synchronous>, transform_indices = @transform_6, window_bounds = array<i64: 128, 128>}, {transform_indices = @transform_7, window_bounds = array<i64: 256, 64>}, {transform_indices = @transform_8, window_bounds = array<i64: 256, 64>}, {transform_indices = @transform_9, window_bounds = array<i64: 256, 128>}, {transform_indices = @transform_10, window_bounds = array<i64: 256, 128>}]} {
    %get3A = arith.constant 0 : index
    %get3A_0 = arith.constant 0 : index
    %get3A_1 = vector.load %arg1[%get3A, %get3A_0] : memref<256x128xf32, #tpu.memory_space<vmem>>, vector<256x128xf32>
    %get3A_2 = arith.constant 0 : index
    %get3A_3 = arith.constant 0 : index
    %get3A_4 = vector.load %arg2[%get3A_2, %get3A_3] : memref<256x1xf32, #tpu.memory_space<vmem>>, vector<256x1xf32>
    %get3A_5 = arith.constant 0 : index
    %get3A_6 = arith.constant 0 : index
    %get3A_7 = vector.load %arg3[%get3A_5, %get3A_6] : memref<256x1xf32, #tpu.memory_space<vmem>>, vector<256x1xf32>
    %add3A = arith.addf %get3A_4, %get3A_7 : vector<256x1xf32>
    %add3A_8 = arith.constant 9.99999997E-7 : f32
    %add3A_9 = vector.broadcast %add3A_8 : f32 to vector<256x1xf32>
    %add3A_10 = arith.addf %add3A, %add3A_9 : vector<256x1xf32>
    %rsqrt3A = math.rsqrt %add3A_10 : vector<256x1xf32>
    %get3A_11 = arith.constant 0 : index
    %get3A_12 = arith.constant 0 : index
    %get3A_13 = vector.load %arg4[%get3A_11, %get3A_12] : memref<128x128xf32, #tpu.memory_space<vmem>>, vector<128x128xf32>
    %dot_general3A = arith.constant dense<0.000000e+00> : vector<256x128xf32>
    %dot_general3A_14 = tpu.matmul %get3A_1, %get3A_13, %dot_general3A {dimension_numbers = #tpu.dot_dimension_numbers<[1], [0], [0], [1], [0, 0, 1, 1], [], []>, transpose_lhs_hint = false} : vector<256x128xf32>, vector<128x128xf32>, vector<256x128xf32> -> vector<256x128xf32>
    %mul3A = vector.broadcast %rsqrt3A : vector<256x1xf32> to vector<256x128xf32>
    %mul3A_15 = arith.mulf %dot_general3A_14, %mul3A : vector<256x128xf32>
    %slice3A = vector.extract_strided_slice %mul3A_15 {offsets = [0, 0], sizes = [256, 64], strides = [1, 1]} : vector<256x128xf32> to vector<256x64xf32>
    %swap3A = arith.constant 0 : index
    %swap3A_16 = arith.constant 0 : index
    %swap3A_17 = vector.load %arg8[%swap3A, %swap3A_16] : memref<256x64xf32, #tpu.memory_space<vmem>>, vector<256x64xf32>
    tpu.vector_store %arg8[%swap3A, %swap3A_16], %slice3A {strides = array<i32>} : memref<256x64xf32, #tpu.memory_space<vmem>>, vector<256x64xf32>,
    %slice3A_18 = vector.extract_strided_slice %mul3A_15 {offsets = [0, 64], sizes = [256, 64], strides = [1, 1]} : vector<256x128xf32> to vector<256x64xf32>
    %swap3A_19 = arith.constant 0 : index
    %swap3A_20 = arith.constant 0 : index
    %swap3A_21 = vector.load %arg9[%swap3A_19, %swap3A_20] : memref<256x64xf32, #tpu.memory_space<vmem>>, vector<256x64xf32>
    tpu.vector_store %arg9[%swap3A_19, %swap3A_20], %slice3A_18 {strides = array<i32>} : memref<256x64xf32, #tpu.memory_space<vmem>>, vector<256x64xf32>,
    %get3A_22 = arith.constant 0 : index
    %get3A_23 = arith.constant 0 : index
    %get3A_24 = vector.load %arg5[%get3A_22, %get3A_23] : memref<128x128xf32, #tpu.memory_space<vmem>>, vector<128x128xf32>
    %dot_general3A_25 = arith.constant dense<0.000000e+00> : vector<256x128xf32>
    %dot_general3A_26 = tpu.matmul %get3A_1, %get3A_24, %dot_general3A_25 {dimension_numbers = #tpu.dot_dimension_numbers<[1], [0], [0], [1], [0, 0, 1, 1], [], []>, transpose_lhs_hint = false} : vector<256x128xf32>, vector<128x128xf32>, vector<256x128xf32> -> vector<256x128xf32>
    %get3A_27 = arith.constant 0 : index
    %get3A_28 = arith.constant 0 : index
    %get3A_29 = vector.load %arg6[%get3A_27, %get3A_28] : memref<1x128xf32, #tpu.memory_space<vmem>>, vector<1x128xf32>
    %add3A_30 = vector.broadcast %get3A_29 : vector<1x128xf32> to vector<256x128xf32>
    %add3A_31 = arith.addf %dot_general3A_26, %add3A_30 : vector<256x128xf32>
    %logistic3A = arith.negf %add3A_31 : vector<256x128xf32>
    %logistic3A_32 = math.exp %logistic3A : vector<256x128xf32>
    %logistic3A_33 = arith.constant 1.000000e+00 : f32
    %logistic3A_34 = vector.broadcast %logistic3A_33 : f32 to vector<256x128xf32>
    %logistic3A_35 = arith.addf %logistic3A_34, %logistic3A_32 : vector<256x128xf32>
    %logistic3A_36 = arith.divf %logistic3A_34, %logistic3A_35 : vector<256x128xf32>
    %mul3A_37 = vector.broadcast %rsqrt3A : vector<256x1xf32> to vector<256x128xf32>
    %mul3A_38 = arith.mulf %logistic3A_36, %mul3A_37 : vector<256x128xf32>
    %swap3A_39 = arith.constant 0 : index
    %swap3A_40 = arith.constant 0 : index
    %swap3A_41 = vector.load %arg10[%swap3A_39, %swap3A_40] : memref<256x128xf32, #tpu.memory_space<vmem>>, vector<256x128xf32>
    tpu.vector_store %arg10[%swap3A_39, %swap3A_40], %mul3A_38 {strides = array<i32>} : memref<256x128xf32, #tpu.memory_space<vmem>>, vector<256x128xf32>,
    %sub3A = arith.constant 1.000000e+00 : f32
    %sub3A_42 = vector.broadcast %sub3A : f32 to vector<256x128xf32>
    %sub3A_43 = arith.subf %sub3A_42, %logistic3A_36 : vector<256x128xf32>
    %get3A_44 = arith.constant 0 : index
    %get3A_45 = arith.constant 0 : index
    %get3A_46 = vector.load %arg7[%get3A_44, %get3A_45] : memref<128x128xf32, #tpu.memory_space<vmem>>, vector<128x128xf32>
    %dot_general3A_47 = arith.constant dense<0.000000e+00> : vector<256x128xf32>
    %dot_general3A_48 = tpu.matmul %get3A_1, %get3A_46, %dot_general3A_47 {dimension_numbers = #tpu.dot_dimension_numbers<[1], [0], [0], [1], [0, 0, 1, 1], [], []>, transpose_lhs_hint = false} : vector<256x128xf32>, vector<128x128xf32>, vector<256x128xf32> -> vector<256x128xf32>
    %mul3A_49 = arith.mulf %sub3A_43, %dot_general3A_48 : vector<256x128xf32>
    %swap3A_50 = arith.constant 0 : index
    %swap3A_51 = arith.constant 0 : index
    %swap3A_52 = vector.load %arg11[%swap3A_50, %swap3A_51] : memref<256x128xf32, #tpu.memory_space<vmem>>, vector<256x128xf32>
    tpu.vector_store %arg11[%swap3A_50, %swap3A_51], %mul3A_49 {strides = array<i32>} : memref<256x128xf32, #tpu.memory_space<vmem>>, vector<256x128xf32>,
    return
  }
  func.func @transform_0(%arg0: i32) -> (i32, i32) {
    %c0_i32 = arith.constant 0 : i32
    %c0_i32_0 = arith.constant 0 : i32
    return %arg0, %c0_i32 : i32, i32
  }
  func.func @transform_1(%arg0: i32) -> (i32, i32) {
    %c0_i32 = arith.constant 0 : i32
    %c0_i32_0 = arith.constant 0 : i32
    return %arg0, %c0_i32 : i32, i32
  }
  func.func @transform_2(%arg0: i32) -> (i32, i32) {
    %c0_i32 = arith.constant 0 : i32
    %c0_i32_0 = arith.constant 0 : i32
    return %arg0, %c0_i32 : i32, i32
  }
  func.func @transform_3(%arg0: i32) -> (i32, i32) {
    %c0_i32 = arith.constant 0 : i32
    %c0_i32_0 = arith.constant 0 : i32
    %c0_i32_1 = arith.constant 0 : i32
    return %c0_i32, %c0_i32_0 : i32, i32
  }
  func.func @transform_4(%arg0: i32) -> (i32, i32) {
    %c0_i32 = arith.constant 0 : i32
    %c0_i32_0 = arith.constant 0 : i32
    %c0_i32_1 = arith.constant 0 : i32
    return %c0_i32, %c0_i32_0 : i32, i32
  }
  func.func @transform_5(%arg0: i32) -> (i32, i32) {
    %c0_i32 = arith.constant 0 : i32
    %c0_i32_0 = arith.constant 0 : i32
    %c0_i32_1 = arith.constant 0 : i32
    return %c0_i32, %c0_i32_0 : i32, i32
  }
  func.func @transform_6(%arg0: i32) -> (i32, i32) {
    %c0_i32 = arith.constant 0 : i32
    %c0_i32_0 = arith.constant 0 : i32
    %c0_i32_1 = arith.constant 0 : i32
    return %c0_i32, %c0_i32_0 : i32, i32
  }
  func.func @transform_7(%arg0: i32) -> (i32, i32) {
    %c0_i32 = arith.constant 0 : i32
    %c0_i32_0 = arith.constant 0 : i32
    return %arg0, %c0_i32 : i32, i32
  }
  func.func @transform_8(%arg0: i32) -> (i32, i32) {
    %c0_i32 = arith.constant 0 : i32
    %c0_i32_0 = arith.constant 0 : i32
    return %arg0, %c0_i32 : i32, i32
  }
  func.func @transform_9(%arg0: i32) -> (i32, i32) {
    %c0_i32 = arith.constant 0 : i32
    %c0_i32_0 = arith.constant 0 : i32
    return %arg0, %c0_i32 : i32, i32
  }
  func.func @transform_10(%arg0: i32) -> (i32, i32) {
    %c0_i32 = arith.constant 0 : i32
    %c0_i32_0 = arith.constant 0 : i32
    return %arg0, %c0_i32 : i32, i32
  }
}

module attributes {stable_mosaic.version = 14 : i64} {
  func.func @_final_body(%arg0: i32, %arg1: memref<256x64xf32, #tpu.memory_space<vmem>>, %arg2: memref<256x64xf32, #tpu.memory_space<vmem>>, %arg3: memref<256x128xf32, #tpu.memory_space<vmem>>, %arg4: memref<256x128xf32, #tpu.memory_space<vmem>>, %arg5: memref<256x128xf32, #tpu.memory_space<vmem>>) attributes {dimension_semantics = [#tpu.dimension_semantics<arbitrary>], iteration_bounds = array<i64: 40>, scalar_prefetch = 0 : i64, scratch_operands = 0 : i64, tpu.core_type = #tpu.core_type<tc>, window_params = [{transform_indices = @transform_0, window_bounds = array<i64: 256, 64>}, {transform_indices = @transform_1, window_bounds = array<i64: 256, 64>}, {transform_indices = @transform_2, window_bounds = array<i64: 256, 128>}, {transform_indices = @transform_3, window_bounds = array<i64: 256, 128>}, {transform_indices = @transform_4, window_bounds = array<i64: 256, 128>}]} {
    %get3A = arith.constant 0 : index
    %get3A_0 = arith.constant 0 : index
    %get3A_1 = vector.load %arg1[%get3A, %get3A_0] : memref<256x64xf32, #tpu.memory_space<vmem>>, vector<256x64xf32>
    %get3A_2 = arith.constant 0 : index
    %get3A_3 = arith.constant 0 : index
    %get3A_4 = vector.load %arg2[%get3A_2, %get3A_3] : memref<256x64xf32, #tpu.memory_space<vmem>>, vector<256x64xf32>
    %concatenate3A = tpu.concatenate %get3A_1, %get3A_4 in 1 : vector<256x64xf32>, vector<256x64xf32> -> vector<256x128xf32>
    %get3A_5 = arith.constant 0 : index
    %get3A_6 = arith.constant 0 : index
    %get3A_7 = vector.load %arg3[%get3A_5, %get3A_6] : memref<256x128xf32, #tpu.memory_space<vmem>>, vector<256x128xf32>
    %mul3A = arith.mulf %get3A_7, %concatenate3A : vector<256x128xf32>
    %get3A_8 = arith.constant 0 : index
    %get3A_9 = arith.constant 0 : index
    %get3A_10 = vector.load %arg4[%get3A_8, %get3A_9] : memref<256x128xf32, #tpu.memory_space<vmem>>, vector<256x128xf32>
    %add3A = arith.addf %mul3A, %get3A_10 : vector<256x128xf32>
    %max3A = arith.constant 0.000000e+00 : f32
    %max3A_11 = vector.broadcast %max3A : f32 to vector<256x128xf32>
    %max3A_12 = arith.maximumf %add3A, %max3A_11 : vector<256x128xf32>
    %swap3A = arith.constant 0 : index
    %swap3A_13 = arith.constant 0 : index
    %swap3A_14 = vector.load %arg5[%swap3A, %swap3A_13] : memref<256x128xf32, #tpu.memory_space<vmem>>, vector<256x128xf32>
    tpu.vector_store %arg5[%swap3A, %swap3A_13], %max3A_12 {strides = array<i32>} : memref<256x128xf32, #tpu.memory_space<vmem>>, vector<256x128xf32>,
    return
  }
  func.func @transform_0(%arg0: i32) -> (i32, i32) {
    %c0_i32 = arith.constant 0 : i32
    %c0_i32_0 = arith.constant 0 : i32
    return %arg0, %c0_i32 : i32, i32
  }
  func.func @transform_1(%arg0: i32) -> (i32, i32) {
    %c0_i32 = arith.constant 0 : i32
    %c0_i32_0 = arith.constant 0 : i32
    return %arg0, %c0_i32 : i32, i32
  }
  func.func @transform_2(%arg0: i32) -> (i32, i32) {
    %c0_i32 = arith.constant 0 : i32
    %c0_i32_0 = arith.constant 0 : i32
    return %arg0, %c0_i32 : i32, i32
  }
  func.func @transform_3(%arg0: i32) -> (i32, i32) {
    %c0_i32 = arith.constant 0 : i32
    %c0_i32_0 = arith.constant 0 : i32
    return %arg0, %c0_i32 : i32, i32
  }
  func.func @transform_4(%arg0: i32) -> (i32, i32) {
    %c0_i32 = arith.constant 0 : i32
    %c0_i32_0 = arith.constant 0 : i32
    return %arg0, %c0_i32 : i32, i32
  }
}

</mosaic_0001>

<sc_bundles>
// kernel: kernel.6.cloned.1.call-start
scs
__scs_entry_jumppad:
0x0: {  	(pc) =	sbr.rel $0x88, $3  }
0x1: {  	(tag) =	ssettag $0x0;
	lr =	simm.s32 $0x1  }
0x2: {  	[smem:$0x3F9B] =	sst lr;
	_ =	strace $0xD0000000  }
0x3: {  	_ = 	snop  }
0x4: {  	_ = 	snop  }
0x5: {  	_ = 	snop  }
0x6: {  	_ = 	snop  }
0x7: {  	_ = 	snop  }
__scs_overlays_trampoline_lowered:
0x8: {  	[smem:$0x3FAA] =	sst s0  }
0x9: {  	[smem:$0x3FAB] =	sst s1  }
0xa: {  	[smem:$0x3FAC] =	sst s2  }
0xb: {  	[smem:$0x3FAD] =	sst s3  }
0xc: {  	[smem:$0x3FAE] =	sst s4  }
0xd: {  	[smem:$0x3FAF] =	sst s5  }
0xe: {  	[smem:$0x3FB0] =	sst s6  }
0xf: {  	[smem:$0x3FB1] =	sst s7  }
0x10: {  	[smem:$0x3FB2] =	sst s8  }
0x11: {  	[smem:$0x3FB3] =	sst s9;
	s0 =	simm.s32 @!p0 $0x0  }
0x12: {  	s1 =	sld [smem:$0x3F99];
	s0 =	simm.s32 @p0 $0x1  }
0x13: {  	[smem:$0x3FB4] =	sst s0;
	s0 =	simm.s32 @!p1 $0x0  }
0x14: {  	s2 =	sld [smem:$0x3F98];
	s0 =	simm.s32 @p1 $0x1  }
0x15: {  	[smem:$0x3FB5] =	sst s0;
	s0 =	simm.s32 @!p2 $0x0  }
0x16: {  	s3 =	sld [smem:$0x3FDB];
	s0 =	simm.s32 @p2 $0x1  }
0x17: {  	s4 =	simm.s32 $0x1BF5;
	[smem:$0x3FB7] =	sst s0  }
0x18: {  	s0 =	sld [smem:$0x3F9A];
	_ =	swait.ge [sflag:s4], $0x0  }
0x19: {  	s7 =	sld [smem:$0x3F9B]  }
0x1a: {  	s8 =	sadd.s32 $0xFFFFE003, lr  }
0x1b: {  	s9 =	sadd.s32 $0xFFFFFEF7, lr;
	s5 =	simm.s32 $0xFFFFFFFF;
	p2 =	slt.u32 s8, $0xFFFFF086  }
0x1c: {  	p1 =	slt.u32 s9, $0xF7A;
	s5 =	simm.s32 @!p2 $0x0  }
0x1d: {  	s5 =	simm.s32 @p1 $0x1;
	p0 =	seq.s32 s7, s2  }
0x1e: {  	s7 =	smul.u32 @!p0 $0xF7A, s2;
	p2 =	seq.s32 @!p0 s5, $0x0  }
0x1f: {  	s9 =	smul.u32 $0xF7A, s1;
	s8 =	simm.s32 @!p0 $0x1BF5;
	p2 =	por !p2, p0  }
0x20: {  	[sflag:s8] =	ssyncset.s32 @!p0 $0xFFFFF086;
	s6 =	sadd.s32 @!p0 s3, s7;
	s7 =	simm.s32 @!p0 $0x108  }
0x21: {  	s3 =	sadd.s32 s3, s9;
	s6 =	sadd.s32 @!p0 $0x88, s6;
	s7 =	simm.s32 @p2 $0x1082  }
0x22: {  	[simem:s7], [sflag:s8] =	dma.local @!p0 [hbm:s6], $0xF7A  }
0x23: {  	s9 =	sor.u32 $0xD0000000, s2;
	s6 =	simm.s32 $0x108;
	_ =	swait.ge @!p0 [sflag:s8], $0x0  }
0x24: {  	s3 =	sadd.s32 $0x88, s3;
	s6 =	simm.s32 @!p1 $0x1082;
	[sflag:s4] =	ssyncset.s32 $0xFFFFF086  }
0x25: {  	[simem:s6], [sflag:s4] =	dma.local [hbm:s3], $0xF7A  }
0x26: {  	[smem:$0x3F9B] =	sst s1;
	(tag) =	ssettag s2;
	_ =	strace s9  }
0x27: {  	s1 =	sld [smem:$0x3FAB]  }
0x28: {  	s2 =	sld [smem:$0x3FAC]  }
0x29: {  	s4 =	sld [smem:$0x3FAE]  }
0x2a: {  	p0 =	seq.s32 s5, $0x0;
	s5 =	sld [smem:$0x3FAF]  }
0x2b: {  	s6 =	sld [smem:$0x3FB0]  }
0x2c: {  	s7 =	sld [smem:$0x3FB1]  }
0x2d: {  	s3 =	simm.s32 $0x108;
	s8 =	sld [smem:$0x3FB2]  }
0x2e: {  	s3 =	simm.s32 @!p0 $0x1082;
	s9 =	sld [smem:$0x3FB3]  }
0x2f: {  	lr =	sadd.s32 s0, s3;
	s0 =	sld [smem:$0x3FAA]  }
0x30: {  	s3 =	sld [smem:$0x3FAD]  }
0x31: {  	[smem:$0x3FB6] =	sst s10  }
0x32: {  	s10 =	sld [smem:$0x3FB4];
	_ =	sdelay $0x3  }
0x33: {  	p0 =	seq.s32 s10, $0x1;
	s10 =	sld [smem:$0x3FB6];
	_ =	sdelay $0x3  }
0x34: {  	[smem:$0x3FB6] =	sst s10  }
0x35: {  	s10 =	sld [smem:$0x3FB5];
	_ =	sdelay $0x3  }
0x36: {  	p1 =	seq.s32 s10, $0x1;
	s10 =	sld [smem:$0x3FB6];
	_ =	sdelay $0x3  }
0x37: {  	[smem:$0x3FB6] =	sst s10  }
0x38: {  	s10 =	sld [smem:$0x3FB7]  }
0x39: {  	_ = 	snop;
	(pc) =	sbr.ind lr, $3  }
0x3a: {  	_ = 	snop  }
0x3b: {  	_ = 	snop  }
0x3c: {  	p2 =	seq.s32 s10, $0x1;
	s10 =	sld [smem:$0x3FB6]  }
0x3d: {  	_ =	shalt  }
0x3e: {  	_ =	shalt  }
0x3f: {  	_ =	shalt  }
0x40: {  	_ =	shalt  }
0x41: {  	_ =	shalt  }
0x42: {  	_ =	shalt  }
0x43: {  	_ =	shalt  }
0x44: {  	_ =	shalt  }
0x45: {  	_ =	shalt  }
0x46: {  	_ =	shalt  }
0x47: {  	_ =	shalt  }
0x48: {  	_ =	shalt  }
0x49: {  	_ =	shalt  }
0x4a: {  	_ =	shalt  }
0x4b: {  	_ =	shalt  }
0x4c: {  	_ =	shalt  }
0x4d: {  	_ =	shalt  }
0x4e: {  	_ =	shalt  }
0x4f: {  	_ =	shalt  }
0x50: {  	_ =	shalt  }
0x51: {  	_ =	shalt  }
0x52: {  	_ =	shalt  }
0x53: {  	_ =	shalt  }
0x54: {  	_ =	shalt  }
0x55: {  	_ =	shalt  }
0x56: {  	_ =	shalt  }
0x57: {  	_ =	shalt  }
0x58: {  	_ =	shalt  }
0x59: {  	_ =	shalt  }
0x5a: {  	_ =	shalt  }
0x5b: {  	_ =	shalt  }
0x5c: {  	_ =	shalt  }
0x5d: {  	_ =	shalt  }
0x5e: {  	_ =	shalt  }
0x5f: {  	_ =	shalt  }
0x60: {  	_ =	shalt  }
0x61: {  	_ =	shalt  }
0x62: {  	_ =	shalt  }
0x63: {  	_ =	shalt  }
0x64: {  	_ =	shalt  }
0x65: {  	_ =	shalt  }
0x66: {  	_ =	shalt  }
0x67: {  	_ =	shalt  }
0x68: {  	_ =	shalt  }
0x69: {  	_ =	shalt  }
0x6a: {  	_ =	shalt  }
0x6b: {  	_ =	shalt  }
0x6c: {  	_ =	shalt  }
0x6d: {  	_ =	shalt  }
0x6e: {  	_ =	shalt  }
0x6f: {  	_ =	shalt  }
0x70: {  	_ =	shalt  }
0x71: {  	_ =	shalt  }
0x72: {  	_ =	shalt  }
0x73: {  	_ =	shalt  }
0x74: {  	_ =	shalt  }
0x75: {  	_ =	shalt  }
0x76: {  	_ =	shalt  }
0x77: {  	_ =	shalt  }
0x78: {  	_ =	shalt  }
0x79: {  	_ =	shalt  }
0x7a: {  	_ =	shalt  }
0x7b: {  	_ =	shalt  }
0x7c: {  	_ =	shalt  }
0x7d: {  	_ =	shalt  }
0x7e: {  	_ =	shalt  }
0x7f: {  	_ =	shalt  }
0x80: {  	_ =	shalt  }
0x81: {  	_ =	shalt  }
0x82: {  	_ =	shalt  }
0x83: {  	_ =	shalt  }
0x84: {  	_ =	shalt  }
0x85: {  	_ =	shalt  }
0x86: {  	_ =	shalt  }
0x87: {  	_ =	shalt  }
.Lfunc_end0:
.L_simem_size_0:
called_computation_lowered:
.L_overlay_start_0:
0x88: {  	s2 =	sld [smem:$0x3FD9]  }
0x89: {  	s3 =	sld [smem:$0x3FFE];
	_ =	sdelay $0x1  }
0x8a: {  	s1 =	srdreg.scid  }
0x8b: {  	s0 =	sand.u32 $0x1, s1  }
0x8c: {  	s17 =	sshll.u32 s0, $0xA;
	s2 =	sadd.s32 s3, s2  }
0x8d: {  	s2 =	sadd.s32 s2, s17  }
0x8e: {  	[smem:$0x3FC2] =	sst s2  }
0x8f: {  	_ = 	snop  }
0x90: {  	s2 =	sld [smem:$0x3FD0];
	(tm) =	ssettm $0x1  }
0x91: {  	s18 =	sld [smem:$0x3FFB];
	_ =	sdelay $0x3  }
0x92: {  	_ =	strace s18  }
0x93: {  	s3 =	sld [smem:$0x3FFC];
	_ =	sdelay $0x3  }
0x94: {  	_ =	strace s3  }
0x95: {  	s3 =	sld [smem:$0x3FFD];
	_ =	sdelay $0x3  }
0x96: {  	_ =	strace s3  }
0x97: {  	_ =	strace $0x8FFFFFFF  }
0x98: {  	s19 =	sld [smem:$0x3FDB];
	_ =	sdelay $0x1  }
0x99: {  	s4 =	simm.s32 $_scs_section_size  }
0x9a: {  	s5 =	simm.s32 $_size__tile_overlayer_lowered;
	s6 =	simm.s32 $_tile_overlayer_lowered  }
0x9b: {  	s22 =	simm.s32 $0x1BFF;
	s21 =	sshll.u32 s6, $0x1;
	s3 =	sadd.s32 s4, s19  }
0x9c: {  	s7 =	simm.s32 $0x0;
	s20 =	sshll.u32 s5, $0x1;
	s5 =	sadd.s32 s21, s3  }
0x9d: {  	[timem:s7], [sflag:s22] =	dma.local [hbm:s5], s20  }
0x9e: {  	_ =	swait.ge [sflag:s22], s20  }
0x9f: {  	s4 =	ssub.s32 $0x0, s20;
	[sflag:s22] =	ssyncset.done $0x0  }
0xa0: {  	[sflag:s22] =	ssyncadd.s32 s4;
	_ =	sdelay $0x1  }
0xa1: {  	s23 =	simm.s32 $0x1B8B  }
0xa2: {  	_ =	swait.ge [sflag:s23], $0x1  }
0xa3: {  	[sflag:s23] =	ssyncset.done $0x0  }
0xa4: {  	s25 =	simm.s32 $0x1B8E;
	s24 =	sld [smem:$0x3FFE];
	[sflag:s23] =	ssyncadd.s32 $0xFFFFFFFF  }
0xa5: {  	s26 =	simm.s32 $execute0_lowered;
	[smem:$0x3FD2] =	sst s25  }
0xa6: {  	s5 =	sshll.u32 s26, $0x1;
	_ =	strace $0x80000046;
	[dreg:$0x1] =	wrdreg $0xFFFFFFFF  }
0xa7: {  	s28 =	simm.s32 $_size_execute0_lowered;
	s3 =	sadd.s32 s3, s5;
	[dreg:$0x0] =	wrdreg $0x0  }
0xa8: {  	s5 =	sshll.u32 s28, $0x1;
	[dreg:$0x2] =	wrdreg s3  }
0xa9: {  	[dreg:$0x3] =	wrdreg s5  }
0xaa: {  	[dreg:$0x4] =	wrdreg $0xC0  }
0xab: {  	_ =	task [dreg:s7], $0x5FFFF  }
0xac: {  	[dreg:$0x1] =	wrdreg $0xFFFFFFFF  }
0xad: {  	[dreg:$0x0] =	wrdreg $0x60  }
0xae: {  	[dreg:$0x2] =	wrdreg s24  }
0xaf: {  	[dreg:$0x3] =	wrdreg s2  }
0xb0: {  	[dreg:$0x4] =	wrdreg $0x0  }
0xb1: {  	[dreg:$0x5] =	wrdreg $0x9  }
0xb2: {  	_ =	task.clear_ibuf [dreg:s7], $0x6FFFF;
	_ =	strace $0x90000046  }
0xb3: {  	s29 =	simm.s32 $0x9;
	_ =	strace $0x80000048  }
0xb4: {  	_ =	swait.ge [sflag:s29], $0x1  }
0xb5: {  	[sflag:s29] =	ssyncadd.s32 $0xFFFFFFFF  }
0xb6: {  	_ =	strace $0x90000048  }
0xb7: {  	_ =	sfence  }
0xb8: {  	s30 =	sld [smem:$0x0];
	_ =	sdelay $0x2  }
0xb9: {  	s31 =	sshll.u32 s1, $0xD;
	s1 =	sshrl.u32 s1, $0x2  }
0xba: {  	s3 =	sand.u32 $0x4000, s31;
	s1 =	sadd.s32 s1, s30  }
0xbb: {  	s0 =	sor.u32 s3, s0;
	s1 =	sshll.u32 s1, $0x11  }
0xbc: {  	s0 =	sor.u32 s1, s0  }
0xbd: {  	s0 =	sadd.s32 $0x8F2B, s0  }
0xbe: {  	[sflag:s0] =	ssyncadd.remote.s32 $0x1  }
0xbf: {  	_ =	sfence.sel $0xFFFF  }
0xc0: {  	[dreg:$0x0] =	wrdreg $0xFFFFFFFF;
	(pc) =	sbr.abs _section_cstart, $3  }
0xc1: {  	[dreg:$0x1] =	wrdreg $0xFFFFFFFF  }
0xc2: {  	_ =	task.clear_ibuf [dreg:s7], $0x2FFFF;
	_ =	strace $0x9FFFFFFF  }
0xc3: {  	(tm) =	ssettm $0x7FFFFFFF  }
tec
execute0_lowered:
.L_overlay_start_1:
0x0: {  	(tag) =	ssettag $0x1  }
0x1: {  	s5 =	rddreg [dreg:$0x0]  }
0x2: {  	s6 =	rddreg [dreg:$0x1]  }
0x3: {  	s0 =	srdreg.scid;
	s2 =	rddreg [dreg:$0x2]  }
0x4: {  	s3 =	simm.s32 $0x0;
	s10 =	simm.s32 $0x280;
	s11 =	simm.s32 $0x80  }
0x5: {  	s12 =	simm.s32 $0x2D00;
	s4 =	sand.u32 $0x1, s0;
	s0 =	stileid.u32  }
0x6: {  	s15 =	simm.s32 $0x0;
	[smem:$0x7FF] =	sst s3;
	s8 =	smul.u32 $0x280, s0  }
0x7: {  	s1 =	sshll.u32 s4, $0x4;
	s9 =	smul.u32 $0x2800, s4;
	s4 =	ssub.s32 $0x2, s4  }
0x8: {  	s13 =	sshll.u32 s0, $0x6;
	s1 =	sor.u32 s0, s1;
	s30 =	sshrl.u32 s4, $0x1  }
0x9: {  	s13 =	sor.u32 $0x1C01, s13;
	s7 =	smul.u32 $0x500, s1;
	s9 =	sadd.s32 s8, s9  }
0xa: {  	s1 =	rddreg [dreg:$0x3];
	_ =	strace $0x80000047;
	s31 =	sshrl.u32 s9, $0x3  }
0xb: {  	s9 =	simm.s32 $0x1;
	s5 =	sadd.s32 s7, s5;
	s7 =	ssub.s32 s4, s30  }
0xc: {  	s4 =	sadd.s32 s8, s2;
	s6 =	sadd.s32 s6, s31;
	s8 =	simm.s32 $0x2A80  }
0xd: {  	v0 =	vimm.f32 $0.0e+00;
	v1 =	vimm.f32 $1.000000000e+00;
	s5 =	sadd.s32 $0x1A00, s5;
	s7 =	smax.u32 s7, $0x1;
	s14 =	sshrl.u32 s4, $0x3  }
.LBB2_1:
0xe: {  	[tilespmem:$0x2A80] =	vst v0  }
0xf: {  	[tilespmem:$0x2A90] =	vst v0  }
0x10: {  	[tilespmem:$0x2AA0] =	vst v0  }
0x11: {  	[tilespmem:$0x2AB0] =	vst v0  }
0x12: {  	[tilespmem:$0x2AC0] =	vst v0  }
0x13: {  	[tilespmem:$0x2AD0] =	vst v0  }
0x14: {  	[tilespmem:$0x2AE0] =	vst v0  }
0x15: {  	[tilespmem:$0x2AF0] =	vst v0  }
0x16: {  	[tilespmem:$0x2B00] =	vst v0  }
0x17: {  	[tilespmem:$0x2B10] =	vst v0  }
0x18: {  	[tilespmem:$0x2B20] =	vst v0  }
0x19: {  	[tilespmem:$0x2B30] =	vst v0  }
0x1a: {  	[tilespmem:$0x2B40] =	vst v0  }
0x1b: {  	[tilespmem:$0x2B50] =	vst v0  }
0x1c: {  	[tilespmem:$0x2B60] =	vst v0  }
0x1d: {  	[tilespmem:$0x2B70] =	vst v0  }
0x1e: {  	[tilespmem:$0x2B80] =	vst v0  }
0x1f: {  	[tilespmem:$0x2B90] =	vst v0  }
0x20: {  	[tilespmem:$0x2BA0] =	vst v0  }
0x21: {  	[tilespmem:$0x2BB0] =	vst v0  }
0x22: {  	[tilespmem:$0x2BC0] =	vst v0  }
0x23: {  	[tilespmem:$0x2BD0] =	vst v0  }
0x24: {  	[tilespmem:$0x2BE0] =	vst v0  }
0x25: {  	[tilespmem:$0x2BF0] =	vst v0  }
0x26: {  	[tilespmem:$0x2C00] =	vst v0  }
0x27: {  	[tilespmem:$0x2C10] =	vst v0  }
0x28: {  	[tilespmem:$0x2C20] =	vst v0  }
0x29: {  	[tilespmem:$0x2C30] =	vst v0  }
0x2a: {  	[tilespmem:$0x2C40] =	vst v0  }
0x2b: {  	[tilespmem:$0x2C50] =	vst v0  }
0x2c: {  	[tilespmem:$0x2C60] =	vst v0  }
0x2d: {  	[tilespmem:$0x2C70] =	vst v0  }
0x2e: {  	[tilespmem:$0x2C80] =	vst v0  }
0x2f: {  	[tilespmem:$0x2C90] =	vst v0  }
0x30: {  	[tilespmem:$0x2CA0] =	vst v0  }
0x31: {  	[tilespmem:$0x2CB0] =	vst v0  }
0x32: {  	[tilespmem:$0x2CC0] =	vst v0  }
0x33: {  	[tilespmem:$0x2CD0] =	vst v0  }
0x34: {  	[tilespmem:$0x2CE0] =	vst v0  }
0x35: {  	[tilespmem:$0x2CF0] =	vst v0  }
0x36: {  	[tilespmem:$0x2D00] =	vst v1  }
0x37: {  	[tilespmem:$0x2D10] =	vst v1  }
0x38: {  	[tilespmem:$0x2D20] =	vst v1  }
0x39: {  	[tilespmem:$0x2D30] =	vst v1  }
0x3a: {  	[tilespmem:$0x2D40] =	vst v1  }
0x3b: {  	[tilespmem:$0x2D50] =	vst v1  }
0x3c: {  	[tilespmem:$0x2D60] =	vst v1  }
0x3d: {  	[tilespmem:$0x2D70] =	vst v1  }
0x3e: {  	[spmem:s4] =	stream.linear.scatter [tilespmem:s8], [sflag:$0x1], $0x280, $0x38;
	[tilespmem:$0x2D80] =	vst v63  }
0x3f: {  	_ =	swait.ge [sflag:s9], $0x280  }
0x40: {  	[sflag:s9] =	ssyncset.done $0x0  }
0x41: {  	[sflag:s9] =	ssyncadd.s32 $0xFFFFFD80  }
0x42: {  	[tilespmem:s10], [sflag:$0x1] =	stream.linear.gather [hbm4b:s5+s3], $0x2800, $0x38;
	[tilespmem:$0x2D80] =	vst v63  }
0x43: {  	_ =	swait.ge [sflag:s9], $0x2800  }
0x44: {  	[sflag:s9] =	ssyncset.done $0x0  }
0x45: {  	[sflag:s9] =	ssyncadd.s32 $0xFFFFD800  }
0x46: {  	s16 =	simm.s32 $0x280;
	[bflag:$0x0] =	sbarrier.arrive $0xFFFF  }
0x47: {  	[spmem:s2] =	stream.indirect.scatter.add.f32 [tilespmem:s12], [sflag:$0x1], $0x1, s16, s11, $0xb8;
	[tilespmem:$0x2D80] =	vst v63  }
0x48: {  	s16 =	simm.s32 $0x200;
	_ =	swait.ge [sflag:s9], $0x80  }
.LBB2_2:
0x49: {  	s17 =	sshra.s32 s16, $0x2;
	[sflag:s9] =	ssyncset.done $0x0;
	p0 =	sne.s32 s16, $0x9E00  }
.Ltmp0:
0x4a: {  	s17 =	sadd.s32 $0x280, s17;
	[sflag:s9] =	ssyncadd.s32 $0xFFFFFF80;
	(pc) =	sbr.rel @p0 .LBB2_2-.Ltmp0, $3  }
0x4b: {  	[spmem:s2] =	stream.indirect.scatter.add.f32 [tilespmem:s12], [sflag:$0x1], $0x1, s17, s11, $0xb8;
	[tilespmem:$0x2D80] =	vst v63  }
0x4c: {  	s16 =	sadd.s32 $0x200, s16;
	_ =	sdelay $0x1  }
0x4d: {  	_ =	swait.ge [sflag:s9], $0x80  }
0x4e: {  	[sflag:s9] =	ssyncset.done $0x0;
	s15 =	sadd.s32 $0x1, s15  }
0x4f: {  	[sflag:s9] =	ssyncadd.s32 $0xFFFFFF80;
	p0 =	sne.s32 s15, s7  }
.Ltmp1:
0x50: {  	[bflag:$0x0] =	sbarrier.arrive $0xFFFF;
	(pc) =	sbr.rel @p0 .LBB2_1-.Ltmp1, $4  }
0x51: {  	[hbm:s6], [sflag:s13] =	dma.local [spmem:s14], $0x50  }
0x52: {  	_ =	swait.ge [sflag:s9], $0x50  }
0x53: {  	[sflag:s9] =	ssyncset.done $0x0  }
0x54: {  	[sflag:s9] =	ssyncadd.s32 $0xFFFFFFB0  }
0x55: {  	_ =	sfence.sel $0x180000  }
0x56: {  	[bflag:$0x0] =	sbarrier.arrive $0xFFFF  }
0x57: {  	p0 =	sne.s32 s0, $0x0;
	_ =	strace $0x90000047  }
0x58: {  	s0 =	sadd.s32 @!p0 $0x100000, s1;
	[bflag:$0x2] =	sbarrier.arrive $0xFFFF  }
0x59: {  	[sflag:s0] =	ssyncadd.tile.s32 @!p0 $0x1;
	_ =	shalt  }
.Lfunc_end2:
_tile_overlayer_lowered:
.L_overlay_start_2:
0x5a: {  	(tag) =	ssettag $0x2  }
0x5b: {  	s0 =	rddreg [dreg:$0x0];
	s2 =	stileid.u32  }
0x5c: {  	s1 =	rddreg [dreg:$0x1];
	p0 =	sne.s32 s2, $0x0  }
0x5d: {  	s3 =	rddreg [dreg:$0x2];
	[bflag:$0x3] =	sbarrier.arrive $0xFFFF;
	s2 =	simm.s32 @!p0 $0x1C01  }
0x5e: {  	[timem:s3], [sflag:s2] =	dma.local @!p0 [hbm:s0], s1  }
0x5f: {  	s0 =	simm.s32 @!p0 $0x1  }
0x60: {  	_ =	swait.ge @!p0 [sflag:s0], s1  }
0x61: {  	s1 =	ssub.s32 @!p0 $0x0, s1;
	[sflag:s0] =	ssyncset.done @!p0 $0x0  }
0x62: {  	[sflag:s0] =	ssyncadd.s32 @!p0 s1  }
0x63: {  	[bflag:$0x3] =	sbarrier.arrive $0xFFFF  }
0x64: {  	_ =	shalt  }

// kernel: kernel.9.cloned.1.call-start
scs
__scs_entry_jumppad:
0x0: {  	(pc) =	sbr.rel $0x88, $3  }
0x1: {  	(tag) =	ssettag $0x0;
	lr =	simm.s32 $0x1  }
0x2: {  	[smem:$0x3F9B] =	sst lr;
	_ =	strace $0xD0000000  }
0x3: {  	_ = 	snop  }
0x4: {  	_ = 	snop  }
0x5: {  	_ = 	snop  }
0x6: {  	_ = 	snop  }
0x7: {  	_ = 	snop  }
__scs_overlays_trampoline_lowered:
0x8: {  	[smem:$0x3FAA] =	sst s0  }
0x9: {  	[smem:$0x3FAB] =	sst s1  }
0xa: {  	[smem:$0x3FAC] =	sst s2  }
0xb: {  	[smem:$0x3FAD] =	sst s3  }
0xc: {  	[smem:$0x3FAE] =	sst s4  }
0xd: {  	[smem:$0x3FAF] =	sst s5  }
0xe: {  	[smem:$0x3FB0] =	sst s6  }
0xf: {  	[smem:$0x3FB1] =	sst s7  }
0x10: {  	[smem:$0x3FB2] =	sst s8  }
0x11: {  	[smem:$0x3FB3] =	sst s9;
	s0 =	simm.s32 @!p0 $0x0  }
0x12: {  	s1 =	sld [smem:$0x3F99];
	s0 =	simm.s32 @p0 $0x1  }
0x13: {  	[smem:$0x3FB4] =	sst s0;
	s0 =	simm.s32 @!p1 $0x0  }
0x14: {  	s2 =	sld [smem:$0x3F98];
	s0 =	simm.s32 @p1 $0x1  }
0x15: {  	[smem:$0x3FB5] =	sst s0;
	s0 =	simm.s32 @!p2 $0x0  }
0x16: {  	s3 =	sld [smem:$0x3FDB];
	s0 =	simm.s32 @p2 $0x1  }
0x17: {  	s4 =	simm.s32 $0x1BF5;
	[smem:$0x3FB7] =	sst s0  }
0x18: {  	s0 =	sld [smem:$0x3F9A];
	_ =	swait.ge [sflag:s4], $0x0  }
0x19: {  	s7 =	sld [smem:$0x3F9B]  }
0x1a: {  	s8 =	sadd.s32 $0xFFFFE003, lr  }
0x1b: {  	s9 =	sadd.s32 $0xFFFFFEF7, lr;
	s5 =	simm.s32 $0xFFFFFFFF;
	p2 =	slt.u32 s8, $0xFFFFF086  }
0x1c: {  	p1 =	slt.u32 s9, $0xF7A;
	s5 =	simm.s32 @!p2 $0x0  }
0x1d: {  	s5 =	simm.s32 @p1 $0x1;
	p0 =	seq.s32 s7, s2  }
0x1e: {  	s7 =	smul.u32 @!p0 $0xF7A, s2;
	p2 =	seq.s32 @!p0 s5, $0x0  }
0x1f: {  	s9 =	smul.u32 $0xF7A, s1;
	s8 =	simm.s32 @!p0 $0x1BF5;
	p2 =	por !p2, p0  }
0x20: {  	[sflag:s8] =	ssyncset.s32 @!p0 $0xFFFFF086;
	s6 =	sadd.s32 @!p0 s3, s7;
	s7 =	simm.s32 @!p0 $0x108  }
0x21: {  	s3 =	sadd.s32 s3, s9;
	s6 =	sadd.s32 @!p0 $0x88, s6;
	s7 =	simm.s32 @p2 $0x1082  }
0x22: {  	[simem:s7], [sflag:s8] =	dma.local @!p0 [hbm:s6], $0xF7A  }
0x23: {  	s9 =	sor.u32 $0xD0000000, s2;
	s6 =	simm.s32 $0x108;
	_ =	swait.ge @!p0 [sflag:s8], $0x0  }
0x24: {  	s3 =	sadd.s32 $0x88, s3;
	s6 =	simm.s32 @!p1 $0x1082;
	[sflag:s4] =	ssyncset.s32 $0xFFFFF086  }
0x25: {  	[simem:s6], [sflag:s4] =	dma.local [hbm:s3], $0xF7A  }
0x26: {  	[smem:$0x3F9B] =	sst s1;
	(tag) =	ssettag s2;
	_ =	strace s9  }
0x27: {  	s1 =	sld [smem:$0x3FAB]  }
0x28: {  	s2 =	sld [smem:$0x3FAC]  }
0x29: {  	s4 =	sld [smem:$0x3FAE]  }
0x2a: {  	p0 =	seq.s32 s5, $0x0;
	s5 =	sld [smem:$0x3FAF]  }
0x2b: {  	s6 =	sld [smem:$0x3FB0]  }
0x2c: {  	s7 =	sld [smem:$0x3FB1]  }
0x2d: {  	s3 =	simm.s32 $0x108;
	s8 =	sld [smem:$0x3FB2]  }
0x2e: {  	s3 =	simm.s32 @!p0 $0x1082;
	s9 =	sld [smem:$0x3FB3]  }
0x2f: {  	lr =	sadd.s32 s0, s3;
	s0 =	sld [smem:$0x3FAA]  }
0x30: {  	s3 =	sld [smem:$0x3FAD]  }
0x31: {  	[smem:$0x3FB6] =	sst s10  }
0x32: {  	s10 =	sld [smem:$0x3FB4];
	_ =	sdelay $0x3  }
0x33: {  	p0 =	seq.s32 s10, $0x1;
	s10 =	sld [smem:$0x3FB6];
	_ =	sdelay $0x3  }
0x34: {  	[smem:$0x3FB6] =	sst s10  }
0x35: {  	s10 =	sld [smem:$0x3FB5];
	_ =	sdelay $0x3  }
0x36: {  	p1 =	seq.s32 s10, $0x1;
	s10 =	sld [smem:$0x3FB6];
	_ =	sdelay $0x3  }
0x37: {  	[smem:$0x3FB6] =	sst s10  }
0x38: {  	s10 =	sld [smem:$0x3FB7]  }
0x39: {  	_ = 	snop;
	(pc) =	sbr.ind lr, $3  }
0x3a: {  	_ = 	snop  }
0x3b: {  	_ = 	snop  }
0x3c: {  	p2 =	seq.s32 s10, $0x1;
	s10 =	sld [smem:$0x3FB6]  }
0x3d: {  	_ =	shalt  }
0x3e: {  	_ =	shalt  }
0x3f: {  	_ =	shalt  }
0x40: {  	_ =	shalt  }
0x41: {  	_ =	shalt  }
0x42: {  	_ =	shalt  }
0x43: {  	_ =	shalt  }
0x44: {  	_ =	shalt  }
0x45: {  	_ =	shalt  }
0x46: {  	_ =	shalt  }
0x47: {  	_ =	shalt  }
0x48: {  	_ =	shalt  }
0x49: {  	_ =	shalt  }
0x4a: {  	_ =	shalt  }
0x4b: {  	_ =	shalt  }
0x4c: {  	_ =	shalt  }
0x4d: {  	_ =	shalt  }
0x4e: {  	_ =	shalt  }
0x4f: {  	_ =	shalt  }
0x50: {  	_ =	shalt  }
0x51: {  	_ =	shalt  }
0x52: {  	_ =	shalt  }
0x53: {  	_ =	shalt  }
0x54: {  	_ =	shalt  }
0x55: {  	_ =	shalt  }
0x56: {  	_ =	shalt  }
0x57: {  	_ =	shalt  }
0x58: {  	_ =	shalt  }
0x59: {  	_ =	shalt  }
0x5a: {  	_ =	shalt  }
0x5b: {  	_ =	shalt  }
0x5c: {  	_ =	shalt  }
0x5d: {  	_ =	shalt  }
0x5e: {  	_ =	shalt  }
0x5f: {  	_ =	shalt  }
0x60: {  	_ =	shalt  }
0x61: {  	_ =	shalt  }
0x62: {  	_ =	shalt  }
0x63: {  	_ =	shalt  }
0x64: {  	_ =	shalt  }
0x65: {  	_ =	shalt  }
0x66: {  	_ =	shalt  }
0x67: {  	_ =	shalt  }
0x68: {  	_ =	shalt  }
0x69: {  	_ =	shalt  }
0x6a: {  	_ =	shalt  }
0x6b: {  	_ =	shalt  }
0x6c: {  	_ =	shalt  }
0x6d: {  	_ =	shalt  }
0x6e: {  	_ =	shalt  }
0x6f: {  	_ =	shalt  }
0x70: {  	_ =	shalt  }
0x71: {  	_ =	shalt  }
0x72: {  	_ =	shalt  }
0x73: {  	_ =	shalt  }
0x74: {  	_ =	shalt  }
0x75: {  	_ =	shalt  }
0x76: {  	_ =	shalt  }
0x77: {  	_ =	shalt  }
0x78: {  	_ =	shalt  }
0x79: {  	_ =	shalt  }
0x7a: {  	_ =	shalt  }
0x7b: {  	_ =	shalt  }
0x7c: {  	_ =	shalt  }
0x7d: {  	_ =	shalt  }
0x7e: {  	_ =	shalt  }
0x7f: {  	_ =	shalt  }
0x80: {  	_ =	shalt  }
0x81: {  	_ =	shalt  }
0x82: {  	_ =	shalt  }
0x83: {  	_ =	shalt  }
0x84: {  	_ =	shalt  }
0x85: {  	_ =	shalt  }
0x86: {  	_ =	shalt  }
0x87: {  	_ =	shalt  }
.Lfunc_end0:
.L_simem_size_0:
called_computation.1_lowered:
.L_overlay_start_0:
0x88: {  	s2 =	sld [smem:$0x3FD9]  }
0x89: {  	s3 =	sld [smem:$0x3FFE];
	_ =	sdelay $0x1  }
0x8a: {  	s1 =	srdreg.scid  }
0x8b: {  	s0 =	sand.u32 $0x1, s1  }
0x8c: {  	s17 =	sshll.u32 s0, $0xA;
	s2 =	sadd.s32 s3, s2  }
0x8d: {  	s2 =	sadd.s32 s2, s17  }
0x8e: {  	[smem:$0x3FC2] =	sst s2  }
0x8f: {  	_ = 	snop  }
0x90: {  	s2 =	sld [smem:$0x3FD0];
	(tm) =	ssettm $0x1  }
0x91: {  	s18 =	sld [smem:$0x3FFB];
	_ =	sdelay $0x3  }
0x92: {  	_ =	strace s18  }
0x93: {  	s3 =	sld [smem:$0x3FFC];
	_ =	sdelay $0x3  }
0x94: {  	_ =	strace s3  }
0x95: {  	s3 =	sld [smem:$0x3FFD];
	_ =	sdelay $0x3  }
0x96: {  	_ =	strace s3  }
0x97: {  	_ =	strace $0x8FFFFFFF  }
0x98: {  	s19 =	sld [smem:$0x3FDB];
	_ =	sdelay $0x1  }
0x99: {  	s4 =	simm.s32 $_scs_section_size  }
0x9a: {  	s5 =	simm.s32 $_size__tile_overlayer_lowered;
	s6 =	simm.s32 $_tile_overlayer_lowered  }
0x9b: {  	s22 =	simm.s32 $0x1BFF;
	s21 =	sshll.u32 s6, $0x1;
	s3 =	sadd.s32 s4, s19  }
0x9c: {  	s7 =	simm.s32 $0x0;
	s20 =	sshll.u32 s5, $0x1;
	s5 =	sadd.s32 s21, s3  }
0x9d: {  	[timem:s7], [sflag:s22] =	dma.local [hbm:s5], s20  }
0x9e: {  	_ =	swait.ge [sflag:s22], s20  }
0x9f: {  	s4 =	ssub.s32 $0x0, s20;
	[sflag:s22] =	ssyncset.done $0x0  }
0xa0: {  	[sflag:s22] =	ssyncadd.s32 s4;
	_ =	sdelay $0x1  }
0xa1: {  	s23 =	simm.s32 $0x1B8B  }
0xa2: {  	_ =	swait.ge [sflag:s23], $0x1  }
0xa3: {  	[sflag:s23] =	ssyncset.done $0x0  }
0xa4: {  	s25 =	simm.s32 $0x1B8E;
	s24 =	sld [smem:$0x3FFE];
	[sflag:s23] =	ssyncadd.s32 $0xFFFFFFFF  }
0xa5: {  	s26 =	simm.s32 $execute0_lowered;
	[smem:$0x3FD2] =	sst s25  }
0xa6: {  	s5 =	sshll.u32 s26, $0x1;
	_ =	strace $0x80000049;
	[dreg:$0x1] =	wrdreg $0xFFFFFFFF  }
0xa7: {  	s28 =	simm.s32 $_size_execute0_lowered;
	s3 =	sadd.s32 s3, s5;
	[dreg:$0x0] =	wrdreg $0x0  }
0xa8: {  	s5 =	sshll.u32 s28, $0x1;
	[dreg:$0x2] =	wrdreg s3  }
0xa9: {  	[dreg:$0x3] =	wrdreg s5  }
0xaa: {  	[dreg:$0x4] =	wrdreg $0xC0  }
0xab: {  	_ =	task [dreg:s7], $0x5FFFF  }
0xac: {  	[dreg:$0x1] =	wrdreg $0xFFFFFFFF  }
0xad: {  	[dreg:$0x0] =	wrdreg $0x60  }
0xae: {  	[dreg:$0x2] =	wrdreg s24  }
0xaf: {  	[dreg:$0x3] =	wrdreg s2  }
0xb0: {  	[dreg:$0x4] =	wrdreg $0xA0000  }
0xb1: {  	[dreg:$0x5] =	wrdreg $0x0  }
0xb2: {  	[dreg:$0x6] =	wrdreg $0x9  }
0xb3: {  	_ =	task.clear_ibuf [dreg:s7], $0x7FFFF;
	_ =	strace $0x90000049  }
0xb4: {  	s29 =	simm.s32 $0x9;
	_ =	strace $0x8000004B  }
0xb5: {  	_ =	swait.ge [sflag:s29], $0x1  }
0xb6: {  	[sflag:s29] =	ssyncadd.s32 $0xFFFFFFFF  }
0xb7: {  	_ =	strace $0x9000004B  }
0xb8: {  	_ =	sfence  }
0xb9: {  	s30 =	sld [smem:$0x0];
	_ =	sdelay $0x2  }
0xba: {  	s31 =	sshll.u32 s1, $0xD;
	s1 =	sshrl.u32 s1, $0x2  }
0xbb: {  	s3 =	sand.u32 $0x4000, s31;
	s1 =	sadd.s32 s1, s30  }
0xbc: {  	s0 =	sor.u32 s3, s0;
	s1 =	sshll.u32 s1, $0x11  }
0xbd: {  	s0 =	sor.u32 s1, s0  }
0xbe: {  	s0 =	sadd.s32 $0x8F2B, s0  }
0xbf: {  	[sflag:s0] =	ssyncadd.remote.s32 $0x1  }
0xc0: {  	_ =	sfence.sel $0xFFFF  }
0xc1: {  	[dreg:$0x0] =	wrdreg $0xFFFFFFFF;
	(pc) =	sbr.abs _section_cstart, $3  }
0xc2: {  	[dreg:$0x1] =	wrdreg $0xFFFFFFFF  }
0xc3: {  	_ =	task.clear_ibuf [dreg:s7], $0x2FFFF;
	_ =	strace $0x9FFFFFFF  }
0xc4: {  	(tm) =	ssettm $0x7FFFFFFF  }
0xc5: {  	_ =	shalt  }
tec
execute0_lowered:
.L_overlay_start_1:
0x0: {  	(tag) =	ssettag $0x1  }
0x1: {  	s0 =	rddreg [dreg:$0x0];
	s12 =	stileid.u32  }
0x2: {  	s6 =	srdreg.scid;
	s7 =	smul.u32 $0x1400, s12  }
0x3: {  	s1 =	rddreg [dreg:$0x1];
	s6 =	sand.u32 $0x1, s6;
	s9 =	smul.u32 $0x28000, s12  }
0x4: {  	s2 =	rddreg [dreg:$0x2];
	s8 =	smul.u32 $0x14000, s6  }
0x5: {  	s3 =	rddreg [dreg:$0x3];
	s9 =	sshrl.u32 s9, $0x2  }
0x6: {  	s4 =	simm.s32 $0x0;
	s7 =	sadd.s32 s7, s8;
	s8 =	sadd.s32 s9, s2  }
0x7: {  	[smem:$0x7FF] =	sst s4;
	s17 =	sadd.s32 $0x400, s8  }
0x8: {  	_ =	strace $0x8000004A;
	s18 =	sadd.s32 $0x800, s8;
	[dreg:$0x5] =	wrdreg s17  }
0x9: {  	s19 =	sadd.s32 $0xC00, s8;
	[dreg:$0x6] =	wrdreg s18  }
0xa: {  	s20 =	sadd.s32 $0x1000, s8;
	[dreg:$0x7] =	wrdreg s19  }
0xb: {  	s21 =	sadd.s32 $0x1400, s8;
	[dreg:$0x8] =	wrdreg s20  }
0xc: {  	s22 =	sadd.s32 $0x1800, s8;
	[dreg:$0x9] =	wrdreg s21  }
0xd: {  	s23 =	sadd.s32 $0x1C00, s8;
	[dreg:$0xa] =	wrdreg s22  }
0xe: {  	s5 =	smul.u32 $0xA00, s12;
	s24 =	sadd.s32 $0x2000, s8;
	[dreg:$0xb] =	wrdreg s23  }
0xf: {  	s10 =	sadd.s32 $0x3DA00, s0;
	s25 =	sadd.s32 $0x2400, s8;
	[dreg:$0xc] =	wrdreg s24  }
0x10: {  	s11 =	ssub.s32 $0x2, s6;
	s26 =	sadd.s32 $0x2800, s8;
	[dreg:$0xd] =	wrdreg s25  }
0x11: {  	s9 =	smul.u32 $0xA000, s12;
	s12 =	sadd.s32 $0x2C00, s8;
	[dreg:$0xe] =	wrdreg s26  }
0x12: {  	p0 =	seq.s32 s6, $0x1;
	s13 =	sadd.s32 $0x3000, s8;
	[dreg:$0xf] =	wrdreg s12  }
0x13: {  	s5 =	sadd.s32 s5, s0;
	s14 =	sadd.s32 $0x3400, s8;
	[dreg:$0x10] =	wrdreg s13  }
0x14: {  	s16 =	sshrl.u32 s11, $0x1;
	s15 =	sadd.s32 $0x3800, s8;
	[dreg:$0x11] =	wrdreg s14  }
0x15: {  	s1 =	smov.u32 @p0 s10;
	s6 =	sadd.s32 $0x6400, s8;
	[dreg:$0x12] =	wrdreg s15  }
0x16: {  	s0 =	sadd.s32 s7, s0;
	s10 =	sadd.s32 $0x6800, s8;
	[dreg:$0x1e] =	wrdreg s6  }
0x17: {  	s7 =	ssub.s32 s11, s16;
	s11 =	sadd.s32 $0x6C00, s8;
	[dreg:$0x1f] =	wrdreg s10  }
0x18: {  	s17 =	sadd.s32 $0x3C00, s8;
	[smem:$0x7ED] =	sst s11  }
0x19: {  	s18 =	sadd.s32 $0x4000, s8;
	[dreg:$0x14] =	wrdreg s17  }
0x1a: {  	s19 =	sadd.s32 $0x4400, s8;
	[dreg:$0x15] =	wrdreg s18  }
0x1b: {  	s20 =	sadd.s32 $0x4800, s8;
	[dreg:$0x16] =	wrdreg s19  }
0x1c: {  	s21 =	sadd.s32 $0x4C00, s8;
	[dreg:$0x17] =	wrdreg s20  }
0x1d: {  	s22 =	sadd.s32 $0x5000, s8;
	[dreg:$0x18] =	wrdreg s21  }
0x1e: {  	s23 =	sadd.s32 $0x5400, s8;
	[dreg:$0x19] =	wrdreg s22  }
0x1f: {  	s24 =	sadd.s32 $0x5800, s8;
	[dreg:$0x1a] =	wrdreg s23  }
0x20: {  	s25 =	sadd.s32 $0x5C00, s8;
	[dreg:$0x1b] =	wrdreg s24  }
0x21: {  	s26 =	sadd.s32 $0x6000, s8;
	[dreg:$0x1c] =	wrdreg s25  }
0x22: {  	s28 =	simm.s32 $0x80;
	s12 =	sadd.s32 $0x7000, s8;
	[dreg:$0x1d] =	wrdreg s26  }
0x23: {  	s29 =	simm.s32 $0x14000;
	s13 =	sadd.s32 $0x7400, s8;
	[smem:$0x7EE] =	sst s12  }
0x24: {  	s30 =	simm.s32 $0x16480;
	s14 =	sadd.s32 $0x7800, s8;
	[smem:$0x7EF] =	sst s13  }
0x25: {  	s31 =	simm.s32 $0x16080;
	s15 =	sadd.s32 $0x7C00, s8;
	[smem:$0x7F0] =	sst s14  }
0x26: {  	s16 =	sshrl.u32 s9, $0x3;
	s0 =	sadd.s32 $0x51A00, s0;
	[smem:$0x7F1] =	sst s15  }
0x27: {  	s6 =	simm.s32 $0x16180;
	s1 =	sadd.s32 s1, s16;
	[smem:$0x7FA] =	sst s0  }
0x28: {  	s10 =	simm.s32 $0x16280;
	s16 =	sadd.s32 $0x8000, s8;
	[dreg:$0x13] =	wrdreg s1  }
0x29: {  	s11 =	simm.s32 $0x16700;
	s17 =	sadd.s32 $0x8400, s8;
	[smem:$0x7F2] =	sst s16  }
0x2a: {  	s18 =	sadd.s32 $0x8800, s8;
	s19 =	sadd.s32 $0x8C00, s8;
	[smem:$0x7F3] =	sst s17  }
0x2b: {  	s20 =	sadd.s32 $0x9000, s8;
	s21 =	sadd.s32 $0x9400, s8;
	[smem:$0x7F4] =	sst s18  }
0x2c: {  	s22 =	sadd.s32 $0x9800, s8;
	s23 =	sadd.s32 $0x9C00, s8;
	[smem:$0x7F5] =	sst s19  }
0x2d: {  	s24 =	sadd.s32 s9, s3;
	s25 =	smax.u32 s7, $0x1;
	[smem:$0x7F6] =	sst s20  }
0x2e: {  	s0 =	simm.s32 $0x16500;
	s7 =	simm.s32 $0x16600;
	[smem:$0x7F7] =	sst s21  }
0x2f: {  	s8 =	simm.s32 $0x16200;
	s12 =	simm.s32 $0x16300;
	[smem:$0x7F8] =	sst s22  }
0x30: {  	s13 =	simm.s32 $0x16780;
	s14 =	simm.s32 $0x16380;
	[smem:$0x7F9] =	sst s23  }
0x31: {  	s15 =	simm.s32 $0x0;
	s17 =	sadd.s32 s9, s2;
	[smem:$0x7FB] =	sst s25  }
0x32: {  	s20 =	sadd.s32 $0xBA00, s5;
	s21 =	sadd.s32 $0x1A00, s5;
	s26 =	sshrl.u32 s24, $0x3  }
0x33: {  	s23 =	simm.s32 $0x16800;
	s24 =	simm.s32 $0x1;
	s25 =	simm.s32 $0x16000  }
0x34: {  	s1 =	simm.s32 $0x16100;
	s5 =	simm.s32 $0x16580;
	[smem:$0x7FC] =	sst s26  }
0x35: {  	v0 =	vimm.f32 $0.0e+00;
	s9 =	simm.s32 $0x16680;
	s26 =	simm.s32 $0x16400;
	[smem:$0x7FD] =	sst s17  }
.LBB2_1:
0x36: {  	[tilespmem:$0x16800] =	vst v0  }
0x37: {  	[tilespmem:$0x16810] =	vst v0  }
0x38: {  	[tilespmem:$0x16820] =	vst v0  }
0x39: {  	[tilespmem:$0x16830] =	vst v0  }
0x3a: {  	[tilespmem:$0x16840] =	vst v0  }
0x3b: {  	[tilespmem:$0x16850] =	vst v0  }
0x3c: {  	[tilespmem:$0x16860] =	vst v0  }
0x3d: {  	[tilespmem:$0x16870] =	vst v0  }
0x3e: {  	[tilespmem:$0x16880] =	vst v0  }
0x3f: {  	[tilespmem:$0x16890] =	vst v0  }
0x40: {  	[tilespmem:$0x168A0] =	vst v0  }
0x41: {  	[tilespmem:$0x168B0] =	vst v0  }
0x42: {  	[tilespmem:$0x168C0] =	vst v0  }
0x43: {  	[tilespmem:$0x168D0] =	vst v0  }
0x44: {  	[tilespmem:$0x168E0] =	vst v0  }
0x45: {  	[tilespmem:$0x168F0] =	vst v0  }
0x46: {  	[tilespmem:$0x16900] =	vst v0  }
0x47: {  	[tilespmem:$0x16910] =	vst v0  }
0x48: {  	[tilespmem:$0x16920] =	vst v0  }
0x49: {  	[tilespmem:$0x16930] =	vst v0  }
0x4a: {  	[tilespmem:$0x16940] =	vst v0  }
0x4b: {  	[tilespmem:$0x16950] =	vst v0  }
0x4c: {  	[tilespmem:$0x16960] =	vst v0  }
0x4d: {  	[tilespmem:$0x16970] =	vst v0  }
0x4e: {  	[tilespmem:$0x16980] =	vst v0  }
0x4f: {  	[tilespmem:$0x16990] =	vst v0  }
0x50: {  	[tilespmem:$0x169A0] =	vst v0  }
0x51: {  	[tilespmem:$0x169B0] =	vst v0  }
0x52: {  	[tilespmem:$0x169C0] =	vst v0  }
0x53: {  	[tilespmem:$0x169D0] =	vst v0  }
0x54: {  	[tilespmem:$0x169E0] =	vst v0  }
0x55: {  	[tilespmem:$0x169F0] =	vst v0  }
0x56: {  	[tilespmem:$0x16A00] =	vst v0  }
0x57: {  	[tilespmem:$0x16A10] =	vst v0  }
0x58: {  	[tilespmem:$0x16A20] =	vst v0  }
0x59: {  	[tilespmem:$0x16A30] =	vst v0  }
0x5a: {  	[tilespmem:$0x16A40] =	vst v0  }
0x5b: {  	[tilespmem:$0x16A50] =	vst v0  }
0x5c: {  	[tilespmem:$0x16A60] =	vst v0  }
0x5d: {  	[tilespmem:$0x16A70] =	vst v0  }
0x5e: {  	[tilespmem:$0x16A80] =	vst v0  }
0x5f: {  	[tilespmem:$0x16A90] =	vst v0  }
0x60: {  	[tilespmem:$0x16AA0] =	vst v0  }
0x61: {  	[tilespmem:$0x16AB0] =	vst v0  }
0x62: {  	[tilespmem:$0x16AC0] =	vst v0  }
0x63: {  	[tilespmem:$0x16AD0] =	vst v0  }
0x64: {  	[tilespmem:$0x16AE0] =	vst v0  }
0x65: {  	[tilespmem:$0x16AF0] =	vst v0  }
0x66: {  	[tilespmem:$0x16B00] =	vst v0  }
0x67: {  	[tilespmem:$0x16B10] =	vst v0  }
0x68: {  	[tilespmem:$0x16B20] =	vst v0  }
0x69: {  	[tilespmem:$0x16B30] =	vst v0  }
0x6a: {  	[tilespmem:$0x16B40] =	vst v0  }
0x6b: {  	[tilespmem:$0x16B50] =	vst v0  }
0x6c: {  	[tilespmem:$0x16B60] =	vst v0  }
0x6d: {  	[tilespmem:$0x16B70] =	vst v0  }
0x6e: {  	[tilespmem:$0x16B80] =	vst v0  }
0x6f: {  	[tilespmem:$0x16B90] =	vst v0  }
0x70: {  	[tilespmem:$0x16BA0] =	vst v0  }
0x71: {  	[tilespmem:$0x16BB0] =	vst v0  }
0x72: {  	[tilespmem:$0x16BC0] =	vst v0  }
0x73: {  	[tilespmem:$0x16BD0] =	vst v0  }
0x74: {  	[tilespmem:$0x16BE0] =	vst v0  }
0x75: {  	[tilespmem:$0x16BF0] =	vst v0  }
0x76: {  	[spmem:s17] =	stream.linear.scatter [tilespmem:s23], [sflag:$0x1], $0x400, $0x38;
	[tilespmem:$0x16C00] =	vst v63  }
0x77: {  	_ =	swait.ge [sflag:s24], $0x400  }
0x78: {  	[sflag:s24] =	ssyncset.done $0x0  }
0x79: {  	s16 =	rddreg [dreg:$0x5];
	[sflag:s24] =	ssyncadd.s32 $0xFFFFFC00  }
0x7a: {  	[spmem:s16] =	stream.linear.scatter [tilespmem:s23], [sflag:$0x1], $0x400, $0x38;
	[tilespmem:$0x16C00] =	vst v63  }
0x7b: {  	_ =	swait.ge [sflag:s24], $0x400  }
0x7c: {  	[sflag:s24] =	ssyncset.done $0x0  }
0x7d: {  	s22 =	rddreg [dreg:$0x6];
	[sflag:s24] =	ssyncadd.s32 $0xFFFFFC00  }
0x7e: {  	[spmem:s22] =	stream.linear.scatter [tilespmem:s23], [sflag:$0x1], $0x400, $0x38;
	[tilespmem:$0x16C00] =	vst v63  }
0x7f: {  	_ =	swait.ge [sflag:s24], $0x400  }
0x80: {  	[sflag:s24] =	ssyncset.done $0x0  }
0x81: {  	s17 =	rddreg [dreg:$0x7];
	[sflag:s24] =	ssyncadd.s32 $0xFFFFFC00  }
0x82: {  	[spmem:s17] =	stream.linear.scatter [tilespmem:s23], [sflag:$0x1], $0x400, $0x38;
	[tilespmem:$0x16C00] =	vst v63  }
0x83: {  	_ =	swait.ge [sflag:s24], $0x400  }
0x84: {  	[sflag:s24] =	ssyncset.done $0x0  }
0x85: {  	s18 =	rddreg [dreg:$0x8];
	[sflag:s24] =	ssyncadd.s32 $0xFFFFFC00  }
0x86: {  	[spmem:s18] =	stream.linear.scatter [tilespmem:s23], [sflag:$0x1], $0x400, $0x38;
	[tilespmem:$0x16C00] =	vst v63  }
0x87: {  	_ =	swait.ge [sflag:s24], $0x400  }
0x88: {  	[sflag:s24] =	ssyncset.done $0x0  }
0x89: {  	s19 =	rddreg [dreg:$0x9];
	[sflag:s24] =	ssyncadd.s32 $0xFFFFFC00  }
0x8a: {  	[spmem:s19] =	stream.linear.scatter [tilespmem:s23], [sflag:$0x1], $0x400, $0x38;
	[tilespmem:$0x16C00] =	vst v63  }
0x8b: {  	_ =	swait.ge [sflag:s24], $0x400  }
0x8c: {  	[sflag:s24] =	ssyncset.done $0x0  }
0x8d: {  	s22 =	rddreg [dreg:$0xa];
	[sflag:s24] =	ssyncadd.s32 $0xFFFFFC00  }
0x8e: {  	[spmem:s22] =	stream.linear.scatter [tilespmem:s23], [sflag:$0x1], $0x400, $0x38;
	[tilespmem:$0x16C00] =	vst v63  }
0x8f: {  	_ =	swait.ge [sflag:s24], $0x400  }
0x90: {  	[sflag:s24] =	ssyncset.done $0x0  }
0x91: {  	s17 =	rddreg [dreg:$0xb];
	[sflag:s24] =	ssyncadd.s32 $0xFFFFFC00  }
0x92: {  	[spmem:s17] =	stream.linear.scatter [tilespmem:s23], [sflag:$0x1], $0x400, $0x38;
	[tilespmem:$0x16C00] =	vst v63  }
0x93: {  	_ =	swait.ge [sflag:s24], $0x400  }
0x94: {  	[sflag:s24] =	ssyncset.done $0x0  }
0x95: {  	s18 =	rddreg [dreg:$0xc];
	[sflag:s24] =	ssyncadd.s32 $0xFFFFFC00  }
0x96: {  	[spmem:s18] =	stream.linear.scatter [tilespmem:s23], [sflag:$0x1], $0x400, $0x38;
	[tilespmem:$0x16C00] =	vst v63  }
0x97: {  	_ =	swait.ge [sflag:s24], $0x400  }
0x98: {  	[sflag:s24] =	ssyncset.done $0x0  }
0x99: {  	s19 =	rddreg [dreg:$0xd];
	[sflag:s24] =	ssyncadd.s32 $0xFFFFFC00  }
0x9a: {  	[spmem:s19] =	stream.linear.scatter [tilespmem:s23], [sflag:$0x1], $0x400, $0x38;
	[tilespmem:$0x16C00] =	vst v63  }
0x9b: {  	_ =	swait.ge [sflag:s24], $0x400  }
0x9c: {  	[sflag:s24] =	ssyncset.done $0x0  }
0x9d: {  	s22 =	rddreg [dreg:$0xe];
	[sflag:s24] =	ssyncadd.s32 $0xFFFFFC00  }
0x9e: {  	[spmem:s22] =	stream.linear.scatter [tilespmem:s23], [sflag:$0x1], $0x400, $0x38;
	[tilespmem:$0x16C00] =	vst v63  }
0x9f: {  	_ =	swait.ge [sflag:s24], $0x400  }
0xa0: {  	[sflag:s24] =	ssyncset.done $0x0  }
0xa1: {  	s17 =	rddreg [dreg:$0xf];
	[sflag:s24] =	ssyncadd.s32 $0xFFFFFC00  }
0xa2: {  	[spmem:s17] =	stream.linear.scatter [tilespmem:s23], [sflag:$0x1], $0x400, $0x38;
	[tilespmem:$0x16C00] =	vst v63  }
0xa3: {  	_ =	swait.ge [sflag:s24], $0x400  }
0xa4: {  	[sflag:s24] =	ssyncset.done $0x0  }
0xa5: {  	s18 =	rddreg [dreg:$0x10];
	[sflag:s24] =	ssyncadd.s32 $0xFFFFFC00  }
0xa6: {  	[spmem:s18] =	stream.linear.scatter [tilespmem:s23], [sflag:$0x1], $0x400, $0x38;
	[tilespmem:$0x16C00] =	vst v63  }
0xa7: {  	_ =	swait.ge [sflag:s24], $0x400  }
0xa8: {  	[sflag:s24] =	ssyncset.done $0x0  }
0xa9: {  	s19 =	rddreg [dreg:$0x11];
	[sflag:s24] =	ssyncadd.s32 $0xFFFFFC00  }
0xaa: {  	[spmem:s19] =	stream.linear.scatter [tilespmem:s23], [sflag:$0x1], $0x400, $0x38;
	[tilespmem:$0x16C00] =	vst v63  }
0xab: {  	_ =	swait.ge [sflag:s24], $0x400  }
0xac: {  	[sflag:s24] =	ssyncset.done $0x0  }
0xad: {  	s22 =	rddreg [dreg:$0x12];
	[sflag:s24] =	ssyncadd.s32 $0xFFFFFC00  }
0xae: {  	[spmem:s22] =	stream.linear.scatter [tilespmem:s23], [sflag:$0x1], $0x400, $0x38;
	[tilespmem:$0x16C00] =	vst v63  }
0xaf: {  	_ =	swait.ge [sflag:s24], $0x400  }
0xb0: {  	[sflag:s24] =	ssyncset.done $0x0  }
0xb1: {  	s17 =	rddreg [dreg:$0x14];
	[sflag:s24] =	ssyncadd.s32 $0xFFFFFC00  }
0xb2: {  	[spmem:s17] =	stream.linear.scatter [tilespmem:s23], [sflag:$0x1], $0x400, $0x38;
	[tilespmem:$0x16C00] =	vst v63  }
0xb3: {  	_ =	swait.ge [sflag:s24], $0x400  }
0xb4: {  	[sflag:s24] =	ssyncset.done $0x0  }
0xb5: {  	s18 =	rddreg [dreg:$0x15];
	[sflag:s24] =	ssyncadd.s32 $0xFFFFFC00  }
0xb6: {  	[spmem:s18] =	stream.linear.scatter [tilespmem:s23], [sflag:$0x1], $0x400, $0x38;
	[tilespmem:$0x16C00] =	vst v63  }
0xb7: {  	_ =	swait.ge [sflag:s24], $0x400  }
0xb8: {  	[sflag:s24] =	ssyncset.done $0x0  }
0xb9: {  	s19 =	rddreg [dreg:$0x16];
	[sflag:s24] =	ssyncadd.s32 $0xFFFFFC00  }
0xba: {  	[spmem:s19] =	stream.linear.scatter [tilespmem:s23], [sflag:$0x1], $0x400, $0x38;
	[tilespmem:$0x16C00] =	vst v63  }
0xbb: {  	_ =	swait.ge [sflag:s24], $0x400  }
0xbc: {  	[sflag:s24] =	ssyncset.done $0x0  }
0xbd: {  	s22 =	rddreg [dreg:$0x17];
	[sflag:s24] =	ssyncadd.s32 $0xFFFFFC00  }
0xbe: {  	[spmem:s22] =	stream.linear.scatter [tilespmem:s23], [sflag:$0x1], $0x400, $0x38;
	[tilespmem:$0x16C00] =	vst v63  }
0xbf: {  	_ =	swait.ge [sflag:s24], $0x400  }
0xc0: {  	[sflag:s24] =	ssyncset.done $0x0  }
0xc1: {  	s17 =	rddreg [dreg:$0x18];
	[sflag:s24] =	ssyncadd.s32 $0xFFFFFC00  }
0xc2: {  	[spmem:s17] =	stream.linear.scatter [tilespmem:s23], [sflag:$0x1], $0x400, $0x38;
	[tilespmem:$0x16C00] =	vst v63  }
0xc3: {  	_ =	swait.ge [sflag:s24], $0x400  }
0xc4: {  	[sflag:s24] =	ssyncset.done $0x0  }
0xc5: {  	s18 =	rddreg [dreg:$0x19];
	[sflag:s24] =	ssyncadd.s32 $0xFFFFFC00  }
0xc6: {  	[spmem:s18] =	stream.linear.scatter [tilespmem:s23], [sflag:$0x1], $0x400, $0x38;
	[tilespmem:$0x16C00] =	vst v63  }
0xc7: {  	_ =	swait.ge [sflag:s24], $0x400  }
0xc8: {  	[sflag:s24] =	ssyncset.done $0x0  }
0xc9: {  	s19 =	rddreg [dreg:$0x1a];
	[sflag:s24] =	ssyncadd.s32 $0xFFFFFC00  }
0xca: {  	[spmem:s19] =	stream.linear.scatter [tilespmem:s23], [sflag:$0x1], $0x400, $0x38;
	[tilespmem:$0x16C00] =	vst v63  }
0xcb: {  	_ =	swait.ge [sflag:s24], $0x400  }
0xcc: {  	[sflag:s24] =	ssyncset.done $0x0  }
0xcd: {  	s22 =	rddreg [dreg:$0x1b];
	[sflag:s24] =	ssyncadd.s32 $0xFFFFFC00  }
0xce: {  	[spmem:s22] =	stream.linear.scatter [tilespmem:s23], [sflag:$0x1], $0x400, $0x38;
	[tilespmem:$0x16C00] =	vst v63  }
0xcf: {  	_ =	swait.ge [sflag:s24], $0x400  }
0xd0: {  	[sflag:s24] =	ssyncset.done $0x0  }
0xd1: {  	s17 =	rddreg [dreg:$0x1c];
	[sflag:s24] =	ssyncadd.s32 $0xFFFFFC00  }
0xd2: {  	[spmem:s17] =	stream.linear.scatter [tilespmem:s23], [sflag:$0x1], $0x400, $0x38;
	[tilespmem:$0x16C00] =	vst v63  }
0xd3: {  	_ =	swait.ge [sflag:s24], $0x400  }
0xd4: {  	[sflag:s24] =	ssyncset.done $0x0  }
0xd5: {  	s18 =	rddreg [dreg:$0x1d];
	[sflag:s24] =	ssyncadd.s32 $0xFFFFFC00  }
0xd6: {  	[spmem:s18] =	stream.linear.scatter [tilespmem:s23], [sflag:$0x1], $0x400, $0x38;
	[tilespmem:$0x16C00] =	vst v63  }
0xd7: {  	_ =	swait.ge [sflag:s24], $0x400  }
0xd8: {  	[sflag:s24] =	ssyncset.done $0x0  }
0xd9: {  	s19 =	rddreg [dreg:$0x1e];
	[sflag:s24] =	ssyncadd.s32 $0xFFFFFC00  }
0xda: {  	[spmem:s19] =	stream.linear.scatter [tilespmem:s23], [sflag:$0x1], $0x400, $0x38;
	[tilespmem:$0x16C00] =	vst v63  }
0xdb: {  	_ =	swait.ge [sflag:s24], $0x400  }
0xdc: {  	[sflag:s24] =	ssyncset.done $0x0  }
0xdd: {  	s22 =	rddreg [dreg:$0x1f];
	[sflag:s24] =	ssyncadd.s32 $0xFFFFFC00  }
0xde: {  	[spmem:s22] =	stream.linear.scatter [tilespmem:s23], [sflag:$0x1], $0x400, $0x38;
	[tilespmem:$0x16C00] =	vst v63  }
0xdf: {  	_ =	swait.ge [sflag:s24], $0x400  }
0xe0: {  	s17 =	sld [smem:$0x7ED]  }
0xe1: {  	[sflag:s24] =	ssyncset.done $0x0  }
0xe2: {  	[sflag:s24] =	ssyncadd.s32 $0xFFFFFC00  }
0xe3: {  	[spmem:s17] =	stream.linear.scatter [tilespmem:s23], [sflag:$0x1], $0x400, $0x38;
	[tilespmem:$0x16C00] =	vst v63  }
0xe4: {  	_ =	swait.ge [sflag:s24], $0x400  }
0xe5: {  	s18 =	sld [smem:$0x7EE]  }
0xe6: {  	[sflag:s24] =	ssyncset.done $0x0  }
0xe7: {  	[sflag:s24] =	ssyncadd.s32 $0xFFFFFC00  }
0xe8: {  	[spmem:s18] =	stream.linear.scatter [tilespmem:s23], [sflag:$0x1], $0x400, $0x38;
	[tilespmem:$0x16C00] =	vst v63  }
0xe9: {  	_ =	swait.ge [sflag:s24], $0x400  }
0xea: {  	s19 =	sld [smem:$0x7EF]  }
0xeb: {  	[sflag:s24] =	ssyncset.done $0x0  }
0xec: {  	[sflag:s24] =	ssyncadd.s32 $0xFFFFFC00  }
0xed: {  	[spmem:s19] =	stream.linear.scatter [tilespmem:s23], [sflag:$0x1], $0x400, $0x38;
	[tilespmem:$0x16C00] =	vst v63  }
0xee: {  	_ =	swait.ge [sflag:s24], $0x400  }
0xef: {  	s22 =	sld [smem:$0x7F0]  }
0xf0: {  	[sflag:s24] =	ssyncset.done $0x0  }
0xf1: {  	[sflag:s24] =	ssyncadd.s32 $0xFFFFFC00  }
0xf2: {  	[spmem:s22] =	stream.linear.scatter [tilespmem:s23], [sflag:$0x1], $0x400, $0x38;
	[tilespmem:$0x16C00] =	vst v63  }
0xf3: {  	_ =	swait.ge [sflag:s24], $0x400  }
0xf4: {  	s17 =	sld [smem:$0x7F1]  }
0xf5: {  	[sflag:s24] =	ssyncset.done $0x0  }
0xf6: {  	[sflag:s24] =	ssyncadd.s32 $0xFFFFFC00  }
0xf7: {  	[spmem:s17] =	stream.linear.scatter [tilespmem:s23], [sflag:$0x1], $0x400, $0x38;
	[tilespmem:$0x16C00] =	vst v63  }
0xf8: {  	_ =	swait.ge [sflag:s24], $0x400  }
0xf9: {  	s18 =	sld [smem:$0x7F2]  }
0xfa: {  	[sflag:s24] =	ssyncset.done $0x0  }
0xfb: {  	[sflag:s24] =	ssyncadd.s32 $0xFFFFFC00  }
0xfc: {  	[spmem:s18] =	stream.linear.scatter [tilespmem:s23], [sflag:$0x1], $0x400, $0x38;
	[tilespmem:$0x16C00] =	vst v63  }
0xfd: {  	_ =	swait.ge [sflag:s24], $0x400  }
0xfe: {  	s19 =	sld [smem:$0x7F3]  }
0xff: {  	[sflag:s24] =	ssyncset.done $0x0  }
0x100: {  	[sflag:s24] =	ssyncadd.s32 $0xFFFFFC00  }
0x101: {  	[spmem:s19] =	stream.linear.scatter [tilespmem:s23], [sflag:$0x1], $0x400, $0x38;
	[tilespmem:$0x16C00] =	vst v63  }
0x102: {  	_ =	swait.ge [sflag:s24], $0x400  }
0x103: {  	s22 =	sld [smem:$0x7F4]  }
0x104: {  	[sflag:s24] =	ssyncset.done $0x0  }
0x105: {  	[sflag:s24] =	ssyncadd.s32 $0xFFFFFC00  }
0x106: {  	[spmem:s22] =	stream.linear.scatter [tilespmem:s23], [sflag:$0x1], $0x400, $0x38;
	[tilespmem:$0x16C00] =	vst v63  }
0x107: {  	_ =	swait.ge [sflag:s24], $0x400  }
0x108: {  	s17 =	sld [smem:$0x7F5]  }
0x109: {  	[sflag:s24] =	ssyncset.done $0x0  }
0x10a: {  	[sflag:s24] =	ssyncadd.s32 $0xFFFFFC00  }
0x10b: {  	[spmem:s17] =	stream.linear.scatter [tilespmem:s23], [sflag:$0x1], $0x400, $0x38;
	[tilespmem:$0x16C00] =	vst v63  }
0x10c: {  	_ =	swait.ge [sflag:s24], $0x400  }
0x10d: {  	s18 =	sld [smem:$0x7F6]  }
0x10e: {  	[sflag:s24] =	ssyncset.done $0x0  }
0x10f: {  	[sflag:s24] =	ssyncadd.s32 $0xFFFFFC00  }
0x110: {  	[spmem:s18] =	stream.linear.scatter [tilespmem:s23], [sflag:$0x1], $0x400, $0x38;
	[tilespmem:$0x16C00] =	vst v63  }
0x111: {  	_ =	swait.ge [sflag:s24], $0x400  }
0x112: {  	s19 =	sld [smem:$0x7F7]  }
0x113: {  	[sflag:s24] =	ssyncset.done $0x0  }
0x114: {  	[sflag:s24] =	ssyncadd.s32 $0xFFFFFC00  }
0x115: {  	[spmem:s19] =	stream.linear.scatter [tilespmem:s23], [sflag:$0x1], $0x400, $0x38;
	[tilespmem:$0x16C00] =	vst v63  }
0x116: {  	_ =	swait.ge [sflag:s24], $0x400  }
0x117: {  	s22 =	sld [smem:$0x7F8]  }
0x118: {  	[sflag:s24] =	ssyncset.done $0x0  }
0x119: {  	[sflag:s24] =	ssyncadd.s32 $0xFFFFFC00  }
0x11a: {  	[spmem:s22] =	stream.linear.scatter [tilespmem:s23], [sflag:$0x1], $0x400, $0x38;
	[tilespmem:$0x16C00] =	vst v63  }
0x11b: {  	_ =	swait.ge [sflag:s24], $0x400  }
0x11c: {  	s17 =	sld [smem:$0x7F9]  }
0x11d: {  	[sflag:s24] =	ssyncset.done $0x0  }
0x11e: {  	[sflag:s24] =	ssyncadd.s32 $0xFFFFFC00  }
0x11f: {  	[spmem:s17] =	stream.linear.scatter [tilespmem:s23], [sflag:$0x1], $0x400, $0x38;
	[tilespmem:$0x16C00] =	vst v63  }
0x120: {  	s18 =	stileid.u32;
	_ =	swait.ge [sflag:s24], $0x400  }
0x121: {  	s16 =	sshll.u32 s18, $0x6;
	s22 =	sld [smem:$0x7FC]  }
0x122: {  	s18 =	sor.u32 $0x1C01, s16;
	[sflag:s24] =	ssyncset.done $0x0;
	s19 =	rddreg [dreg:$0x13]  }
0x123: {  	[smem:$0x7EC] =	sst s18;
	[sflag:s24] =	ssyncadd.s32 $0xFFFFFC00  }
0x124: {  	[spmem:s22], [sflag:s18] =	dma.local [hbm:s19], $0x1400  }
0x125: {  	_ =	swait.ge [sflag:s24], $0x1400  }
0x126: {  	[sflag:s24] =	ssyncset.done $0x0  }
0x127: {  	[sflag:s24] =	ssyncadd.s32 $0xFFFFEC00  }
0x128: {  	s19 =	sadd.s32 $0x0, s21;
	[bflag:$0x0] =	sbarrier.arrive $0xFFFF  }
0x129: {  	[tilespmem:s25], [sflag:$0x1] =	stream.linear.gather [hbm4b:s19+s4], $0x400, $0x38;
	[tilespmem:$0x16C00] =	vst v63  }
0x12a: {  	_ =	swait.ge [sflag:s24], $0x400  }
0x12b: {  	[sflag:s24] =	ssyncset.done $0x0  }
0x12c: {  	s22 =	sadd.s32 $0x0, s20;
	[sflag:s24] =	ssyncadd.s32 $0xFFFFFC00  }
0x12d: {  	[tilespmem:s26], [sflag:$0x1] =	stream.linear.gather [hbm4b:s22+s4], $0x400, $0x38;
	[tilespmem:$0x16C00] =	vst v63  }
0x12e: {  	_ =	swait.ge [sflag:s24], $0x400  }
0x12f: {  	[sflag:s24] =	ssyncset.done $0x0  }
0x130: {  	[sflag:s24] =	ssyncadd.s32 $0xFFFFFC00  }
0x131: {  	[tilespmem:s29], [sflag:$0x1] =	stream.indirect.gather [spmem:s3], $0x40, s26, s28, $0xb8;
	[tilespmem:$0x16C00] =	vst v63  }
0x132: {  	_ =	swait.ge [sflag:s24], $0x2000  }
0x133: {  	[sflag:s24] =	ssyncset.done $0x0  }
0x134: {  	[sflag:s24] =	ssyncadd.s32 $0xFFFFE000  }
0x135: {  	[spmem:s2] =	stream.indirect.scatter.add.f32 [tilespmem:s29], [sflag:$0x1], $0x40, s25, s28, $0xb8;
	[tilespmem:$0x16C00] =	vst v63  }
0x136: {  	_ =	swait.ge [sflag:s24], $0x2000  }
0x137: {  	[sflag:s24] =	ssyncset.done $0x0  }
0x138: {  	[sflag:s24] =	ssyncadd.s32 $0xFFFFE000  }
0x139: {  	[tilespmem:s29], [sflag:$0x1] =	stream.indirect.gather [spmem:s3], $0x40, s30, s28, $0xb8;
	[tilespmem:$0x16C00] =	vst v63  }
0x13a: {  	_ =	swait.ge [sflag:s24], $0x2000  }
0x13b: {  	[sflag:s24] =	ssyncset.done $0x0  }
0x13c: {  	[sflag:s24] =	ssyncadd.s32 $0xFFFFE000  }
0x13d: {  	[spmem:s2] =	stream.indirect.scatter.add.f32 [tilespmem:s29], [sflag:$0x1], $0x40, s31, s28, $0xb8;
	[tilespmem:$0x16C00] =	vst v63  }
0x13e: {  	_ =	swait.ge [sflag:s24], $0x2000  }
0x13f: {  	[sflag:s24] =	ssyncset.done $0x0  }
0x140: {  	[sflag:s24] =	ssyncadd.s32 $0xFFFFE000  }
0x141: {  	[tilespmem:s29], [sflag:$0x1] =	stream.indirect.gather [spmem:s3], $0x40, s0, s28, $0xb8;
	[tilespmem:$0x16C00] =	vst v63  }
0x142: {  	_ =	swait.ge [sflag:s24], $0x2000  }
0x143: {  	[sflag:s24] =	ssyncset.done $0x0  }
0x144: {  	[sflag:s24] =	ssyncadd.s32 $0xFFFFE000  }
0x145: {  	[spmem:s2] =	stream.indirect.scatter.add.f32 [tilespmem:s29], [sflag:$0x1], $0x40, s1, s28, $0xb8;
	[tilespmem:$0x16C00] =	vst v63  }
0x146: {  	_ =	swait.ge [sflag:s24], $0x2000  }
0x147: {  	[sflag:s24] =	ssyncset.done $0x0  }
0x148: {  	[sflag:s24] =	ssyncadd.s32 $0xFFFFE000  }
0x149: {  	[tilespmem:s29], [sflag:$0x1] =	stream.indirect.gather [spmem:s3], $0x40, s5, s28, $0xb8;
	[tilespmem:$0x16C00] =	vst v63  }
0x14a: {  	_ =	swait.ge [sflag:s24], $0x2000  }
0x14b: {  	[sflag:s24] =	ssyncset.done $0x0  }
0x14c: {  	[sflag:s24] =	ssyncadd.s32 $0xFFFFE000  }
0x14d: {  	[spmem:s2] =	stream.indirect.scatter.add.f32 [tilespmem:s29], [sflag:$0x1], $0x40, s6, s28, $0xb8;
	[tilespmem:$0x16C00] =	vst v63  }
0x14e: {  	_ =	swait.ge [sflag:s24], $0x2000  }
0x14f: {  	[sflag:s24] =	ssyncset.done $0x0  }
0x150: {  	[sflag:s24] =	ssyncadd.s32 $0xFFFFE000  }
0x151: {  	[tilespmem:s29], [sflag:$0x1] =	stream.indirect.gather [spmem:s3], $0x40, s7, s28, $0xb8;
	[tilespmem:$0x16C00] =	vst v63  }
0x152: {  	_ =	swait.ge [sflag:s24], $0x2000  }
0x153: {  	[sflag:s24] =	ssyncset.done $0x0  }
0x154: {  	[sflag:s24] =	ssyncadd.s32 $0xFFFFE000  }
0x155: {  	[spmem:s2] =	stream.indirect.scatter.add.f32 [tilespmem:s29], [sflag:$0x1], $0x40, s8, s28, $0xb8;
	[tilespmem:$0x16C00] =	vst v63  }
0x156: {  	_ =	swait.ge [sflag:s24], $0x2000  }
0x157: {  	[sflag:s24] =	ssyncset.done $0x0  }
0x158: {  	[sflag:s24] =	ssyncadd.s32 $0xFFFFE000  }
0x159: {  	[tilespmem:s29], [sflag:$0x1] =	stream.indirect.gather [spmem:s3], $0x40, s9, s28, $0xb8;
	[tilespmem:$0x16C00] =	vst v63  }
0x15a: {  	_ =	swait.ge [sflag:s24], $0x2000  }
0x15b: {  	[sflag:s24] =	ssyncset.done $0x0  }
0x15c: {  	[sflag:s24] =	ssyncadd.s32 $0xFFFFE000  }
0x15d: {  	[spmem:s2] =	stream.indirect.scatter.add.f32 [tilespmem:s29], [sflag:$0x1], $0x40, s10, s28, $0xb8;
	[tilespmem:$0x16C00] =	vst v63  }
0x15e: {  	_ =	swait.ge [sflag:s24], $0x2000  }
0x15f: {  	[sflag:s24] =	ssyncset.done $0x0  }
0x160: {  	[sflag:s24] =	ssyncadd.s32 $0xFFFFE000  }
0x161: {  	[tilespmem:s29], [sflag:$0x1] =	stream.indirect.gather [spmem:s3], $0x40, s11, s28, $0xb8;
	[tilespmem:$0x16C00] =	vst v63  }
0x162: {  	_ =	swait.ge [sflag:s24], $0x2000  }
0x163: {  	[sflag:s24] =	ssyncset.done $0x0  }
0x164: {  	[sflag:s24] =	ssyncadd.s32 $0xFFFFE000  }
0x165: {  	[spmem:s2] =	stream.indirect.scatter.add.f32 [tilespmem:s29], [sflag:$0x1], $0x40, s12, s28, $0xb8;
	[tilespmem:$0x16C00] =	vst v63  }
0x166: {  	_ =	swait.ge [sflag:s24], $0x2000  }
0x167: {  	[sflag:s24] =	ssyncset.done $0x0  }
0x168: {  	[sflag:s24] =	ssyncadd.s32 $0xFFFFE000  }
0x169: {  	[tilespmem:s29], [sflag:$0x1] =	stream.indirect.gather [spmem:s3], $0x40, s13, s28, $0xb8;
	[tilespmem:$0x16C00] =	vst v63  }
0x16a: {  	_ =	swait.ge [sflag:s24], $0x2000  }
0x16b: {  	[sflag:s24] =	ssyncset.done $0x0  }
0x16c: {  	[sflag:s24] =	ssyncadd.s32 $0xFFFFE000  }
0x16d: {  	[spmem:s2] =	stream.indirect.scatter.add.f32 [tilespmem:s29], [sflag:$0x1], $0x40, s14, s28, $0xb8;
	[tilespmem:$0x16C00] =	vst v63  }
0x16e: {  	_ =	swait.ge [sflag:s24], $0x2000  }
0x16f: {  	s18 =	simm.s32 $0x80;
	s19 =	simm.s32 $0x100;
	[sflag:s24] =	ssyncset.done $0x0  }
.LBB2_2:
0x170: {  	s17 =	sadd.s32 s18, s21  }
0x171: {  	[sflag:s24] =	ssyncadd.s32 $0xFFFFE000;
	s16 =	smov.u32 s19;
	s22 =	sadd.s32 $0x80, s19  }
0x172: {  	[tilespmem:s25], [sflag:$0x1] =	stream.linear.gather [hbm4b:s17+s4], $0x400, $0x38;
	[tilespmem:$0x16C00] =	vst v63  }
0x173: {  	p0 =	sne.s32 s19, $0x980;
	_ =	swait.ge [sflag:s24], $0x400  }
0x174: {  	[sflag:s24] =	ssyncset.done $0x0  }
0x175: {  	s17 =	sadd.s32 s18, s20;
	s18 =	smov.u32 s16;
	[sflag:s24] =	ssyncadd.s32 $0xFFFFFC00  }
0x176: {  	[tilespmem:s26], [sflag:$0x1] =	stream.linear.gather [hbm4b:s17+s4], $0x400, $0x38;
	[tilespmem:$0x16C00] =	vst v63  }
0x177: {  	_ =	swait.ge [sflag:s24], $0x400  }
0x178: {  	[sflag:s24] =	ssyncset.done $0x0  }
0x179: {  	[sflag:s24] =	ssyncadd.s32 $0xFFFFFC00  }
0x17a: {  	[tilespmem:s29], [sflag:$0x1] =	stream.indirect.gather [spmem:s3], $0x40, s26, s28, $0xb8;
	[tilespmem:$0x16C00] =	vst v63  }
0x17b: {  	_ =	swait.ge [sflag:s24], $0x2000  }
0x17c: {  	[sflag:s24] =	ssyncset.done $0x0  }
0x17d: {  	[sflag:s24] =	ssyncadd.s32 $0xFFFFE000  }
0x17e: {  	[spmem:s2] =	stream.indirect.scatter.add.f32 [tilespmem:s29], [sflag:$0x1], $0x40, s25, s28, $0xb8;
	[tilespmem:$0x16C00] =	vst v63  }
0x17f: {  	_ =	swait.ge [sflag:s24], $0x2000  }
0x180: {  	[sflag:s24] =	ssyncset.done $0x0  }
0x181: {  	[sflag:s24] =	ssyncadd.s32 $0xFFFFE000  }
0x182: {  	[tilespmem:s29], [sflag:$0x1] =	stream.indirect.gather [spmem:s3], $0x40, s30, s28, $0xb8;
	[tilespmem:$0x16C00] =	vst v63  }
0x183: {  	_ =	swait.ge [sflag:s24], $0x2000  }
0x184: {  	[sflag:s24] =	ssyncset.done $0x0  }
0x185: {  	[sflag:s24] =	ssyncadd.s32 $0xFFFFE000  }
0x186: {  	[spmem:s2] =	stream.indirect.scatter.add.f32 [tilespmem:s29], [sflag:$0x1], $0x40, s31, s28, $0xb8;
	[tilespmem:$0x16C00] =	vst v63  }
0x187: {  	_ =	swait.ge [sflag:s24], $0x2000  }
0x188: {  	[sflag:s24] =	ssyncset.done $0x0  }
0x189: {  	[sflag:s24] =	ssyncadd.s32 $0xFFFFE000  }
0x18a: {  	[tilespmem:s29], [sflag:$0x1] =	stream.indirect.gather [spmem:s3], $0x40, s0, s28, $0xb8;
	[tilespmem:$0x16C00] =	vst v63  }
0x18b: {  	_ =	swait.ge [sflag:s24], $0x2000  }
0x18c: {  	[sflag:s24] =	ssyncset.done $0x0  }
0x18d: {  	[sflag:s24] =	ssyncadd.s32 $0xFFFFE000  }
0x18e: {  	[spmem:s2] =	stream.indirect.scatter.add.f32 [tilespmem:s29], [sflag:$0x1], $0x40, s1, s28, $0xb8;
	[tilespmem:$0x16C00] =	vst v63  }
0x18f: {  	_ =	swait.ge [sflag:s24], $0x2000  }
0x190: {  	[sflag:s24] =	ssyncset.done $0x0  }
0x191: {  	[sflag:s24] =	ssyncadd.s32 $0xFFFFE000  }
0x192: {  	[tilespmem:s29], [sflag:$0x1] =	stream.indirect.gather [spmem:s3], $0x40, s5, s28, $0xb8;
	[tilespmem:$0x16C00] =	vst v63  }
0x193: {  	_ =	swait.ge [sflag:s24], $0x2000  }
0x194: {  	[sflag:s24] =	ssyncset.done $0x0  }
0x195: {  	[sflag:s24] =	ssyncadd.s32 $0xFFFFE000  }
0x196: {  	[spmem:s2] =	stream.indirect.scatter.add.f32 [tilespmem:s29], [sflag:$0x1], $0x40, s6, s28, $0xb8;
	[tilespmem:$0x16C00] =	vst v63  }
0x197: {  	_ =	swait.ge [sflag:s24], $0x2000  }
0x198: {  	[sflag:s24] =	ssyncset.done $0x0  }
0x199: {  	[sflag:s24] =	ssyncadd.s32 $0xFFFFE000  }
0x19a: {  	[tilespmem:s29], [sflag:$0x1] =	stream.indirect.gather [spmem:s3], $0x40, s7, s28, $0xb8;
	[tilespmem:$0x16C00] =	vst v63  }
0x19b: {  	_ =	swait.ge [sflag:s24], $0x2000  }
0x19c: {  	[sflag:s24] =	ssyncset.done $0x0  }
0x19d: {  	[sflag:s24] =	ssyncadd.s32 $0xFFFFE000  }
0x19e: {  	[spmem:s2] =	stream.indirect.scatter.add.f32 [tilespmem:s29], [sflag:$0x1], $0x40, s8, s28, $0xb8;
	[tilespmem:$0x16C00] =	vst v63  }
0x19f: {  	_ =	swait.ge [sflag:s24], $0x2000  }
0x1a0: {  	[sflag:s24] =	ssyncset.done $0x0  }
0x1a1: {  	[sflag:s24] =	ssyncadd.s32 $0xFFFFE000  }
0x1a2: {  	[tilespmem:s29], [sflag:$0x1] =	stream.indirect.gather [spmem:s3], $0x40, s9, s28, $0xb8;
	[tilespmem:$0x16C00] =	vst v63  }
0x1a3: {  	_ =	swait.ge [sflag:s24], $0x2000  }
0x1a4: {  	[sflag:s24] =	ssyncset.done $0x0  }
0x1a5: {  	[sflag:s24] =	ssyncadd.s32 $0xFFFFE000  }
0x1a6: {  	[spmem:s2] =	stream.indirect.scatter.add.f32 [tilespmem:s29], [sflag:$0x1], $0x40, s10, s28, $0xb8;
	[tilespmem:$0x16C00] =	vst v63  }
0x1a7: {  	_ =	swait.ge [sflag:s24], $0x2000  }
0x1a8: {  	[sflag:s24] =	ssyncset.done $0x0  }
0x1a9: {  	[sflag:s24] =	ssyncadd.s32 $0xFFFFE000  }
0x1aa: {  	[tilespmem:s29], [sflag:$0x1] =	stream.indirect.gather [spmem:s3], $0x40, s11, s28, $0xb8;
	[tilespmem:$0x16C00] =	vst v63  }
0x1ab: {  	_ =	swait.ge [sflag:s24], $0x2000  }
0x1ac: {  	[sflag:s24] =	ssyncset.done $0x0  }
0x1ad: {  	[sflag:s24] =	ssyncadd.s32 $0xFFFFE000  }
0x1ae: {  	[spmem:s2] =	stream.indirect.scatter.add.f32 [tilespmem:s29], [sflag:$0x1], $0x40, s12, s28, $0xb8;
	[tilespmem:$0x16C00] =	vst v63  }
0x1af: {  	_ =	swait.ge [sflag:s24], $0x2000  }
0x1b0: {  	[sflag:s24] =	ssyncset.done $0x0  }
0x1b1: {  	[sflag:s24] =	ssyncadd.s32 $0xFFFFE000  }
0x1b2: {  	[tilespmem:s29], [sflag:$0x1] =	stream.indirect.gather [spmem:s3], $0x40, s13, s28, $0xb8;
	[tilespmem:$0x16C00] =	vst v63  }
0x1b3: {  	_ =	swait.ge [sflag:s24], $0x2000  }
.Ltmp0:
0x1b4: {  	[sflag:s24] =	ssyncset.done $0x0;
	(pc) =	sbr.rel @p0 .LBB2_2-.Ltmp0, $4  }
0x1b5: {  	[sflag:s24] =	ssyncadd.s32 $0xFFFFE000  }
0x1b6: {  	[spmem:s2] =	stream.indirect.scatter.add.f32 [tilespmem:s29], [sflag:$0x1], $0x40, s14, s28, $0xb8;
	[tilespmem:$0x16C00] =	vst v63  }
0x1b7: {  	_ =	swait.ge [sflag:s24], $0x2000  }
0x1b8: {  	s19 =	smov.u32 s22;
	[sflag:s24] =	ssyncset.done $0x0  }
0x1b9: {  	s16 =	sadd.s32 s18, s21;
	[sflag:s24] =	ssyncadd.s32 $0xFFFFE000  }
0x1ba: {  	[tilespmem:s25], [sflag:$0x1] =	stream.linear.gather [hbm4b:s16+s4], $0x400, $0x38;
	[tilespmem:$0x16C00] =	vst v63  }
0x1bb: {  	_ =	swait.ge [sflag:s24], $0x400  }
0x1bc: {  	[sflag:s24] =	ssyncset.done $0x0  }
0x1bd: {  	s17 =	sadd.s32 s18, s20;
	[sflag:s24] =	ssyncadd.s32 $0xFFFFFC00  }
0x1be: {  	[tilespmem:s26], [sflag:$0x1] =	stream.linear.gather [hbm4b:s17+s4], $0x400, $0x38;
	[tilespmem:$0x16C00] =	vst v63  }
0x1bf: {  	_ =	swait.ge [sflag:s24], $0x400  }
0x1c0: {  	[sflag:s24] =	ssyncset.done $0x0  }
0x1c1: {  	[sflag:s24] =	ssyncadd.s32 $0xFFFFFC00  }
0x1c2: {  	[tilespmem:s29], [sflag:$0x1] =	stream.indirect.gather [spmem:s3], $0x40, s26, s28, $0xb8;
	[tilespmem:$0x16C00] =	vst v63  }
0x1c3: {  	_ =	swait.ge [sflag:s24], $0x2000  }
0x1c4: {  	[sflag:s24] =	ssyncset.done $0x0  }
0x1c5: {  	[sflag:s24] =	ssyncadd.s32 $0xFFFFE000  }
0x1c6: {  	[spmem:s2] =	stream.indirect.scatter.add.f32 [tilespmem:s29], [sflag:$0x1], $0x40, s25, s28, $0xb8;
	[tilespmem:$0x16C00] =	vst v63  }
0x1c7: {  	_ =	swait.ge [sflag:s24], $0x2000  }
0x1c8: {  	[sflag:s24] =	ssyncset.done $0x0  }
0x1c9: {  	[sflag:s24] =	ssyncadd.s32 $0xFFFFE000  }
0x1ca: {  	[tilespmem:s29], [sflag:$0x1] =	stream.indirect.gather [spmem:s3], $0x40, s30, s28, $0xb8;
	[tilespmem:$0x16C00] =	vst v63  }
0x1cb: {  	_ =	swait.ge [sflag:s24], $0x2000  }
0x1cc: {  	[sflag:s24] =	ssyncset.done $0x0  }
0x1cd: {  	[sflag:s24] =	ssyncadd.s32 $0xFFFFE000  }
0x1ce: {  	[spmem:s2] =	stream.indirect.scatter.add.f32 [tilespmem:s29], [sflag:$0x1], $0x40, s31, s28, $0xb8;
	[tilespmem:$0x16C00] =	vst v63  }
0x1cf: {  	_ =	swait.ge [sflag:s24], $0x2000  }
0x1d0: {  	[sflag:s24] =	ssyncset.done $0x0  }
0x1d1: {  	[sflag:s24] =	ssyncadd.s32 $0xFFFFE000  }
0x1d2: {  	[tilespmem:s29], [sflag:$0x1] =	stream.indirect.gather [spmem:s3], $0x40, s0, s28, $0xb8;
	[tilespmem:$0x16C00] =	vst v63  }
0x1d3: {  	_ =	swait.ge [sflag:s24], $0x2000  }
0x1d4: {  	[sflag:s24] =	ssyncset.done $0x0  }
0x1d5: {  	[sflag:s24] =	ssyncadd.s32 $0xFFFFE000  }
0x1d6: {  	[spmem:s2] =	stream.indirect.scatter.add.f32 [tilespmem:s29], [sflag:$0x1], $0x40, s1, s28, $0xb8;
	[tilespmem:$0x16C00] =	vst v63  }
0x1d7: {  	_ =	swait.ge [sflag:s24], $0x2000  }
0x1d8: {  	[sflag:s24] =	ssyncset.done $0x0  }
0x1d9: {  	[sflag:s24] =	ssyncadd.s32 $0xFFFFE000  }
0x1da: {  	[tilespmem:s29], [sflag:$0x1] =	stream.indirect.gather [spmem:s3], $0x40, s5, s28, $0xb8;
	[tilespmem:$0x16C00] =	vst v63  }
0x1db: {  	_ =	swait.ge [sflag:s24], $0x2000  }
0x1dc: {  	[sflag:s24] =	ssyncset.done $0x0  }
0x1dd: {  	[sflag:s24] =	ssyncadd.s32 $0xFFFFE000  }
0x1de: {  	[spmem:s2] =	stream.indirect.scatter.add.f32 [tilespmem:s29], [sflag:$0x1], $0x40, s6, s28, $0xb8;
	[tilespmem:$0x16C00] =	vst v63  }
0x1df: {  	_ =	swait.ge [sflag:s24], $0x2000  }
0x1e0: {  	[sflag:s24] =	ssyncset.done $0x0  }
0x1e1: {  	[sflag:s24] =	ssyncadd.s32 $0xFFFFE000  }
0x1e2: {  	[tilespmem:s29], [sflag:$0x1] =	stream.indirect.gather [spmem:s3], $0x40, s7, s28, $0xb8;
	[tilespmem:$0x16C00] =	vst v63  }
0x1e3: {  	_ =	swait.ge [sflag:s24], $0x2000  }
0x1e4: {  	[sflag:s24] =	ssyncset.done $0x0  }
0x1e5: {  	[sflag:s24] =	ssyncadd.s32 $0xFFFFE000  }
0x1e6: {  	[spmem:s2] =	stream.indirect.scatter.add.f32 [tilespmem:s29], [sflag:$0x1], $0x40, s8, s28, $0xb8;
	[tilespmem:$0x16C00] =	vst v63  }
0x1e7: {  	_ =	swait.ge [sflag:s24], $0x2000  }
0x1e8: {  	[sflag:s24] =	ssyncset.done $0x0  }
0x1e9: {  	[sflag:s24] =	ssyncadd.s32 $0xFFFFE000  }
0x1ea: {  	[tilespmem:s29], [sflag:$0x1] =	stream.indirect.gather [spmem:s3], $0x40, s9, s28, $0xb8;
	[tilespmem:$0x16C00] =	vst v63  }
0x1eb: {  	_ =	swait.ge [sflag:s24], $0x2000  }
0x1ec: {  	[sflag:s24] =	ssyncset.done $0x0  }
0x1ed: {  	[sflag:s24] =	ssyncadd.s32 $0xFFFFE000  }
0x1ee: {  	[spmem:s2] =	stream.indirect.scatter.add.f32 [tilespmem:s29], [sflag:$0x1], $0x40, s10, s28, $0xb8;
	[tilespmem:$0x16C00] =	vst v63  }
0x1ef: {  	_ =	swait.ge [sflag:s24], $0x2000  }
0x1f0: {  	[sflag:s24] =	ssyncset.done $0x0  }
0x1f1: {  	[sflag:s24] =	ssyncadd.s32 $0xFFFFE000  }
0x1f2: {  	[tilespmem:s29], [sflag:$0x1] =	stream.indirect.gather [spmem:s3], $0x40, s11, s28, $0xb8;
	[tilespmem:$0x16C00] =	vst v63  }
0x1f3: {  	_ =	swait.ge [sflag:s24], $0x2000  }
0x1f4: {  	[sflag:s24] =	ssyncset.done $0x0  }
0x1f5: {  	[sflag:s24] =	ssyncadd.s32 $0xFFFFE000  }
0x1f6: {  	[spmem:s2] =	stream.indirect.scatter.add.f32 [tilespmem:s29], [sflag:$0x1], $0x40, s12, s28, $0xb8;
	[tilespmem:$0x16C00] =	vst v63  }
0x1f7: {  	_ =	swait.ge [sflag:s24], $0x2000  }
0x1f8: {  	[sflag:s24] =	ssyncset.done $0x0  }
0x1f9: {  	[sflag:s24] =	ssyncadd.s32 $0xFFFFE000  }
0x1fa: {  	[tilespmem:s29], [sflag:$0x1] =	stream.indirect.gather [spmem:s3], $0x40, s13, s28, $0xb8;
	[tilespmem:$0x16C00] =	vst v63  }
0x1fb: {  	_ =	swait.ge [sflag:s24], $0x2000  }
0x1fc: {  	[sflag:s24] =	ssyncset.done $0x0  }
0x1fd: {  	[sflag:s24] =	ssyncadd.s32 $0xFFFFE000  }
0x1fe: {  	[spmem:s2] =	stream.indirect.scatter.add.f32 [tilespmem:s29], [sflag:$0x1], $0x40, s14, s28, $0xb8;
	[tilespmem:$0x16C00] =	vst v63  }
0x1ff: {  	_ =	swait.ge [sflag:s24], $0x2000  }
0x200: {  	[sflag:s24] =	ssyncset.done $0x0  }
0x201: {  	[sflag:s24] =	ssyncadd.s32 $0xFFFFE000  }
0x202: {  	[bflag:$0x0] =	sbarrier.arrive $0xFFFF  }
0x203: {  	s17 =	sld [smem:$0x7FD]  }
0x204: {  	s22 =	sld [smem:$0x7FA]  }
0x205: {  	s19 =	sld [smem:$0x7EC];
	_ =	sdelay $0x1  }
0x206: {  	s18 =	sshrl.u32 s17, $0x3  }
0x207: {  	[hbm:s22], [sflag:s19] =	dma.local [spmem:s18], $0x1400  }
0x208: {  	_ =	swait.ge [sflag:s24], $0x1400  }
0x209: {  	s22 =	sld [smem:$0x7FB];
	_ =	sdelay $0x1  }
0x20a: {  	s15 =	sadd.s32 $0x1, s15  }
0x20b: {  	p0 =	sne.s32 s15, s22  }
.Ltmp1:
0x20c: {  	_ = 	snop;
	(pc) =	sbr.rel @p0 .LBB2_1-.Ltmp1, $3  }
0x20d: {  	_ =	sdelay $0x1  }
0x20e: {  	[sflag:s24] =	ssyncset.done $0x0  }
0x20f: {  	[sflag:s24] =	ssyncadd.s32 $0xFFFFEC00  }
0x210: {  	_ =	sfence.sel $0x180000  }
0x211: {  	[bflag:$0x0] =	sbarrier.arrive $0xFFFF  }
0x212: {  	_ =	strace $0x9000004A  }
0x213: {  	s0 =	stileid.u32;
	[bflag:$0x2] =	sbarrier.arrive $0xFFFF  }
0x214: {  	p0 =	sne.s32 s0, $0x0;
	s0 =	rddreg [dreg:$0x4]  }
0x215: {  	s0 =	sadd.s32 @!p0 $0x100000, s0  }
0x216: {  	[sflag:s0] =	ssyncadd.tile.s32 @!p0 $0x1;
	_ =	shalt  }
.Lfunc_end2:
_tile_overlayer_lowered:
.L_overlay_start_2:
0x217: {  	(tag) =	ssettag $0x2  }
0x218: {  	s0 =	rddreg [dreg:$0x0];
	s2 =	stileid.u32  }
0x219: {  	s1 =	rddreg [dreg:$0x1];
	p0 =	sne.s32 s2, $0x0  }
0x21a: {  	s3 =	rddreg [dreg:$0x2];
	[bflag:$0x3] =	sbarrier.arrive $0xFFFF;
	s2 =	simm.s32 @!p0 $0x1C01  }
0x21b: {  	[timem:s3], [sflag:s2] =	dma.local @!p0 [hbm:s0], s1  }
0x21c: {  	s0 =	simm.s32 @!p0 $0x1  }
0x21d: {  	_ =	swait.ge @!p0 [sflag:s0], s1  }
0x21e: {  	s1 =	ssub.s32 @!p0 $0x0, s1;
	[sflag:s0] =	ssyncset.done @!p0 $0x0  }
0x21f: {  	[sflag:s0] =	ssyncadd.s32 @!p0 s1  }
0x220: {  	[bflag:$0x3] =	sbarrier.arrive $0xFFFF  }
0x221: {  	_ =	shalt  }

</sc_bundles>
